<compile_context>
chip_gen: v7x
topology: tpu7x:2x2x1
jax: 0.10.2.dev20260603
libtpu: 0.0.44.dev20260713+nightly
codegen_flags: <defaults>
</compile_context>

<pallas_src>
import jax
import jax.numpy as jnp
from jax import lax
from jax.experimental import pallas as pl
from jax.experimental.pallas import tpu as pltpu
from jax.experimental.pallas import tpu_sc as plsc

B = 2
H = 128
W = 128
FACTOR = 2
Hp = H // FACTOR
Wp = W // FACTOR
D = 128
V = 20000
T = 10
CP = 4
O = 64
NUM_CLASSES = 10

NODES = B * Hp * Wp
VP = 20480
N_CORES = 2
N_SUB = 16
VOX_PER_TILE = VP // (N_CORES * N_SUB)
CHUNK = 128
N_CHUNKS = VOX_PER_TILE // CHUNK
CANVAS_ROWS = NODES + 128
ZROWS = CANVAS_ROWS // N_SUB
OUT_PER_TILE = NODES // N_SUB
DUMMY_IDX = NODES

READER_ROWS = 10240
GRID2 = 4
ROWS2 = NODES // GRID2
CMEAN = (Wp - 1) * FACTOR / 2.0


def _reader_body(vox_ref, wbig_ref, vf_ref):
    va = vox_ref[...]
    npv = va[:, T * CP:T * CP + 1]
    t_f = (lax.broadcasted_iota(jnp.int32, (READER_ROWS, T * CP), 1)
           // CP).astype(jnp.float32)
    m = (t_f < npv).astype(jnp.float32)
    pooled = jnp.dot(va[:, 0:T * CP] * m, wbig_ref[...],
                     preferred_element_type=jnp.float32)
    vf_ref[...] = jnp.maximum(pooled / npv, 0.0)


def _sc_scatter_body(vfeat_hbm, coords_hbm, zeros_hbm, out_hbm,
                     idx_vs, crec, rows2, canvas,
                     sem_z, sem_c, sem_r0, sem_r1):
    c = lax.axis_index("c")
    s = lax.axis_index("s")
    vbase = c * (N_SUB * VOX_PER_TILE) + s * VOX_PER_TILE
    zh = pltpu.async_copy(zeros_hbm, canvas.at[pl.ds(s * ZROWS, ZROWS)],
                          sem_z)
    ch = pltpu.async_copy(coords_hbm.at[pl.ds(vbase * 3, VOX_PER_TILE * 3)],
                          crec, sem_c)
    rsem = [sem_r0, sem_r1]
    rhs = [None, None]
    rhs[0] = pltpu.async_copy(vfeat_hbm.at[pl.ds(vbase, CHUNK)],
                              rows2.at[0], sem_r0)
    ch.wait()
    lanes = lax.broadcasted_iota(jnp.int32, (16,), 0)
    for k in range(VOX_PER_TILE // 16):
        pos = (k * 16 + lanes) * 3
        cb = plsc.load_gather(crec, [pos])
        cy = plsc.load_gather(crec, [pos + 1])
        cx = plsc.load_gather(crec, [pos + 2])
        idx = (cb * (Hp * Wp)
               + lax.shift_right_logical(cy, 1) * Wp
               + lax.shift_right_logical(cx, 1))
        idx_vs[k // 8][pl.ds((k % 8) * 16, 16)] = idx
    zh.wait()
    plsc.subcore_barrier()
    for j in range(N_CHUNKS):
        nxt = j + 1
        if nxt < N_CHUNKS:
            rhs[nxt % 2] = pltpu.async_copy(
                vfeat_hbm.at[pl.ds(vbase + nxt * CHUNK, CHUNK)],
                rows2.at[nxt % 2], rsem[nxt % 2])
        rhs[j % 2].wait()
        pltpu.sync_copy(rows2.at[j % 2], canvas.at[idx_vs[j]], add=True)
    plsc.subcore_barrier()
    pltpu.sync_copy(canvas.at[pl.ds(s * OUT_PER_TILE, OUT_PER_TILE)],
                    out_hbm.at[c, pl.ds(s * OUT_PER_TILE, OUT_PER_TILE)])


def _neck_body(p_ref, obj_ref, wn_ref, wb_ref, wp_ref,
               ws_ref, wm_ref, x1_ref, x2_ref,
               s1, wpm, stb, stx, sty, x2s):
    i = pl.program_id(0)
    b = i // (GRID2 // B)

    @pl.when(i == 0)
    def _init():
        wm = wm_ref[...]
        wpmv = jnp.dot(wp_ref[...], wm, preferred_element_type=jnp.float32)
        wpm[...] = wpmv
        ob = obj_ref[...]
        labf = ob[:, 9:10]
        oh = ((lax.broadcasted_iota(jnp.int32, (O, NUM_CLASSES), 1)
               .astype(jnp.float32)) == labf).astype(jnp.float32)
        wb = wb_ref[...]
        x2 = jnp.dot(ob[:, 0:6], wb[0:6, :],
                     preferred_element_type=jnp.float32)
        x2 = x2 + jnp.dot(ob[:, 8:9], wb[6:7, :],
                          preferred_element_type=jnp.float32)
        x2 = x2 + jnp.dot(oh, wb[7:17, :],
                          preferred_element_type=jnp.float32)
        x2 = jnp.maximum(x2, 0.0)
        x2s[...] = x2
        bt = ob[:, 12:13]
        cxy = ob[:, 10:12]
        s1[...] = jnp.zeros((B, D), jnp.float32)
        for bb in range(B):
            mb = (bt == float(bb)).astype(jnp.float32)
            deg = jnp.sum(mb)
            md = jnp.maximum(deg, 1.0)
            s2 = jnp.sum(x2 * mb, axis=0, keepdims=True)
            c2 = jnp.sum(cxy * mb, axis=0, keepdims=True)
            base = (jnp.dot(s2, wm, preferred_element_type=jnp.float32)
                    - jnp.dot(c2, wpmv, preferred_element_type=jnp.float32))
            stb[bb:bb + 1, :] = base / md
            stx[bb:bb + 1, :] = (FACTOR * deg / md) * wpmv[0:1, :]
            sty[bb:bb + 1, :] = (FACTOR * deg / md) * wpmv[1:2, :]

    pv = p_ref[...]
    pooled = (pv[0] + pv[1]) * (1.0 / (FACTOR * FACTOR))
    t = jnp.maximum(jnp.dot(pooled, wn_ref[...],
                            preferred_element_type=jnp.float32), 0.0)
    s1[pl.ds(b, 1), :] += jnp.sum(t, axis=0, keepdims=True)
    r = lax.broadcasted_iota(jnp.int32, (ROWS2, 1), 0)
    xv = (r % Wp).astype(jnp.float32)
    yv = ((i % (GRID2 // B)) * (ROWS2 // Wp) + r // Wp).astype(jnp.float32)
    agg = (stb[pl.ds(b, 1), :] + xv * stx[pl.ds(b, 1), :]
           + yv * sty[pl.ds(b, 1), :])
    ob = jnp.maximum(jnp.dot(t, ws_ref[...],
                             preferred_element_type=jnp.float32) + agg, 0.0)
    x1_ref[...] = jnp.transpose(ob)[None]

    @pl.when(i == GRID2 - 1)
    def _fin():
        s1m = jnp.dot(s1[...], wm_ref[...],
                      preferred_element_type=jnp.float32) * (1.0 / (Hp * Wp))
        obf = obj_ref[...]
        bt = obf[:, 12:13]
        sel = jnp.where(bt == 0.0, s1m[0:1, :], s1m[1:2, :])
        aggo = sel + jnp.dot(obf[:, 10:12] - CMEAN, wpm[...],
                             preferred_element_type=jnp.float32)
        x2_ref[...] = jnp.maximum(
            jnp.dot(x2s[...], ws_ref[...],
                    preferred_element_type=jnp.float32) + aggo, 0.0)


def _make_sc_scatter():
    mesh = plsc.VectorSubcoreMesh(core_axis_name="c", subcore_axis_name="s",
                                  num_cores=N_CORES, num_subcores=N_SUB)
    return pl.kernel(
        _sc_scatter_body,
        out_type=jax.ShapeDtypeStruct((N_CORES, NODES, D), jnp.float32),
        mesh=mesh,
        scratch_types=[
            [pltpu.VMEM((CHUNK,), jnp.int32) for _ in range(N_CHUNKS)],
            pltpu.VMEM((VOX_PER_TILE * 3,), jnp.int32),
            pltpu.VMEM((2, CHUNK, D), jnp.float32),
            pltpu.VMEM_SHARED((CANVAS_ROWS, D), jnp.float32),
            pltpu.SemaphoreType.DMA,
            pltpu.SemaphoreType.DMA,
            pltpu.SemaphoreType.DMA,
            pltpu.SemaphoreType.DMA,
        ],
        compiler_params=pltpu.CompilerParams(needs_layout_passes=False),
    )


def kernel(voxels, num_points, coordinates, boxes, labels, obj_coord,
           W_reader, W_neck, W_box, W_pos, W_self, W_msg):
    vox41 = jnp.concatenate(
        [voxels.reshape(V, T * CP),
         num_points.astype(jnp.float32).reshape(V, 1)], axis=1)
    wbig = jnp.tile(W_reader, (T, 1))
    cpad = jnp.broadcast_to(jnp.array([[B, 0, 0]], jnp.int32), (VP - V, 3))
    coords_flat = jnp.concatenate([coordinates, cpad], axis=0).reshape(VP * 3)
    obj16 = jnp.concatenate(
        [boxes, labels.astype(jnp.float32).reshape(O, 1),
         obj_coord, jnp.zeros((O, 3), jnp.float32)], axis=1)

    grid1 = VP // READER_ROWS
    vfeat = pl.pallas_call(
        _reader_body,
        grid=(grid1,),
        in_specs=[
            pl.BlockSpec((READER_ROWS, T * CP + 1), lambda i: (i, 0)),
            pl.BlockSpec((T * CP, D), lambda i: (0, 0)),
        ],
        out_specs=pl.BlockSpec((READER_ROWS, D), lambda i: (i, 0)),
        out_shape=jax.ShapeDtypeStruct((VP, D), jnp.float32),
    )(vox41, wbig)

    zeros_hbm = jnp.zeros((ZROWS, D), jnp.float32)
    partials = _make_sc_scatter()(vfeat, coords_flat, zeros_hbm)

    x1f, x2_out = pl.pallas_call(
        _neck_body,
        grid=(GRID2,),
        in_specs=[
            pl.BlockSpec((B, ROWS2, D), lambda i: (0, i, 0)),
            pl.BlockSpec((O, 16), lambda i: (0, 0)),
            pl.BlockSpec((D, D), lambda i: (0, 0)),
            pl.BlockSpec((7 + NUM_CLASSES, D), lambda i: (0, 0)),
            pl.BlockSpec((2, D), lambda i: (0, 0)),
            pl.BlockSpec((D, D), lambda i: (0, 0)),
            pl.BlockSpec((D, D), lambda i: (0, 0)),
        ],
        out_specs=[
            pl.BlockSpec((1, D, ROWS2),
                         lambda i: (i // (GRID2 // B), 0, i % (GRID2 // B))),
            pl.BlockSpec((O, D), lambda i: (0, 0)),
        ],
        out_shape=[
            jax.ShapeDtypeStruct((B, D, NODES // B), jnp.float32),
            jax.ShapeDtypeStruct((O, D), jnp.float32),
        ],
        scratch_shapes=[
            pltpu.VMEM((B, D), jnp.float32),
            pltpu.VMEM((2, D), jnp.float32),
            pltpu.VMEM((B, D), jnp.float32),
            pltpu.VMEM((B, D), jnp.float32),
            pltpu.VMEM((B, D), jnp.float32),
            pltpu.VMEM((O, D), jnp.float32),
        ],
    )(partials, obj16, W_neck, W_box, W_pos, W_self, W_msg)

    x1_out = x1f.reshape(B, D, Hp, Wp)
    x3_out = jnp.zeros((0, D), jnp.float32)
    return (x1_out, x2_out, x3_out)

# --- scband reference (transcript-rebuilt; emitter-appended) ---
"""Pipeline reference for scband-composer-backbone-90134183674401 (READ-ONLY COPY).

The authoritative reference and input builder live on the scoring server;
editing this copy changes nothing except your own understanding.
"""

import jax, jax.numpy as jnp
import numpy as np

B = 2
H = 128
W = 128
FACTOR = 2
Hp = H // FACTOR
Wp = W // FACTOR
D = 128
V = 20000
T = 10
CP = 4
O = 64
NUM_CLASSES = 10


def setup_inputs(seed: int = 0) -> dict:
    key = jax.random.key(seed)
    ks = jax.random.split(key, 16)
    voxels = jax.random.normal(ks[0], (V, T, CP), dtype=jnp.float32)
    num_points = jax.random.randint(ks[1], (V,), 1, T + 1, dtype=jnp.int32)
    coor_b = jax.random.randint(ks[2], (V, 1), 0, B, dtype=jnp.int32)
    coor_y = jax.random.randint(ks[3], (V, 1), 0, H, dtype=jnp.int32)
    coor_x = jax.random.randint(ks[4], (V, 1), 0, W, dtype=jnp.int32)
    coordinates = jnp.concatenate([coor_b, coor_y, coor_x], axis=1)
    boxes = jax.random.normal(ks[5], (O, 9), dtype=jnp.float32)
    labels = jax.random.randint(ks[6], (O,), 0, NUM_CLASSES, dtype=jnp.int32)
    obj_xy = jax.random.randint(ks[7], (O, 2), 0, Wp, dtype=jnp.int32).astype(jnp.float32) * FACTOR
    obj_b = jax.random.randint(ks[8], (O, 1), 0, B, dtype=jnp.int32).astype(jnp.float32)
    obj_coord = jnp.concatenate([obj_xy, obj_b], axis=1)
    W_reader = jax.random.normal(ks[9], (CP, D), dtype=jnp.float32) * 0.1
    W_neck = jax.random.normal(ks[10], (D, D), dtype=jnp.float32) * (1.0 / np.sqrt(D))
    W_box = jax.random.normal(ks[11], (7 + NUM_CLASSES, D), dtype=jnp.float32) * 0.1
    W_pos = jax.random.normal(ks[12], (2, D), dtype=jnp.float32) * 0.01
    W_self = jax.random.normal(ks[13], (D, D), dtype=jnp.float32) * (1.0 / np.sqrt(D))
    W_msg = jax.random.normal(ks[14], (D, D), dtype=jnp.float32) * (1.0 / np.sqrt(D))
    return {"voxels": voxels, "num_points": num_points, "coordinates": coordinates,
            "boxes": boxes, "labels": labels, "obj_coord": obj_coord,
            "W_reader": W_reader, "W_neck": W_neck, "W_box": W_box,
            "W_pos": W_pos, "W_self": W_self, "W_msg": W_msg}


def reference(voxels, num_points, coordinates, boxes, labels, obj_coord,
              W_reader, W_neck, W_box, W_pos, W_self, W_msg):
    # --- BackgroundFeatureModule: reader (masked mean + linear) ---
    mask = (jnp.arange(T)[None, :] < num_points[:, None]).astype(jnp.float32)
    pooled = (voxels * mask[:, :, None]).sum(axis=1) / num_points[:, None].astype(jnp.float32)
    vfeat = jax.nn.relu(pooled @ W_reader)  # [V, D]
    # backbone: pillar scatter-add into BEV canvas
    flat_idx = coordinates[:, 0] * (H * W) + coordinates[:, 1] * W + coordinates[:, 2]
    canvas = jnp.zeros((B * H * W, D), dtype=jnp.float32).at[flat_idx].add(vfeat)
    canvas = canvas.reshape(B, H, W, D)
    # neck: stride-2 average pool + linear + relu
    x = canvas.reshape(B, Hp, FACTOR, Wp, FACTOR, D).mean(axis=(2, 4))
    x = jax.nn.relu(x @ W_neck)            # NHWC analog of torch NCHW neck output
    x = jnp.transpose(x, (0, 2, 1, 3))     # torch x.transpose(1,3) -> [B, Wp, Hp, D]
    assert H * x.shape[2] == W * x.shape[1]
    factor = H // x.shape[1]
    bb, xi, yi = jnp.meshgrid(jnp.arange(B), jnp.arange(x.shape[1]), jnp.arange(x.shape[2]), indexing="ij")
    batch1 = bb.reshape(-1)
    coord1 = (jnp.stack([xi, yi], axis=-1).reshape(-1, 2) * factor).astype(jnp.float32)
    x1 = x.reshape(-1, x.shape[-1])
    N1 = x1.shape[0]
    # --- ObjectFeatureModule (point_gnn=None branch) ---
    labels_oh = jax.nn.one_hot(labels, NUM_CLASSES, dtype=jnp.float32)
    boxes7 = jnp.concatenate([boxes[:, :6], boxes[:, -1:]], axis=-1)
    box_attr = jnp.concatenate([boxes7, labels_oh], axis=-1)  # [O, 17]
    x2 = jax.nn.relu(box_attr @ W_box)
    batch2 = obj_coord[:, -1].astype(jnp.int32)
    coord2 = obj_coord[:, :2]
    # --- bipartite edges (bg <-> obj, same batch only) ---
    e1 = jnp.repeat(jnp.arange(N1), O)
    e2 = jnp.tile(jnp.arange(O), N1)
    keep = (batch1[e1] == batch2[e2]).astype(jnp.float32)
    e2 = e2 + N1
    # --- feat_prop GNN: gather + position-aware messages + scatter mean ---
    xall = jnp.concatenate([x1, x2], axis=0)
    call = jnp.concatenate([coord1, coord2], axis=0).astype(jnp.float32)
    src = jnp.concatenate([e1, e2])
    dst = jnp.concatenate([e2, e1])
    keepf = jnp.concatenate([keep, keep])
    rel = call[dst] - call[src]
    msgs = ((xall[src] + rel @ W_pos) @ W_msg) * keepf[:, None]
    nseg = N1 + O
    agg = jax.ops.segment_sum(msgs, dst, num_segments=nseg)
    deg = jax.ops.segment_sum(keepf, dst, num_segments=nseg)
    agg = agg / jnp.clip(deg, 1.0, None)[:, None]
    x_out = jax.nn.relu(xall @ W_self + agg)
    x1_out = x_out[:N1].reshape(B, Wp, Hp, -1)
    x1_out = jnp.transpose(x1_out, (0, 3, 2, 1))  # torch transpose(1,3): [B, C, Hp, Wp]
    x2_out = x_out[N1:]
    x3_out = x_out[N1 + O:]  # num_preds = 0 -> empty
    return (x1_out, x2_out, x3_out)

if __name__ == "__main__":
    import jax
    _d = setup_inputs()
    print(jax.jit(kernel)(*tuple(_d.values())))

</pallas_src>

<mosaic_0001>
#map = affine_map<(d0, d1) -> (0, 0)>
#map1 = affine_map<(d0, d1) -> (0)>
#map2 = affine_map<(d0, d1) -> (0, 0, 0)>
module attributes {stable_mosaic.version = 14 : i64} {
  func.func @_sc_scatter_body(%arg0: i32, %arg1: i32, %arg2: memref<20480x128xf32, #tpu.memory_space<hbm>>, %arg3: memref<61440xi32, #tpu.memory_space<hbm>>, %arg4: memref<520x128xf32, #tpu.memory_space<hbm>>, %arg5: memref<2x8192x128xf32, #tpu.memory_space<hbm>>, %arg6: memref<128xi32, #tpu.memory_space<vmem>>, %arg7: memref<128xi32, #tpu.memory_space<vmem>>, %arg8: memref<128xi32, #tpu.memory_space<vmem>>, %arg9: memref<128xi32, #tpu.memory_space<vmem>>, %arg10: memref<128xi32, #tpu.memory_space<vmem>>, %arg11: memref<1920xi32, #tpu.memory_space<vmem>>, %arg12: memref<2x128x128xf32, #tpu.memory_space<vmem>>, %arg13: memref<8320x128xf32, #tpu.memory_space<vmem_shared>>, %arg14: memref<!tpu.dma_semaphore, #tpu.memory_space<semaphore_mem>>, %arg15: memref<!tpu.dma_semaphore, #tpu.memory_space<semaphore_mem>>, %arg16: memref<!tpu.dma_semaphore, #tpu.memory_space<semaphore_mem>>, %arg17: memref<!tpu.dma_semaphore, #tpu.memory_space<semaphore_mem>>) attributes {dimension_semantics = [#tpu.dimension_semantics<core_parallel>, #tpu.dimension_semantics<subcore_parallel>], iteration_bounds = array<i64: 2, 16>, scalar_prefetch = 0 : i64, scratch_operands = 12 : i64, tpu.core_type = #tpu.core_type<sc_vector_subcore>, window_params = [{transform_indices = #map}, {transform_indices = #map1}, {transform_indices = #map}, {transform_indices = #map2}]} {
    %mul3A = arith.constant 10240 : i32
    %mul3A_0 = arith.muli %arg0, %mul3A : i32
    %mul3A_1 = arith.constant 640 : i32
    %mul3A_2 = arith.muli %arg1, %mul3A_1 : i32
    %add3A = arith.addi %mul3A_0, %mul3A_2 : i32
    %mul3A_3 = arith.constant 520 : i32
    %mul3A_4 = arith.muli %arg1, %mul3A_3 : i32
    %dma_start3A = arith.constant 0 : i32
    %dma_start3A_5 = tpu.memref_slice %arg13[%mul3A_4, %dma_start3A] : memref<8320x128xf32, #tpu.memory_space<vmem_shared>> -> memref<520x128xf32, #tpu.memory_space<vmem_shared>>
    tpu.enqueue_dma source(%arg4 : memref<520x128xf32, #tpu.memory_space<hbm>>) target(%dma_start3A_5 : memref<520x128xf32, #tpu.memory_space<vmem_shared>>) target_semaphore(%arg14 : memref<!tpu.dma_semaphore, #tpu.memory_space<semaphore_mem>>)
    %mul3A_6 = arith.constant 3 : i32
    %mul3A_7 = arith.muli %add3A, %mul3A_6 : i32
    %dma_start3A_8 = tpu.memref_slice %arg3[%mul3A_7] : memref<61440xi32, #tpu.memory_space<hbm>> -> memref<1920xi32, #tpu.memory_space<hbm>>
    %dma_start3A_9 = tpu.memref_slice %arg3[%mul3A_7] : memref<61440xi32, #tpu.memory_space<hbm>> -> memref<1920xi32, #tpu.memory_space<hbm>>
    tpu.enqueue_dma source(%dma_start3A_9 : memref<1920xi32, #tpu.memory_space<hbm>>) target(%arg11 : memref<1920xi32, #tpu.memory_space<vmem>>) target_semaphore(%arg15 : memref<!tpu.dma_semaphore, #tpu.memory_space<semaphore_mem>>)
    %dma_start3A_10 = arith.constant 0 : i32
    %dma_start3A_11 = arith.constant 0 : i32
    %dma_start3A_12 = arith.constant 0 : i32
    %dma_start3A_13 = tpu.memref_slice %arg12[%dma_start3A_10, %dma_start3A_11, %dma_start3A_12] : memref<2x128x128xf32, #tpu.memory_space<vmem>> -> memref<1x128x128xf32, #tpu.memory_space<vmem>>
    %dma_start3A_14 = tpu.memref_squeeze %dma_start3A_13 : memref<1x128x128xf32, #tpu.memory_space<vmem>> -> memref<128x128xf32, #tpu.memory_space<vmem>>
    %dma_start3A_15 = arith.constant 0 : i32
    %dma_start3A_16 = tpu.memref_slice %arg2[%add3A, %dma_start3A_15] : memref<20480x128xf32, #tpu.memory_space<hbm>> -> memref<128x128xf32, #tpu.memory_space<hbm>>
    %dma_start3A_17 = arith.constant 0 : i32
    %dma_start3A_18 = arith.constant 0 : i32
    %dma_start3A_19 = tpu.memref_slice %arg12[%dma_start3A_10, %dma_start3A_17, %dma_start3A_18] : memref<2x128x128xf32, #tpu.memory_space<vmem>> -> memref<1x128x128xf32, #tpu.memory_space<vmem>>
    %dma_start3A_20 = tpu.memref_squeeze %dma_start3A_19 : memref<1x128x128xf32, #tpu.memory_space<vmem>> -> memref<128x128xf32, #tpu.memory_space<vmem>>
    %dma_start3A_21 = arith.constant 0 : i32
    %dma_start3A_22 = tpu.memref_slice %arg2[%add3A, %dma_start3A_21] : memref<20480x128xf32, #tpu.memory_space<hbm>> -> memref<128x128xf32, #tpu.memory_space<hbm>>
    tpu.enqueue_dma source(%dma_start3A_22 : memref<128x128xf32, #tpu.memory_space<hbm>>) target(%dma_start3A_20 : memref<128x128xf32, #tpu.memory_space<vmem>>) target_semaphore(%arg16 : memref<!tpu.dma_semaphore, #tpu.memory_space<semaphore_mem>>)
    %dma_wait3A = tpu.memref_slice %arg3[%mul3A_7] : memref<61440xi32, #tpu.memory_space<hbm>> -> memref<1920xi32, #tpu.memory_space<hbm>>
    %dma_wait3A_23 = tpu.memref_slice %arg3[%mul3A_7] : memref<61440xi32, #tpu.memory_space<hbm>> -> memref<1920xi32, #tpu.memory_space<hbm>>
    tpu.wait_dma2 semaphore(%arg15 : memref<!tpu.dma_semaphore, #tpu.memory_space<semaphore_mem>>) src(%dma_wait3A_23 : memref<1920xi32, #tpu.memory_space<hbm>>) dst(%arg11 : memref<1920xi32, #tpu.memory_space<vmem>>)
    %iota3A = tpu.iota {dimensions = array<i32: 0>} : vector<16xi32>
    %add3A_24 = arith.constant 0 : i32
    %add3A_25 = vector.broadcast %add3A_24 : i32 to vector<16xi32>
    %add3A_26 = arith.addi %add3A_25, %iota3A : vector<16xi32>
    %mul3A_27 = arith.constant 3 : i32
    %mul3A_28 = vector.broadcast %mul3A_27 : i32 to vector<16xi32>
    %mul3A_29 = arith.muli %add3A_26, %mul3A_28 : vector<16xi32>
    %gather3A = tpu.vector_load_idx %arg11[%mul3A_29] : memref<1920xi32, #tpu.memory_space<vmem>>[vector<16xi32>], vector<16xi32>,
    %add3A_30 = arith.constant 1 : i32
    %add3A_31 = vector.broadcast %add3A_30 : i32 to vector<16xi32>
    %add3A_32 = arith.addi %mul3A_29, %add3A_31 : vector<16xi32>
    %gather3A_33 = tpu.vector_load_idx %arg11[%add3A_32] : memref<1920xi32, #tpu.memory_space<vmem>>[vector<16xi32>], vector<16xi32>,
    %add3A_34 = arith.constant 2 : i32
    %add3A_35 = vector.broadcast %add3A_34 : i32 to vector<16xi32>
    %add3A_36 = arith.addi %mul3A_29, %add3A_35 : vector<16xi32>
    %gather3A_37 = tpu.vector_load_idx %arg11[%add3A_36] : memref<1920xi32, #tpu.memory_space<vmem>>[vector<16xi32>], vector<16xi32>,
    %mul3A_38 = arith.constant 4096 : i32
    %mul3A_39 = vector.broadcast %mul3A_38 : i32 to vector<16xi32>
    %mul3A_40 = arith.muli %gather3A, %mul3A_39 : vector<16xi32>
    %shift_right_logical3A = arith.constant 1 : i32
    %shift_right_logical3A_41 = vector.broadcast %shift_right_logical3A : i32 to vector<16xi32>
    %shift_right_logical3A_42 = arith.shrui %gather3A_33, %shift_right_logical3A_41 : vector<16xi32>
    %mul3A_43 = arith.constant 64 : i32
    %mul3A_44 = vector.broadcast %mul3A_43 : i32 to vector<16xi32>
    %mul3A_45 = arith.muli %shift_right_logical3A_42, %mul3A_44 : vector<16xi32>
    %add3A_46 = arith.addi %mul3A_40, %mul3A_45 : vector<16xi32>
    %shift_right_logical3A_47 = arith.constant 1 : i32
    %shift_right_logical3A_48 = vector.broadcast %shift_right_logical3A_47 : i32 to vector<16xi32>
    %shift_right_logical3A_49 = arith.shrui %gather3A_37, %shift_right_logical3A_48 : vector<16xi32>
    %add3A_50 = arith.addi %add3A_46, %shift_right_logical3A_49 : vector<16xi32>
    %swap3A = arith.constant 0 : index
    %swap3A_51 = tpu.vector_load %arg6[%swap3A] {strides = array<i32>} : memref<128xi32, #tpu.memory_space<vmem>>, vector<16xi32>,
    tpu.vector_store %arg6[%swap3A], %add3A_50 {strides = array<i32>} : memref<128xi32, #tpu.memory_space<vmem>>, vector<16xi32>,
    %add3A_52 = arith.constant 16 : i32
    %add3A_53 = vector.broadcast %add3A_52 : i32 to vector<16xi32>
    %add3A_54 = arith.addi %add3A_53, %iota3A : vector<16xi32>
    %mul3A_55 = arith.constant 3 : i32
    %mul3A_56 = vector.broadcast %mul3A_55 : i32 to vector<16xi32>
    %mul3A_57 = arith.muli %add3A_54, %mul3A_56 : vector<16xi32>
    %gather3A_58 = tpu.vector_load_idx %arg11[%mul3A_57] : memref<1920xi32, #tpu.memory_space<vmem>>[vector<16xi32>], vector<16xi32>,
    %add3A_59 = arith.constant 1 : i32
    %add3A_60 = vector.broadcast %add3A_59 : i32 to vector<16xi32>
    %add3A_61 = arith.addi %mul3A_57, %add3A_60 : vector<16xi32>
    %gather3A_62 = tpu.vector_load_idx %arg11[%add3A_61] : memref<1920xi32, #tpu.memory_space<vmem>>[vector<16xi32>], vector<16xi32>,
    %add3A_63 = arith.constant 2 : i32
    %add3A_64 = vector.broadcast %add3A_63 : i32 to vector<16xi32>
    %add3A_65 = arith.addi %mul3A_57, %add3A_64 : vector<16xi32>
    %gather3A_66 = tpu.vector_load_idx %arg11[%add3A_65] : memref<1920xi32, #tpu.memory_space<vmem>>[vector<16xi32>], vector<16xi32>,
    %mul3A_67 = arith.constant 4096 : i32
    %mul3A_68 = vector.broadcast %mul3A_67 : i32 to vector<16xi32>
    %mul3A_69 = arith.muli %gather3A_58, %mul3A_68 : vector<16xi32>
    %shift_right_logical3A_70 = arith.constant 1 : i32
    %shift_right_logical3A_71 = vector.broadcast %shift_right_logical3A_70 : i32 to vector<16xi32>
    %shift_right_logical3A_72 = arith.shrui %gather3A_62, %shift_right_logical3A_71 : vector<16xi32>
    %mul3A_73 = arith.constant 64 : i32
    %mul3A_74 = vector.broadcast %mul3A_73 : i32 to vector<16xi32>
    %mul3A_75 = arith.muli %shift_right_logical3A_72, %mul3A_74 : vector<16xi32>
    %add3A_76 = arith.addi %mul3A_69, %mul3A_75 : vector<16xi32>
    %shift_right_logical3A_77 = arith.constant 1 : i32
    %shift_right_logical3A_78 = vector.broadcast %shift_right_logical3A_77 : i32 to vector<16xi32>
    %shift_right_logical3A_79 = arith.shrui %gather3A_66, %shift_right_logical3A_78 : vector<16xi32>
    %add3A_80 = arith.addi %add3A_76, %shift_right_logical3A_79 : vector<16xi32>
    %swap3A_81 = arith.constant 16 : index
    %swap3A_82 = tpu.vector_load %arg6[%swap3A_81] {strides = array<i32>} : memref<128xi32, #tpu.memory_space<vmem>>, vector<16xi32>,
    tpu.vector_store %arg6[%swap3A_81], %add3A_80 {strides = array<i32>} : memref<128xi32, #tpu.memory_space<vmem>>, vector<16xi32>,
    %add3A_83 = arith.constant 32 : i32
    %add3A_84 = vector.broadcast %add3A_83 : i32 to vector<16xi32>
    %add3A_85 = arith.addi %add3A_84, %iota3A : vector<16xi32>
    %mul3A_86 = arith.constant 3 : i32
    %mul3A_87 = vector.broadcast %mul3A_86 : i32 to vector<16xi32>
    %mul3A_88 = arith.muli %add3A_85, %mul3A_87 : vector<16xi32>
    %gather3A_89 = tpu.vector_load_idx %arg11[%mul3A_88] : memref<1920xi32, #tpu.memory_space<vmem>>[vector<16xi32>], vector<16xi32>,
    %add3A_90 = arith.constant 1 : i32
    %add3A_91 = vector.broadcast %add3A_90 : i32 to vector<16xi32>
    %add3A_92 = arith.addi %mul3A_88, %add3A_91 : vector<16xi32>
    %gather3A_93 = tpu.vector_load_idx %arg11[%add3A_92] : memref<1920xi32, #tpu.memory_space<vmem>>[vector<16xi32>], vector<16xi32>,
    %add3A_94 = arith.constant 2 : i32
    %add3A_95 = vector.broadcast %add3A_94 : i32 to vector<16xi32>
    %add3A_96 = arith.addi %mul3A_88, %add3A_95 : vector<16xi32>
    %gather3A_97 = tpu.vector_load_idx %arg11[%add3A_96] : memref<1920xi32, #tpu.memory_space<vmem>>[vector<16xi32>], vector<16xi32>,
    %mul3A_98 = arith.constant 4096 : i32
    %mul3A_99 = vector.broadcast %mul3A_98 : i32 to vector<16xi32>
    %mul3A_100 = arith.muli %gather3A_89, %mul3A_99 : vector<16xi32>
    %shift_right_logical3A_101 = arith.constant 1 : i32
    %shift_right_logical3A_102 = vector.broadcast %shift_right_logical3A_101 : i32 to vector<16xi32>
    %shift_right_logical3A_103 = arith.shrui %gather3A_93, %shift_right_logical3A_102 : vector<16xi32>
    %mul3A_104 = arith.constant 64 : i32
    %mul3A_105 = vector.broadcast %mul3A_104 : i32 to vector<16xi32>
    %mul3A_106 = arith.muli %shift_right_logical3A_103, %mul3A_105 : vector<16xi32>
    %add3A_107 = arith.addi %mul3A_100, %mul3A_106 : vector<16xi32>
    %shift_right_logical3A_108 = arith.constant 1 : i32
    %shift_right_logical3A_109 = vector.broadcast %shift_right_logical3A_108 : i32 to vector<16xi32>
    %shift_right_logical3A_110 = arith.shrui %gather3A_97, %shift_right_logical3A_109 : vector<16xi32>
    %add3A_111 = arith.addi %add3A_107, %shift_right_logical3A_110 : vector<16xi32>
    %swap3A_112 = arith.constant 32 : index
    %swap3A_113 = tpu.vector_load %arg6[%swap3A_112] {strides = array<i32>} : memref<128xi32, #tpu.memory_space<vmem>>, vector<16xi32>,
    tpu.vector_store %arg6[%swap3A_112], %add3A_111 {strides = array<i32>} : memref<128xi32, #tpu.memory_space<vmem>>, vector<16xi32>,
    %add3A_114 = arith.constant 48 : i32
    %add3A_115 = vector.broadcast %add3A_114 : i32 to vector<16xi32>
    %add3A_116 = arith.addi %add3A_115, %iota3A : vector<16xi32>
    %mul3A_117 = arith.constant 3 : i32
    %mul3A_118 = vector.broadcast %mul3A_117 : i32 to vector<16xi32>
    %mul3A_119 = arith.muli %add3A_116, %mul3A_118 : vector<16xi32>
    %gather3A_120 = tpu.vector_load_idx %arg11[%mul3A_119] : memref<1920xi32, #tpu.memory_space<vmem>>[vector<16xi32>], vector<16xi32>,
    %add3A_121 = arith.constant 1 : i32
    %add3A_122 = vector.broadcast %add3A_121 : i32 to vector<16xi32>
    %add3A_123 = arith.addi %mul3A_119, %add3A_122 : vector<16xi32>
    %gather3A_124 = tpu.vector_load_idx %arg11[%add3A_123] : memref<1920xi32, #tpu.memory_space<vmem>>[vector<16xi32>], vector<16xi32>,
    %add3A_125 = arith.constant 2 : i32
    %add3A_126 = vector.broadcast %add3A_125 : i32 to vector<16xi32>
    %add3A_127 = arith.addi %mul3A_119, %add3A_126 : vector<16xi32>
    %gather3A_128 = tpu.vector_load_idx %arg11[%add3A_127] : memref<1920xi32, #tpu.memory_space<vmem>>[vector<16xi32>], vector<16xi32>,
    %mul3A_129 = arith.constant 4096 : i32
    %mul3A_130 = vector.broadcast %mul3A_129 : i32 to vector<16xi32>
    %mul3A_131 = arith.muli %gather3A_120, %mul3A_130 : vector<16xi32>
    %shift_right_logical3A_132 = arith.constant 1 : i32
    %shift_right_logical3A_133 = vector.broadcast %shift_right_logical3A_132 : i32 to vector<16xi32>
    %shift_right_logical3A_134 = arith.shrui %gather3A_124, %shift_right_logical3A_133 : vector<16xi32>
    %mul3A_135 = arith.constant 64 : i32
    %mul3A_136 = vector.broadcast %mul3A_135 : i32 to vector<16xi32>
    %mul3A_137 = arith.muli %shift_right_logical3A_134, %mul3A_136 : vector<16xi32>
    %add3A_138 = arith.addi %mul3A_131, %mul3A_137 : vector<16xi32>
    %shift_right_logical3A_139 = arith.constant 1 : i32
    %shift_right_logical3A_140 = vector.broadcast %shift_right_logical3A_139 : i32 to vector<16xi32>
    %shift_right_logical3A_141 = arith.shrui %gather3A_128, %shift_right_logical3A_140 : vector<16xi32>
    %add3A_142 = arith.addi %add3A_138, %shift_right_logical3A_141 : vector<16xi32>
    %swap3A_143 = arith.constant 48 : index
    %swap3A_144 = tpu.vector_load %arg6[%swap3A_143] {strides = array<i32>} : memref<128xi32, #tpu.memory_space<vmem>>, vector<16xi32>,
    tpu.vector_store %arg6[%swap3A_143], %add3A_142 {strides = array<i32>} : memref<128xi32, #tpu.memory_space<vmem>>, vector<16xi32>,
    %add3A_145 = arith.constant 64 : i32
    %add3A_146 = vector.broadcast %add3A_145 : i32 to vector<16xi32>
    %add3A_147 = arith.addi %add3A_146, %iota3A : vector<16xi32>
    %mul3A_148 = arith.constant 3 : i32
    %mul3A_149 = vector.broadcast %mul3A_148 : i32 to vector<16xi32>
    %mul3A_150 = arith.muli %add3A_147, %mul3A_149 : vector<16xi32>
    %gather3A_151 = tpu.vector_load_idx %arg11[%mul3A_150] : memref<1920xi32, #tpu.memory_space<vmem>>[vector<16xi32>], vector<16xi32>,
    %add3A_152 = arith.constant 1 : i32
    %add3A_153 = vector.broadcast %add3A_152 : i32 to vector<16xi32>
    %add3A_154 = arith.addi %mul3A_150, %add3A_153 : vector<16xi32>
    %gather3A_155 = tpu.vector_load_idx %arg11[%add3A_154] : memref<1920xi32, #tpu.memory_space<vmem>>[vector<16xi32>], vector<16xi32>,
    %add3A_156 = arith.constant 2 : i32
    %add3A_157 = vector.broadcast %add3A_156 : i32 to vector<16xi32>
    %add3A_158 = arith.addi %mul3A_150, %add3A_157 : vector<16xi32>
    %gather3A_159 = tpu.vector_load_idx %arg11[%add3A_158] : memref<1920xi32, #tpu.memory_space<vmem>>[vector<16xi32>], vector<16xi32>,
    %mul3A_160 = arith.constant 4096 : i32
    %mul3A_161 = vector.broadcast %mul3A_160 : i32 to vector<16xi32>
    %mul3A_162 = arith.muli %gather3A_151, %mul3A_161 : vector<16xi32>
    %shift_right_logical3A_163 = arith.constant 1 : i32
    %shift_right_logical3A_164 = vector.broadcast %shift_right_logical3A_163 : i32 to vector<16xi32>
    %shift_right_logical3A_165 = arith.shrui %gather3A_155, %shift_right_logical3A_164 : vector<16xi32>
    %mul3A_166 = arith.constant 64 : i32
    %mul3A_167 = vector.broadcast %mul3A_166 : i32 to vector<16xi32>
    %mul3A_168 = arith.muli %shift_right_logical3A_165, %mul3A_167 : vector<16xi32>
    %add3A_169 = arith.addi %mul3A_162, %mul3A_168 : vector<16xi32>
    %shift_right_logical3A_170 = arith.constant 1 : i32
    %shift_right_logical3A_171 = vector.broadcast %shift_right_logical3A_170 : i32 to vector<16xi32>
    %shift_right_logical3A_172 = arith.shrui %gather3A_159, %shift_right_logical3A_171 : vector<16xi32>
    %add3A_173 = arith.addi %add3A_169, %shift_right_logical3A_172 : vector<16xi32>
    %swap3A_174 = arith.constant 64 : index
    %swap3A_175 = tpu.vector_load %arg6[%swap3A_174] {strides = array<i32>} : memref<128xi32, #tpu.memory_space<vmem>>, vector<16xi32>,
    tpu.vector_store %arg6[%swap3A_174], %add3A_173 {strides = array<i32>} : memref<128xi32, #tpu.memory_space<vmem>>, vector<16xi32>,
    %add3A_176 = arith.constant 80 : i32
    %add3A_177 = vector.broadcast %add3A_176 : i32 to vector<16xi32>
    %add3A_178 = arith.addi %add3A_177, %iota3A : vector<16xi32>
    %mul3A_179 = arith.constant 3 : i32
    %mul3A_180 = vector.broadcast %mul3A_179 : i32 to vector<16xi32>
    %mul3A_181 = arith.muli %add3A_178, %mul3A_180 : vector<16xi32>
    %gather3A_182 = tpu.vector_load_idx %arg11[%mul3A_181] : memref<1920xi32, #tpu.memory_space<vmem>>[vector<16xi32>], vector<16xi32>,
    %add3A_183 = arith.constant 1 : i32
    %add3A_184 = vector.broadcast %add3A_183 : i32 to vector<16xi32>
    %add3A_185 = arith.addi %mul3A_181, %add3A_184 : vector<16xi32>
    %gather3A_186 = tpu.vector_load_idx %arg11[%add3A_185] : memref<1920xi32, #tpu.memory_space<vmem>>[vector<16xi32>], vector<16xi32>,
    %add3A_187 = arith.constant 2 : i32
    %add3A_188 = vector.broadcast %add3A_187 : i32 to vector<16xi32>
    %add3A_189 = arith.addi %mul3A_181, %add3A_188 : vector<16xi32>
    %gather3A_190 = tpu.vector_load_idx %arg11[%add3A_189] : memref<1920xi32, #tpu.memory_space<vmem>>[vector<16xi32>], vector<16xi32>,
    %mul3A_191 = arith.constant 4096 : i32
    %mul3A_192 = vector.broadcast %mul3A_191 : i32 to vector<16xi32>
    %mul3A_193 = arith.muli %gather3A_182, %mul3A_192 : vector<16xi32>
    %shift_right_logical3A_194 = arith.constant 1 : i32
    %shift_right_logical3A_195 = vector.broadcast %shift_right_logical3A_194 : i32 to vector<16xi32>
    %shift_right_logical3A_196 = arith.shrui %gather3A_186, %shift_right_logical3A_195 : vector<16xi32>
    %mul3A_197 = arith.constant 64 : i32
    %mul3A_198 = vector.broadcast %mul3A_197 : i32 to vector<16xi32>
    %mul3A_199 = arith.muli %shift_right_logical3A_196, %mul3A_198 : vector<16xi32>
    %add3A_200 = arith.addi %mul3A_193, %mul3A_199 : vector<16xi32>
    %shift_right_logical3A_201 = arith.constant 1 : i32
    %shift_right_logical3A_202 = vector.broadcast %shift_right_logical3A_201 : i32 to vector<16xi32>
    %shift_right_logical3A_203 = arith.shrui %gather3A_190, %shift_right_logical3A_202 : vector<16xi32>
    %add3A_204 = arith.addi %add3A_200, %shift_right_logical3A_203 : vector<16xi32>
    %swap3A_205 = arith.constant 80 : index
    %swap3A_206 = tpu.vector_load %arg6[%swap3A_205] {strides = array<i32>} : memref<128xi32, #tpu.memory_space<vmem>>, vector<16xi32>,
    tpu.vector_store %arg6[%swap3A_205], %add3A_204 {strides = array<i32>} : memref<128xi32, #tpu.memory_space<vmem>>, vector<16xi32>,
    %add3A_207 = arith.constant 96 : i32
    %add3A_208 = vector.broadcast %add3A_207 : i32 to vector<16xi32>
    %add3A_209 = arith.addi %add3A_208, %iota3A : vector<16xi32>
    %mul3A_210 = arith.constant 3 : i32
    %mul3A_211 = vector.broadcast %mul3A_210 : i32 to vector<16xi32>
    %mul3A_212 = arith.muli %add3A_209, %mul3A_211 : vector<16xi32>
    %gather3A_213 = tpu.vector_load_idx %arg11[%mul3A_212] : memref<1920xi32, #tpu.memory_space<vmem>>[vector<16xi32>], vector<16xi32>,
    %add3A_214 = arith.constant 1 : i32
    %add3A_215 = vector.broadcast %add3A_214 : i32 to vector<16xi32>
    %add3A_216 = arith.addi %mul3A_212, %add3A_215 : vector<16xi32>
    %gather3A_217 = tpu.vector_load_idx %arg11[%add3A_216] : memref<1920xi32, #tpu.memory_space<vmem>>[vector<16xi32>], vector<16xi32>,
    %add3A_218 = arith.constant 2 : i32
    %add3A_219 = vector.broadcast %add3A_218 : i32 to vector<16xi32>
    %add3A_220 = arith.addi %mul3A_212, %add3A_219 : vector<16xi32>
    %gather3A_221 = tpu.vector_load_idx %arg11[%add3A_220] : memref<1920xi32, #tpu.memory_space<vmem>>[vector<16xi32>], vector<16xi32>,
    %mul3A_222 = arith.constant 4096 : i32
    %mul3A_223 = vector.broadcast %mul3A_222 : i32 to vector<16xi32>
    %mul3A_224 = arith.muli %gather3A_213, %mul3A_223 : vector<16xi32>
    %shift_right_logical3A_225 = arith.constant 1 : i32
    %shift_right_logical3A_226 = vector.broadcast %shift_right_logical3A_225 : i32 to vector<16xi32>
    %shift_right_logical3A_227 = arith.shrui %gather3A_217, %shift_right_logical3A_226 : vector<16xi32>
    %mul3A_228 = arith.constant 64 : i32
    %mul3A_229 = vector.broadcast %mul3A_228 : i32 to vector<16xi32>
    %mul3A_230 = arith.muli %shift_right_logical3A_227, %mul3A_229 : vector<16xi32>
    %add3A_231 = arith.addi %mul3A_224, %mul3A_230 : vector<16xi32>
    %shift_right_logical3A_232 = arith.constant 1 : i32
    %shift_right_logical3A_233 = vector.broadcast %shift_right_logical3A_232 : i32 to vector<16xi32>
    %shift_right_logical3A_234 = arith.shrui %gather3A_221, %shift_right_logical3A_233 : vector<16xi32>
    %add3A_235 = arith.addi %add3A_231, %shift_right_logical3A_234 : vector<16xi32>
    %swap3A_236 = arith.constant 96 : index
    %swap3A_237 = tpu.vector_load %arg6[%swap3A_236] {strides = array<i32>} : memref<128xi32, #tpu.memory_space<vmem>>, vector<16xi32>,
    tpu.vector_store %arg6[%swap3A_236], %add3A_235 {strides = array<i32>} : memref<128xi32, #tpu.memory_space<vmem>>, vector<16xi32>,
    %add3A_238 = arith.constant 112 : i32
    %add3A_239 = vector.broadcast %add3A_238 : i32 to vector<16xi32>
    %add3A_240 = arith.addi %add3A_239, %iota3A : vector<16xi32>
    %mul3A_241 = arith.constant 3 : i32
    %mul3A_242 = vector.broadcast %mul3A_241 : i32 to vector<16xi32>
    %mul3A_243 = arith.muli %add3A_240, %mul3A_242 : vector<16xi32>
    %gather3A_244 = tpu.vector_load_idx %arg11[%mul3A_243] : memref<1920xi32, #tpu.memory_space<vmem>>[vector<16xi32>], vector<16xi32>,
    %add3A_245 = arith.constant 1 : i32
    %add3A_246 = vector.broadcast %add3A_245 : i32 to vector<16xi32>
    %add3A_247 = arith.addi %mul3A_243, %add3A_246 : vector<16xi32>
    %gather3A_248 = tpu.vector_load_idx %arg11[%add3A_247] : memref<1920xi32, #tpu.memory_space<vmem>>[vector<16xi32>], vector<16xi32>,
    %add3A_249 = arith.constant 2 : i32
    %add3A_250 = vector.broadcast %add3A_249 : i32 to vector<16xi32>
    %add3A_251 = arith.addi %mul3A_243, %add3A_250 : vector<16xi32>
    %gather3A_252 = tpu.vector_load_idx %arg11[%add3A_251] : memref<1920xi32, #tpu.memory_space<vmem>>[vector<16xi32>], vector<16xi32>,
    %mul3A_253 = arith.constant 4096 : i32
    %mul3A_254 = vector.broadcast %mul3A_253 : i32 to vector<16xi32>
    %mul3A_255 = arith.muli %gather3A_244, %mul3A_254 : vector<16xi32>
    %shift_right_logical3A_256 = arith.constant 1 : i32
    %shift_right_logical3A_257 = vector.broadcast %shift_right_logical3A_256 : i32 to vector<16xi32>
    %shift_right_logical3A_258 = arith.shrui %gather3A_248, %shift_right_logical3A_257 : vector<16xi32>
    %mul3A_259 = arith.constant 64 : i32
    %mul3A_260 = vector.broadcast %mul3A_259 : i32 to vector<16xi32>
    %mul3A_261 = arith.muli %shift_right_logical3A_258, %mul3A_260 : vector<16xi32>
    %add3A_262 = arith.addi %mul3A_255, %mul3A_261 : vector<16xi32>
    %shift_right_logical3A_263 = arith.constant 1 : i32
    %shift_right_logical3A_264 = vector.broadcast %shift_right_logical3A_263 : i32 to vector<16xi32>
    %shift_right_logical3A_265 = arith.shrui %gather3A_252, %shift_right_logical3A_264 : vector<16xi32>
    %add3A_266 = arith.addi %add3A_262, %shift_right_logical3A_265 : vector<16xi32>
    %swap3A_267 = arith.constant 112 : index
    %swap3A_268 = tpu.vector_load %arg6[%swap3A_267] {strides = array<i32>} : memref<128xi32, #tpu.memory_space<vmem>>, vector<16xi32>,
    tpu.vector_store %arg6[%swap3A_267], %add3A_266 {strides = array<i32>} : memref<128xi32, #tpu.memory_space<vmem>>, vector<16xi32>,
    %add3A_269 = arith.constant 128 : i32
    %add3A_270 = vector.broadcast %add3A_269 : i32 to vector<16xi32>
    %add3A_271 = arith.addi %add3A_270, %iota3A : vector<16xi32>
    %mul3A_272 = arith.constant 3 : i32
    %mul3A_273 = vector.broadcast %mul3A_272 : i32 to vector<16xi32>
    %mul3A_274 = arith.muli %add3A_271, %mul3A_273 : vector<16xi32>
    %gather3A_275 = tpu.vector_load_idx %arg11[%mul3A_274] : memref<1920xi32, #tpu.memory_space<vmem>>[vector<16xi32>], vector<16xi32>,
    %add3A_276 = arith.constant 1 : i32
    %add3A_277 = vector.broadcast %add3A_276 : i32 to vector<16xi32>
    %add3A_278 = arith.addi %mul3A_274, %add3A_277 : vector<16xi32>
    %gather3A_279 = tpu.vector_load_idx %arg11[%add3A_278] : memref<1920xi32, #tpu.memory_space<vmem>>[vector<16xi32>], vector<16xi32>,
    %add3A_280 = arith.constant 2 : i32
    %add3A_281 = vector.broadcast %add3A_280 : i32 to vector<16xi32>
    %add3A_282 = arith.addi %mul3A_274, %add3A_281 : vector<16xi32>
    %gather3A_283 = tpu.vector_load_idx %arg11[%add3A_282] : memref<1920xi32, #tpu.memory_space<vmem>>[vector<16xi32>], vector<16xi32>,
    %mul3A_284 = arith.constant 4096 : i32
    %mul3A_285 = vector.broadcast %mul3A_284 : i32 to vector<16xi32>
    %mul3A_286 = arith.muli %gather3A_275, %mul3A_285 : vector<16xi32>
    %shift_right_logical3A_287 = arith.constant 1 : i32
    %shift_right_logical3A_288 = vector.broadcast %shift_right_logical3A_287 : i32 to vector<16xi32>
    %shift_right_logical3A_289 = arith.shrui %gather3A_279, %shift_right_logical3A_288 : vector<16xi32>
    %mul3A_290 = arith.constant 64 : i32
    %mul3A_291 = vector.broadcast %mul3A_290 : i32 to vector<16xi32>
    %mul3A_292 = arith.muli %shift_right_logical3A_289, %mul3A_291 : vector<16xi32>
    %add3A_293 = arith.addi %mul3A_286, %mul3A_292 : vector<16xi32>
    %shift_right_logical3A_294 = arith.constant 1 : i32
    %shift_right_logical3A_295 = vector.broadcast %shift_right_logical3A_294 : i32 to vector<16xi32>
    %shift_right_logical3A_296 = arith.shrui %gather3A_283, %shift_right_logical3A_295 : vector<16xi32>
    %add3A_297 = arith.addi %add3A_293, %shift_right_logical3A_296 : vector<16xi32>
    %swap3A_298 = arith.constant 0 : index
    %swap3A_299 = tpu.vector_load %arg7[%swap3A_298] {strides = array<i32>} : memref<128xi32, #tpu.memory_space<vmem>>, vector<16xi32>,
    tpu.vector_store %arg7[%swap3A_298], %add3A_297 {strides = array<i32>} : memref<128xi32, #tpu.memory_space<vmem>>, vector<16xi32>,
    %add3A_300 = arith.constant 144 : i32
    %add3A_301 = vector.broadcast %add3A_300 : i32 to vector<16xi32>
    %add3A_302 = arith.addi %add3A_301, %iota3A : vector<16xi32>
    %mul3A_303 = arith.constant 3 : i32
    %mul3A_304 = vector.broadcast %mul3A_303 : i32 to vector<16xi32>
    %mul3A_305 = arith.muli %add3A_302, %mul3A_304 : vector<16xi32>
    %gather3A_306 = tpu.vector_load_idx %arg11[%mul3A_305] : memref<1920xi32, #tpu.memory_space<vmem>>[vector<16xi32>], vector<16xi32>,
    %add3A_307 = arith.constant 1 : i32
    %add3A_308 = vector.broadcast %add3A_307 : i32 to vector<16xi32>
    %add3A_309 = arith.addi %mul3A_305, %add3A_308 : vector<16xi32>
    %gather3A_310 = tpu.vector_load_idx %arg11[%add3A_309] : memref<1920xi32, #tpu.memory_space<vmem>>[vector<16xi32>], vector<16xi32>,
    %add3A_311 = arith.constant 2 : i32
    %add3A_312 = vector.broadcast %add3A_311 : i32 to vector<16xi32>
    %add3A_313 = arith.addi %mul3A_305, %add3A_312 : vector<16xi32>
    %gather3A_314 = tpu.vector_load_idx %arg11[%add3A_313] : memref<1920xi32, #tpu.memory_space<vmem>>[vector<16xi32>], vector<16xi32>,
    %mul3A_315 = arith.constant 4096 : i32
    %mul3A_316 = vector.broadcast %mul3A_315 : i32 to vector<16xi32>
    %mul3A_317 = arith.muli %gather3A_306, %mul3A_316 : vector<16xi32>
    %shift_right_logical3A_318 = arith.constant 1 : i32
    %shift_right_logical3A_319 = vector.broadcast %shift_right_logical3A_318 : i32 to vector<16xi32>
    %shift_right_logical3A_320 = arith.shrui %gather3A_310, %shift_right_logical3A_319 : vector<16xi32>
    %mul3A_321 = arith.constant 64 : i32
    %mul3A_322 = vector.broadcast %mul3A_321 : i32 to vector<16xi32>
    %mul3A_323 = arith.muli %shift_right_logical3A_320, %mul3A_322 : vector<16xi32>
    %add3A_324 = arith.addi %mul3A_317, %mul3A_323 : vector<16xi32>
    %shift_right_logical3A_325 = arith.constant 1 : i32
    %shift_right_logical3A_326 = vector.broadcast %shift_right_logical3A_325 : i32 to vector<16xi32>
    %shift_right_logical3A_327 = arith.shrui %gather3A_314, %shift_right_logical3A_326 : vector<16xi32>
    %add3A_328 = arith.addi %add3A_324, %shift_right_logical3A_327 : vector<16xi32>
    %swap3A_329 = arith.constant 16 : index
    %swap3A_330 = tpu.vector_load %arg7[%swap3A_329] {strides = array<i32>} : memref<128xi32, #tpu.memory_space<vmem>>, vector<16xi32>,
    tpu.vector_store %arg7[%swap3A_329], %add3A_328 {strides = array<i32>} : memref<128xi32, #tpu.memory_space<vmem>>, vector<16xi32>,
    %add3A_331 = arith.constant 160 : i32
    %add3A_332 = vector.broadcast %add3A_331 : i32 to vector<16xi32>
    %add3A_333 = arith.addi %add3A_332, %iota3A : vector<16xi32>
    %mul3A_334 = arith.constant 3 : i32
    %mul3A_335 = vector.broadcast %mul3A_334 : i32 to vector<16xi32>
    %mul3A_336 = arith.muli %add3A_333, %mul3A_335 : vector<16xi32>
    %gather3A_337 = tpu.vector_load_idx %arg11[%mul3A_336] : memref<1920xi32, #tpu.memory_space<vmem>>[vector<16xi32>], vector<16xi32>,
    %add3A_338 = arith.constant 1 : i32
    %add3A_339 = vector.broadcast %add3A_338 : i32 to vector<16xi32>
    %add3A_340 = arith.addi %mul3A_336, %add3A_339 : vector<16xi32>
    %gather3A_341 = tpu.vector_load_idx %arg11[%add3A_340] : memref<1920xi32, #tpu.memory_space<vmem>>[vector<16xi32>], vector<16xi32>,
    %add3A_342 = arith.constant 2 : i32
    %add3A_343 = vector.broadcast %add3A_342 : i32 to vector<16xi32>
    %add3A_344 = arith.addi %mul3A_336, %add3A_343 : vector<16xi32>
    %gather3A_345 = tpu.vector_load_idx %arg11[%add3A_344] : memref<1920xi32, #tpu.memory_space<vmem>>[vector<16xi32>], vector<16xi32>,
    %mul3A_346 = arith.constant 4096 : i32
    %mul3A_347 = vector.broadcast %mul3A_346 : i32 to vector<16xi32>
    %mul3A_348 = arith.muli %gather3A_337, %mul3A_347 : vector<16xi32>
    %shift_right_logical3A_349 = arith.constant 1 : i32
    %shift_right_logical3A_350 = vector.broadcast %shift_right_logical3A_349 : i32 to vector<16xi32>
    %shift_right_logical3A_351 = arith.shrui %gather3A_341, %shift_right_logical3A_350 : vector<16xi32>
    %mul3A_352 = arith.constant 64 : i32
    %mul3A_353 = vector.broadcast %mul3A_352 : i32 to vector<16xi32>
    %mul3A_354 = arith.muli %shift_right_logical3A_351, %mul3A_353 : vector<16xi32>
    %add3A_355 = arith.addi %mul3A_348, %mul3A_354 : vector<16xi32>
    %shift_right_logical3A_356 = arith.constant 1 : i32
    %shift_right_logical3A_357 = vector.broadcast %shift_right_logical3A_356 : i32 to vector<16xi32>
    %shift_right_logical3A_358 = arith.shrui %gather3A_345, %shift_right_logical3A_357 : vector<16xi32>
    %add3A_359 = arith.addi %add3A_355, %shift_right_logical3A_358 : vector<16xi32>
    %swap3A_360 = arith.constant 32 : index
    %swap3A_361 = tpu.vector_load %arg7[%swap3A_360] {strides = array<i32>} : memref<128xi32, #tpu.memory_space<vmem>>, vector<16xi32>,
    tpu.vector_store %arg7[%swap3A_360], %add3A_359 {strides = array<i32>} : memref<128xi32, #tpu.memory_space<vmem>>, vector<16xi32>,
    %add3A_362 = arith.constant 176 : i32
    %add3A_363 = vector.broadcast %add3A_362 : i32 to vector<16xi32>
    %add3A_364 = arith.addi %add3A_363, %iota3A : vector<16xi32>
    %mul3A_365 = arith.constant 3 : i32
    %mul3A_366 = vector.broadcast %mul3A_365 : i32 to vector<16xi32>
    %mul3A_367 = arith.muli %add3A_364, %mul3A_366 : vector<16xi32>
    %gather3A_368 = tpu.vector_load_idx %arg11[%mul3A_367] : memref<1920xi32, #tpu.memory_space<vmem>>[vector<16xi32>], vector<16xi32>,
    %add3A_369 = arith.constant 1 : i32
    %add3A_370 = vector.broadcast %add3A_369 : i32 to vector<16xi32>
    %add3A_371 = arith.addi %mul3A_367, %add3A_370 : vector<16xi32>
    %gather3A_372 = tpu.vector_load_idx %arg11[%add3A_371] : memref<1920xi32, #tpu.memory_space<vmem>>[vector<16xi32>], vector<16xi32>,
    %add3A_373 = arith.constant 2 : i32
    %add3A_374 = vector.broadcast %add3A_373 : i32 to vector<16xi32>
    %add3A_375 = arith.addi %mul3A_367, %add3A_374 : vector<16xi32>
    %gather3A_376 = tpu.vector_load_idx %arg11[%add3A_375] : memref<1920xi32, #tpu.memory_space<vmem>>[vector<16xi32>], vector<16xi32>,
    %mul3A_377 = arith.constant 4096 : i32
    %mul3A_378 = vector.broadcast %mul3A_377 : i32 to vector<16xi32>
    %mul3A_379 = arith.muli %gather3A_368, %mul3A_378 : vector<16xi32>
    %shift_right_logical3A_380 = arith.constant 1 : i32
    %shift_right_logical3A_381 = vector.broadcast %shift_right_logical3A_380 : i32 to vector<16xi32>
    %shift_right_logical3A_382 = arith.shrui %gather3A_372, %shift_right_logical3A_381 : vector<16xi32>
    %mul3A_383 = arith.constant 64 : i32
    %mul3A_384 = vector.broadcast %mul3A_383 : i32 to vector<16xi32>
    %mul3A_385 = arith.muli %shift_right_logical3A_382, %mul3A_384 : vector<16xi32>
    %add3A_386 = arith.addi %mul3A_379, %mul3A_385 : vector<16xi32>
    %shift_right_logical3A_387 = arith.constant 1 : i32
    %shift_right_logical3A_388 = vector.broadcast %shift_right_logical3A_387 : i32 to vector<16xi32>
    %shift_right_logical3A_389 = arith.shrui %gather3A_376, %shift_right_logical3A_388 : vector<16xi32>
    %add3A_390 = arith.addi %add3A_386, %shift_right_logical3A_389 : vector<16xi32>
    %swap3A_391 = arith.constant 48 : index
    %swap3A_392 = tpu.vector_load %arg7[%swap3A_391] {strides = array<i32>} : memref<128xi32, #tpu.memory_space<vmem>>, vector<16xi32>,
    tpu.vector_store %arg7[%swap3A_391], %add3A_390 {strides = array<i32>} : memref<128xi32, #tpu.memory_space<vmem>>, vector<16xi32>,
    %add3A_393 = arith.constant 192 : i32
    %add3A_394 = vector.broadcast %add3A_393 : i32 to vector<16xi32>
    %add3A_395 = arith.addi %add3A_394, %iota3A : vector<16xi32>
    %mul3A_396 = arith.constant 3 : i32
    %mul3A_397 = vector.broadcast %mul3A_396 : i32 to vector<16xi32>
    %mul3A_398 = arith.muli %add3A_395, %mul3A_397 : vector<16xi32>
    %gather3A_399 = tpu.vector_load_idx %arg11[%mul3A_398] : memref<1920xi32, #tpu.memory_space<vmem>>[vector<16xi32>], vector<16xi32>,
    %add3A_400 = arith.constant 1 : i32
    %add3A_401 = vector.broadcast %add3A_400 : i32 to vector<16xi32>
    %add3A_402 = arith.addi %mul3A_398, %add3A_401 : vector<16xi32>
    %gather3A_403 = tpu.vector_load_idx %arg11[%add3A_402] : memref<1920xi32, #tpu.memory_space<vmem>>[vector<16xi32>], vector<16xi32>,
    %add3A_404 = arith.constant 2 : i32
    %add3A_405 = vector.broadcast %add3A_404 : i32 to vector<16xi32>
    %add3A_406 = arith.addi %mul3A_398, %add3A_405 : vector<16xi32>
    %gather3A_407 = tpu.vector_load_idx %arg11[%add3A_406] : memref<1920xi32, #tpu.memory_space<vmem>>[vector<16xi32>], vector<16xi32>,
    %mul3A_408 = arith.constant 4096 : i32
    %mul3A_409 = vector.broadcast %mul3A_408 : i32 to vector<16xi32>
    %mul3A_410 = arith.muli %gather3A_399, %mul3A_409 : vector<16xi32>
    %shift_right_logical3A_411 = arith.constant 1 : i32
    %shift_right_logical3A_412 = vector.broadcast %shift_right_logical3A_411 : i32 to vector<16xi32>
    %shift_right_logical3A_413 = arith.shrui %gather3A_403, %shift_right_logical3A_412 : vector<16xi32>
    %mul3A_414 = arith.constant 64 : i32
    %mul3A_415 = vector.broadcast %mul3A_414 : i32 to vector<16xi32>
    %mul3A_416 = arith.muli %shift_right_logical3A_413, %mul3A_415 : vector<16xi32>
    %add3A_417 = arith.addi %mul3A_410, %mul3A_416 : vector<16xi32>
    %shift_right_logical3A_418 = arith.constant 1 : i32
    %shift_right_logical3A_419 = vector.broadcast %shift_right_logical3A_418 : i32 to vector<16xi32>
    %shift_right_logical3A_420 = arith.shrui %gather3A_407, %shift_right_logical3A_419 : vector<16xi32>
    %add3A_421 = arith.addi %add3A_417, %shift_right_logical3A_420 : vector<16xi32>
    %swap3A_422 = arith.constant 64 : index
    %swap3A_423 = tpu.vector_load %arg7[%swap3A_422] {strides = array<i32>} : memref<128xi32, #tpu.memory_space<vmem>>, vector<16xi32>,
    tpu.vector_store %arg7[%swap3A_422], %add3A_421 {strides = array<i32>} : memref<128xi32, #tpu.memory_space<vmem>>, vector<16xi32>,
    %add3A_424 = arith.constant 208 : i32
    %add3A_425 = vector.broadcast %add3A_424 : i32 to vector<16xi32>
    %add3A_426 = arith.addi %add3A_425, %iota3A : vector<16xi32>
    %mul3A_427 = arith.constant 3 : i32
    %mul3A_428 = vector.broadcast %mul3A_427 : i32 to vector<16xi32>
    %mul3A_429 = arith.muli %add3A_426, %mul3A_428 : vector<16xi32>
    %gather3A_430 = tpu.vector_load_idx %arg11[%mul3A_429] : memref<1920xi32, #tpu.memory_space<vmem>>[vector<16xi32>], vector<16xi32>,
    %add3A_431 = arith.constant 1 : i32
    %add3A_432 = vector.broadcast %add3A_431 : i32 to vector<16xi32>
    %add3A_433 = arith.addi %mul3A_429, %add3A_432 : vector<16xi32>
    %gather3A_434 = tpu.vector_load_idx %arg11[%add3A_433] : memref<1920xi32, #tpu.memory_space<vmem>>[vector<16xi32>], vector<16xi32>,
    %add3A_435 = arith.constant 2 : i32
    %add3A_436 = vector.broadcast %add3A_435 : i32 to vector<16xi32>
    %add3A_437 = arith.addi %mul3A_429, %add3A_436 : vector<16xi32>
    %gather3A_438 = tpu.vector_load_idx %arg11[%add3A_437] : memref<1920xi32, #tpu.memory_space<vmem>>[vector<16xi32>], vector<16xi32>,
    %mul3A_439 = arith.constant 4096 : i32
    %mul3A_440 = vector.broadcast %mul3A_439 : i32 to vector<16xi32>
    %mul3A_441 = arith.muli %gather3A_430, %mul3A_440 : vector<16xi32>
    %shift_right_logical3A_442 = arith.constant 1 : i32
    %shift_right_logical3A_443 = vector.broadcast %shift_right_logical3A_442 : i32 to vector<16xi32>
    %shift_right_logical3A_444 = arith.shrui %gather3A_434, %shift_right_logical3A_443 : vector<16xi32>
    %mul3A_445 = arith.constant 64 : i32
    %mul3A_446 = vector.broadcast %mul3A_445 : i32 to vector<16xi32>
    %mul3A_447 = arith.muli %shift_right_logical3A_444, %mul3A_446 : vector<16xi32>
    %add3A_448 = arith.addi %mul3A_441, %mul3A_447 : vector<16xi32>
    %shift_right_logical3A_449 = arith.constant 1 : i32
    %shift_right_logical3A_450 = vector.broadcast %shift_right_logical3A_449 : i32 to vector<16xi32>
    %shift_right_logical3A_451 = arith.shrui %gather3A_438, %shift_right_logical3A_450 : vector<16xi32>
    %add3A_452 = arith.addi %add3A_448, %shift_right_logical3A_451 : vector<16xi32>
    %swap3A_453 = arith.constant 80 : index
    %swap3A_454 = tpu.vector_load %arg7[%swap3A_453] {strides = array<i32>} : memref<128xi32, #tpu.memory_space<vmem>>, vector<16xi32>,
    tpu.vector_store %arg7[%swap3A_453], %add3A_452 {strides = array<i32>} : memref<128xi32, #tpu.memory_space<vmem>>, vector<16xi32>,
    %add3A_455 = arith.constant 224 : i32
    %add3A_456 = vector.broadcast %add3A_455 : i32 to vector<16xi32>
    %add3A_457 = arith.addi %add3A_456, %iota3A : vector<16xi32>
    %mul3A_458 = arith.constant 3 : i32
    %mul3A_459 = vector.broadcast %mul3A_458 : i32 to vector<16xi32>
    %mul3A_460 = arith.muli %add3A_457, %mul3A_459 : vector<16xi32>
    %gather3A_461 = tpu.vector_load_idx %arg11[%mul3A_460] : memref<1920xi32, #tpu.memory_space<vmem>>[vector<16xi32>], vector<16xi32>,
    %add3A_462 = arith.constant 1 : i32
    %add3A_463 = vector.broadcast %add3A_462 : i32 to vector<16xi32>
    %add3A_464 = arith.addi %mul3A_460, %add3A_463 : vector<16xi32>
    %gather3A_465 = tpu.vector_load_idx %arg11[%add3A_464] : memref<1920xi32, #tpu.memory_space<vmem>>[vector<16xi32>], vector<16xi32>,
    %add3A_466 = arith.constant 2 : i32
    %add3A_467 = vector.broadcast %add3A_466 : i32 to vector<16xi32>
    %add3A_468 = arith.addi %mul3A_460, %add3A_467 : vector<16xi32>
    %gather3A_469 = tpu.vector_load_idx %arg11[%add3A_468] : memref<1920xi32, #tpu.memory_space<vmem>>[vector<16xi32>], vector<16xi32>,
    %mul3A_470 = arith.constant 4096 : i32
    %mul3A_471 = vector.broadcast %mul3A_470 : i32 to vector<16xi32>
    %mul3A_472 = arith.muli %gather3A_461, %mul3A_471 : vector<16xi32>
    %shift_right_logical3A_473 = arith.constant 1 : i32
    %shift_right_logical3A_474 = vector.broadcast %shift_right_logical3A_473 : i32 to vector<16xi32>
    %shift_right_logical3A_475 = arith.shrui %gather3A_465, %shift_right_logical3A_474 : vector<16xi32>
    %mul3A_476 = arith.constant 64 : i32
    %mul3A_477 = vector.broadcast %mul3A_476 : i32 to vector<16xi32>
    %mul3A_478 = arith.muli %shift_right_logical3A_475, %mul3A_477 : vector<16xi32>
    %add3A_479 = arith.addi %mul3A_472, %mul3A_478 : vector<16xi32>
    %shift_right_logical3A_480 = arith.constant 1 : i32
    %shift_right_logical3A_481 = vector.broadcast %shift_right_logical3A_480 : i32 to vector<16xi32>
    %shift_right_logical3A_482 = arith.shrui %gather3A_469, %shift_right_logical3A_481 : vector<16xi32>
    %add3A_483 = arith.addi %add3A_479, %shift_right_logical3A_482 : vector<16xi32>
    %swap3A_484 = arith.constant 96 : index
    %swap3A_485 = tpu.vector_load %arg7[%swap3A_484] {strides = array<i32>} : memref<128xi32, #tpu.memory_space<vmem>>, vector<16xi32>,
    tpu.vector_store %arg7[%swap3A_484], %add3A_483 {strides = array<i32>} : memref<128xi32, #tpu.memory_space<vmem>>, vector<16xi32>,
    %add3A_486 = arith.constant 240 : i32
    %add3A_487 = vector.broadcast %add3A_486 : i32 to vector<16xi32>
    %add3A_488 = arith.addi %add3A_487, %iota3A : vector<16xi32>
    %mul3A_489 = arith.constant 3 : i32
    %mul3A_490 = vector.broadcast %mul3A_489 : i32 to vector<16xi32>
    %mul3A_491 = arith.muli %add3A_488, %mul3A_490 : vector<16xi32>
    %gather3A_492 = tpu.vector_load_idx %arg11[%mul3A_491] : memref<1920xi32, #tpu.memory_space<vmem>>[vector<16xi32>], vector<16xi32>,
    %add3A_493 = arith.constant 1 : i32
    %add3A_494 = vector.broadcast %add3A_493 : i32 to vector<16xi32>
    %add3A_495 = arith.addi %mul3A_491, %add3A_494 : vector<16xi32>
    %gather3A_496 = tpu.vector_load_idx %arg11[%add3A_495] : memref<1920xi32, #tpu.memory_space<vmem>>[vector<16xi32>], vector<16xi32>,
    %add3A_497 = arith.constant 2 : i32
    %add3A_498 = vector.broadcast %add3A_497 : i32 to vector<16xi32>
    %add3A_499 = arith.addi %mul3A_491, %add3A_498 : vector<16xi32>
    %gather3A_500 = tpu.vector_load_idx %arg11[%add3A_499] : memref<1920xi32, #tpu.memory_space<vmem>>[vector<16xi32>], vector<16xi32>,
    %mul3A_501 = arith.constant 4096 : i32
    %mul3A_502 = vector.broadcast %mul3A_501 : i32 to vector<16xi32>
    %mul3A_503 = arith.muli %gather3A_492, %mul3A_502 : vector<16xi32>
    %shift_right_logical3A_504 = arith.constant 1 : i32
    %shift_right_logical3A_505 = vector.broadcast %shift_right_logical3A_504 : i32 to vector<16xi32>
    %shift_right_logical3A_506 = arith.shrui %gather3A_496, %shift_right_logical3A_505 : vector<16xi32>
    %mul3A_507 = arith.constant 64 : i32
    %mul3A_508 = vector.broadcast %mul3A_507 : i32 to vector<16xi32>
    %mul3A_509 = arith.muli %shift_right_logical3A_506, %mul3A_508 : vector<16xi32>
    %add3A_510 = arith.addi %mul3A_503, %mul3A_509 : vector<16xi32>
    %shift_right_logical3A_511 = arith.constant 1 : i32
    %shift_right_logical3A_512 = vector.broadcast %shift_right_logical3A_511 : i32 to vector<16xi32>
    %shift_right_logical3A_513 = arith.shrui %gather3A_500, %shift_right_logical3A_512 : vector<16xi32>
    %add3A_514 = arith.addi %add3A_510, %shift_right_logical3A_513 : vector<16xi32>
    %swap3A_515 = arith.constant 112 : index
    %swap3A_516 = tpu.vector_load %arg7[%swap3A_515] {strides = array<i32>} : memref<128xi32, #tpu.memory_space<vmem>>, vector<16xi32>,
    tpu.vector_store %arg7[%swap3A_515], %add3A_514 {strides = array<i32>} : memref<128xi32, #tpu.memory_space<vmem>>, vector<16xi32>,
    %add3A_517 = arith.constant 256 : i32
    %add3A_518 = vector.broadcast %add3A_517 : i32 to vector<16xi32>
    %add3A_519 = arith.addi %add3A_518, %iota3A : vector<16xi32>
    %mul3A_520 = arith.constant 3 : i32
    %mul3A_521 = vector.broadcast %mul3A_520 : i32 to vector<16xi32>
    %mul3A_522 = arith.muli %add3A_519, %mul3A_521 : vector<16xi32>
    %gather3A_523 = tpu.vector_load_idx %arg11[%mul3A_522] : memref<1920xi32, #tpu.memory_space<vmem>>[vector<16xi32>], vector<16xi32>,
    %add3A_524 = arith.constant 1 : i32
    %add3A_525 = vector.broadcast %add3A_524 : i32 to vector<16xi32>
    %add3A_526 = arith.addi %mul3A_522, %add3A_525 : vector<16xi32>
    %gather3A_527 = tpu.vector_load_idx %arg11[%add3A_526] : memref<1920xi32, #tpu.memory_space<vmem>>[vector<16xi32>], vector<16xi32>,
    %add3A_528 = arith.constant 2 : i32
    %add3A_529 = vector.broadcast %add3A_528 : i32 to vector<16xi32>
    %add3A_530 = arith.addi %mul3A_522, %add3A_529 : vector<16xi32>
    %gather3A_531 = tpu.vector_load_idx %arg11[%add3A_530] : memref<1920xi32, #tpu.memory_space<vmem>>[vector<16xi32>], vector<16xi32>,
    %mul3A_532 = arith.constant 4096 : i32
    %mul3A_533 = vector.broadcast %mul3A_532 : i32 to vector<16xi32>
    %mul3A_534 = arith.muli %gather3A_523, %mul3A_533 : vector<16xi32>
    %shift_right_logical3A_535 = arith.constant 1 : i32
    %shift_right_logical3A_536 = vector.broadcast %shift_right_logical3A_535 : i32 to vector<16xi32>
    %shift_right_logical3A_537 = arith.shrui %gather3A_527, %shift_right_logical3A_536 : vector<16xi32>
    %mul3A_538 = arith.constant 64 : i32
    %mul3A_539 = vector.broadcast %mul3A_538 : i32 to vector<16xi32>
    %mul3A_540 = arith.muli %shift_right_logical3A_537, %mul3A_539 : vector<16xi32>
    %add3A_541 = arith.addi %mul3A_534, %mul3A_540 : vector<16xi32>
    %shift_right_logical3A_542 = arith.constant 1 : i32
    %shift_right_logical3A_543 = vector.broadcast %shift_right_logical3A_542 : i32 to vector<16xi32>
    %shift_right_logical3A_544 = arith.shrui %gather3A_531, %shift_right_logical3A_543 : vector<16xi32>
    %add3A_545 = arith.addi %add3A_541, %shift_right_logical3A_544 : vector<16xi32>
    %swap3A_546 = arith.constant 0 : index
    %swap3A_547 = tpu.vector_load %arg8[%swap3A_546] {strides = array<i32>} : memref<128xi32, #tpu.memory_space<vmem>>, vector<16xi32>,
    tpu.vector_store %arg8[%swap3A_546], %add3A_545 {strides = array<i32>} : memref<128xi32, #tpu.memory_space<vmem>>, vector<16xi32>,
    %add3A_548 = arith.constant 272 : i32
    %add3A_549 = vector.broadcast %add3A_548 : i32 to vector<16xi32>
    %add3A_550 = arith.addi %add3A_549, %iota3A : vector<16xi32>
    %mul3A_551 = arith.constant 3 : i32
    %mul3A_552 = vector.broadcast %mul3A_551 : i32 to vector<16xi32>
    %mul3A_553 = arith.muli %add3A_550, %mul3A_552 : vector<16xi32>
    %gather3A_554 = tpu.vector_load_idx %arg11[%mul3A_553] : memref<1920xi32, #tpu.memory_space<vmem>>[vector<16xi32>], vector<16xi32>,
    %add3A_555 = arith.constant 1 : i32
    %add3A_556 = vector.broadcast %add3A_555 : i32 to vector<16xi32>
    %add3A_557 = arith.addi %mul3A_553, %add3A_556 : vector<16xi32>
    %gather3A_558 = tpu.vector_load_idx %arg11[%add3A_557] : memref<1920xi32, #tpu.memory_space<vmem>>[vector<16xi32>], vector<16xi32>,
    %add3A_559 = arith.constant 2 : i32
    %add3A_560 = vector.broadcast %add3A_559 : i32 to vector<16xi32>
    %add3A_561 = arith.addi %mul3A_553, %add3A_560 : vector<16xi32>
    %gather3A_562 = tpu.vector_load_idx %arg11[%add3A_561] : memref<1920xi32, #tpu.memory_space<vmem>>[vector<16xi32>], vector<16xi32>,
    %mul3A_563 = arith.constant 4096 : i32
    %mul3A_564 = vector.broadcast %mul3A_563 : i32 to vector<16xi32>
    %mul3A_565 = arith.muli %gather3A_554, %mul3A_564 : vector<16xi32>
    %shift_right_logical3A_566 = arith.constant 1 : i32
    %shift_right_logical3A_567 = vector.broadcast %shift_right_logical3A_566 : i32 to vector<16xi32>
    %shift_right_logical3A_568 = arith.shrui %gather3A_558, %shift_right_logical3A_567 : vector<16xi32>
    %mul3A_569 = arith.constant 64 : i32
    %mul3A_570 = vector.broadcast %mul3A_569 : i32 to vector<16xi32>
    %mul3A_571 = arith.muli %shift_right_logical3A_568, %mul3A_570 : vector<16xi32>
    %add3A_572 = arith.addi %mul3A_565, %mul3A_571 : vector<16xi32>
    %shift_right_logical3A_573 = arith.constant 1 : i32
    %shift_right_logical3A_574 = vector.broadcast %shift_right_logical3A_573 : i32 to vector<16xi32>
    %shift_right_logical3A_575 = arith.shrui %gather3A_562, %shift_right_logical3A_574 : vector<16xi32>
    %add3A_576 = arith.addi %add3A_572, %shift_right_logical3A_575 : vector<16xi32>
    %swap3A_577 = arith.constant 16 : index
    %swap3A_578 = tpu.vector_load %arg8[%swap3A_577] {strides = array<i32>} : memref<128xi32, #tpu.memory_space<vmem>>, vector<16xi32>,
    tpu.vector_store %arg8[%swap3A_577], %add3A_576 {strides = array<i32>} : memref<128xi32, #tpu.memory_space<vmem>>, vector<16xi32>,
    %add3A_579 = arith.constant 288 : i32
    %add3A_580 = vector.broadcast %add3A_579 : i32 to vector<16xi32>
    %add3A_581 = arith.addi %add3A_580, %iota3A : vector<16xi32>
    %mul3A_582 = arith.constant 3 : i32
    %mul3A_583 = vector.broadcast %mul3A_582 : i32 to vector<16xi32>
    %mul3A_584 = arith.muli %add3A_581, %mul3A_583 : vector<16xi32>
    %gather3A_585 = tpu.vector_load_idx %arg11[%mul3A_584] : memref<1920xi32, #tpu.memory_space<vmem>>[vector<16xi32>], vector<16xi32>,
    %add3A_586 = arith.constant 1 : i32
    %add3A_587 = vector.broadcast %add3A_586 : i32 to vector<16xi32>
    %add3A_588 = arith.addi %mul3A_584, %add3A_587 : vector<16xi32>
    %gather3A_589 = tpu.vector_load_idx %arg11[%add3A_588] : memref<1920xi32, #tpu.memory_space<vmem>>[vector<16xi32>], vector<16xi32>,
    %add3A_590 = arith.constant 2 : i32
    %add3A_591 = vector.broadcast %add3A_590 : i32 to vector<16xi32>
    %add3A_592 = arith.addi %mul3A_584, %add3A_591 : vector<16xi32>
    %gather3A_593 = tpu.vector_load_idx %arg11[%add3A_592] : memref<1920xi32, #tpu.memory_space<vmem>>[vector<16xi32>], vector<16xi32>,
    %mul3A_594 = arith.constant 4096 : i32
    %mul3A_595 = vector.broadcast %mul3A_594 : i32 to vector<16xi32>
    %mul3A_596 = arith.muli %gather3A_585, %mul3A_595 : vector<16xi32>
    %shift_right_logical3A_597 = arith.constant 1 : i32
    %shift_right_logical3A_598 = vector.broadcast %shift_right_logical3A_597 : i32 to vector<16xi32>
    %shift_right_logical3A_599 = arith.shrui %gather3A_589, %shift_right_logical3A_598 : vector<16xi32>
    %mul3A_600 = arith.constant 64 : i32
    %mul3A_601 = vector.broadcast %mul3A_600 : i32 to vector<16xi32>
    %mul3A_602 = arith.muli %shift_right_logical3A_599, %mul3A_601 : vector<16xi32>
    %add3A_603 = arith.addi %mul3A_596, %mul3A_602 : vector<16xi32>
    %shift_right_logical3A_604 = arith.constant 1 : i32
    %shift_right_logical3A_605 = vector.broadcast %shift_right_logical3A_604 : i32 to vector<16xi32>
    %shift_right_logical3A_606 = arith.shrui %gather3A_593, %shift_right_logical3A_605 : vector<16xi32>
    %add3A_607 = arith.addi %add3A_603, %shift_right_logical3A_606 : vector<16xi32>
    %swap3A_608 = arith.constant 32 : index
    %swap3A_609 = tpu.vector_load %arg8[%swap3A_608] {strides = array<i32>} : memref<128xi32, #tpu.memory_space<vmem>>, vector<16xi32>,
    tpu.vector_store %arg8[%swap3A_608], %add3A_607 {strides = array<i32>} : memref<128xi32, #tpu.memory_space<vmem>>, vector<16xi32>,
    %add3A_610 = arith.constant 304 : i32
    %add3A_611 = vector.broadcast %add3A_610 : i32 to vector<16xi32>
    %add3A_612 = arith.addi %add3A_611, %iota3A : vector<16xi32>
    %mul3A_613 = arith.constant 3 : i32
    %mul3A_614 = vector.broadcast %mul3A_613 : i32 to vector<16xi32>
    %mul3A_615 = arith.muli %add3A_612, %mul3A_614 : vector<16xi32>
    %gather3A_616 = tpu.vector_load_idx %arg11[%mul3A_615] : memref<1920xi32, #tpu.memory_space<vmem>>[vector<16xi32>], vector<16xi32>,
    %add3A_617 = arith.constant 1 : i32
    %add3A_618 = vector.broadcast %add3A_617 : i32 to vector<16xi32>
    %add3A_619 = arith.addi %mul3A_615, %add3A_618 : vector<16xi32>
    %gather3A_620 = tpu.vector_load_idx %arg11[%add3A_619] : memref<1920xi32, #tpu.memory_space<vmem>>[vector<16xi32>], vector<16xi32>,
    %add3A_621 = arith.constant 2 : i32
    %add3A_622 = vector.broadcast %add3A_621 : i32 to vector<16xi32>
    %add3A_623 = arith.addi %mul3A_615, %add3A_622 : vector<16xi32>
    %gather3A_624 = tpu.vector_load_idx %arg11[%add3A_623] : memref<1920xi32, #tpu.memory_space<vmem>>[vector<16xi32>], vector<16xi32>,
    %mul3A_625 = arith.constant 4096 : i32
    %mul3A_626 = vector.broadcast %mul3A_625 : i32 to vector<16xi32>
    %mul3A_627 = arith.muli %gather3A_616, %mul3A_626 : vector<16xi32>
    %shift_right_logical3A_628 = arith.constant 1 : i32
    %shift_right_logical3A_629 = vector.broadcast %shift_right_logical3A_628 : i32 to vector<16xi32>
    %shift_right_logical3A_630 = arith.shrui %gather3A_620, %shift_right_logical3A_629 : vector<16xi32>
    %mul3A_631 = arith.constant 64 : i32
    %mul3A_632 = vector.broadcast %mul3A_631 : i32 to vector<16xi32>
    %mul3A_633 = arith.muli %shift_right_logical3A_630, %mul3A_632 : vector<16xi32>
    %add3A_634 = arith.addi %mul3A_627, %mul3A_633 : vector<16xi32>
    %shift_right_logical3A_635 = arith.constant 1 : i32
    %shift_right_logical3A_636 = vector.broadcast %shift_right_logical3A_635 : i32 to vector<16xi32>
    %shift_right_logical3A_637 = arith.shrui %gather3A_624, %shift_right_logical3A_636 : vector<16xi32>
    %add3A_638 = arith.addi %add3A_634, %shift_right_logical3A_637 : vector<16xi32>
    %swap3A_639 = arith.constant 48 : index
    %swap3A_640 = tpu.vector_load %arg8[%swap3A_639] {strides = array<i32>} : memref<128xi32, #tpu.memory_space<vmem>>, vector<16xi32>,
    tpu.vector_store %arg8[%swap3A_639], %add3A_638 {strides = array<i32>} : memref<128xi32, #tpu.memory_space<vmem>>, vector<16xi32>,
    %add3A_641 = arith.constant 320 : i32
    %add3A_642 = vector.broadcast %add3A_641 : i32 to vector<16xi32>
    %add3A_643 = arith.addi %add3A_642, %iota3A : vector<16xi32>
    %mul3A_644 = arith.constant 3 : i32
    %mul3A_645 = vector.broadcast %mul3A_644 : i32 to vector<16xi32>
    %mul3A_646 = arith.muli %add3A_643, %mul3A_645 : vector<16xi32>
    %gather3A_647 = tpu.vector_load_idx %arg11[%mul3A_646] : memref<1920xi32, #tpu.memory_space<vmem>>[vector<16xi32>], vector<16xi32>,
    %add3A_648 = arith.constant 1 : i32
    %add3A_649 = vector.broadcast %add3A_648 : i32 to vector<16xi32>
    %add3A_650 = arith.addi %mul3A_646, %add3A_649 : vector<16xi32>
    %gather3A_651 = tpu.vector_load_idx %arg11[%add3A_650] : memref<1920xi32, #tpu.memory_space<vmem>>[vector<16xi32>], vector<16xi32>,
    %add3A_652 = arith.constant 2 : i32
    %add3A_653 = vector.broadcast %add3A_652 : i32 to vector<16xi32>
    %add3A_654 = arith.addi %mul3A_646, %add3A_653 : vector<16xi32>
    %gather3A_655 = tpu.vector_load_idx %arg11[%add3A_654] : memref<1920xi32, #tpu.memory_space<vmem>>[vector<16xi32>], vector<16xi32>,
    %mul3A_656 = arith.constant 4096 : i32
    %mul3A_657 = vector.broadcast %mul3A_656 : i32 to vector<16xi32>
    %mul3A_658 = arith.muli %gather3A_647, %mul3A_657 : vector<16xi32>
    %shift_right_logical3A_659 = arith.constant 1 : i32
    %shift_right_logical3A_660 = vector.broadcast %shift_right_logical3A_659 : i32 to vector<16xi32>
    %shift_right_logical3A_661 = arith.shrui %gather3A_651, %shift_right_logical3A_660 : vector<16xi32>
    %mul3A_662 = arith.constant 64 : i32
    %mul3A_663 = vector.broadcast %mul3A_662 : i32 to vector<16xi32>
    %mul3A_664 = arith.muli %shift_right_logical3A_661, %mul3A_663 : vector<16xi32>
    %add3A_665 = arith.addi %mul3A_658, %mul3A_664 : vector<16xi32>
    %shift_right_logical3A_666 = arith.constant 1 : i32
    %shift_right_logical3A_667 = vector.broadcast %shift_right_logical3A_666 : i32 to vector<16xi32>
    %shift_right_logical3A_668 = arith.shrui %gather3A_655, %shift_right_logical3A_667 : vector<16xi32>
    %add3A_669 = arith.addi %add3A_665, %shift_right_logical3A_668 : vector<16xi32>
    %swap3A_670 = arith.constant 64 : index
    %swap3A_671 = tpu.vector_load %arg8[%swap3A_670] {strides = array<i32>} : memref<128xi32, #tpu.memory_space<vmem>>, vector<16xi32>,
    tpu.vector_store %arg8[%swap3A_670], %add3A_669 {strides = array<i32>} : memref<128xi32, #tpu.memory_space<vmem>>, vector<16xi32>,
    %add3A_672 = arith.constant 336 : i32
    %add3A_673 = vector.broadcast %add3A_672 : i32 to vector<16xi32>
    %add3A_674 = arith.addi %add3A_673, %iota3A : vector<16xi32>
    %mul3A_675 = arith.constant 3 : i32
    %mul3A_676 = vector.broadcast %mul3A_675 : i32 to vector<16xi32>
    %mul3A_677 = arith.muli %add3A_674, %mul3A_676 : vector<16xi32>
    %gather3A_678 = tpu.vector_load_idx %arg11[%mul3A_677] : memref<1920xi32, #tpu.memory_space<vmem>>[vector<16xi32>], vector<16xi32>,
    %add3A_679 = arith.constant 1 : i32
    %add3A_680 = vector.broadcast %add3A_679 : i32 to vector<16xi32>
    %add3A_681 = arith.addi %mul3A_677, %add3A_680 : vector<16xi32>
    %gather3A_682 = tpu.vector_load_idx %arg11[%add3A_681] : memref<1920xi32, #tpu.memory_space<vmem>>[vector<16xi32>], vector<16xi32>,
    %add3A_683 = arith.constant 2 : i32
    %add3A_684 = vector.broadcast %add3A_683 : i32 to vector<16xi32>
    %add3A_685 = arith.addi %mul3A_677, %add3A_684 : vector<16xi32>
    %gather3A_686 = tpu.vector_load_idx %arg11[%add3A_685] : memref<1920xi32, #tpu.memory_space<vmem>>[vector<16xi32>], vector<16xi32>,
    %mul3A_687 = arith.constant 4096 : i32
    %mul3A_688 = vector.broadcast %mul3A_687 : i32 to vector<16xi32>
    %mul3A_689 = arith.muli %gather3A_678, %mul3A_688 : vector<16xi32>
    %shift_right_logical3A_690 = arith.constant 1 : i32
    %shift_right_logical3A_691 = vector.broadcast %shift_right_logical3A_690 : i32 to vector<16xi32>
    %shift_right_logical3A_692 = arith.shrui %gather3A_682, %shift_right_logical3A_691 : vector<16xi32>
    %mul3A_693 = arith.constant 64 : i32
    %mul3A_694 = vector.broadcast %mul3A_693 : i32 to vector<16xi32>
    %mul3A_695 = arith.muli %shift_right_logical3A_692, %mul3A_694 : vector<16xi32>
    %add3A_696 = arith.addi %mul3A_689, %mul3A_695 : vector<16xi32>
    %shift_right_logical3A_697 = arith.constant 1 : i32
    %shift_right_logical3A_698 = vector.broadcast %shift_right_logical3A_697 : i32 to vector<16xi32>
    %shift_right_logical3A_699 = arith.shrui %gather3A_686, %shift_right_logical3A_698 : vector<16xi32>
    %add3A_700 = arith.addi %add3A_696, %shift_right_logical3A_699 : vector<16xi32>
    %swap3A_701 = arith.constant 80 : index
    %swap3A_702 = tpu.vector_load %arg8[%swap3A_701] {strides = array<i32>} : memref<128xi32, #tpu.memory_space<vmem>>, vector<16xi32>,
    tpu.vector_store %arg8[%swap3A_701], %add3A_700 {strides = array<i32>} : memref<128xi32, #tpu.memory_space<vmem>>, vector<16xi32>,
    %add3A_703 = arith.constant 352 : i32
    %add3A_704 = vector.broadcast %add3A_703 : i32 to vector<16xi32>
    %add3A_705 = arith.addi %add3A_704, %iota3A : vector<16xi32>
    %mul3A_706 = arith.constant 3 : i32
    %mul3A_707 = vector.broadcast %mul3A_706 : i32 to vector<16xi32>
    %mul3A_708 = arith.muli %add3A_705, %mul3A_707 : vector<16xi32>
    %gather3A_709 = tpu.vector_load_idx %arg11[%mul3A_708] : memref<1920xi32, #tpu.memory_space<vmem>>[vector<16xi32>], vector<16xi32>,
    %add3A_710 = arith.constant 1 : i32
    %add3A_711 = vector.broadcast %add3A_710 : i32 to vector<16xi32>
    %add3A_712 = arith.addi %mul3A_708, %add3A_711 : vector<16xi32>
    %gather3A_713 = tpu.vector_load_idx %arg11[%add3A_712] : memref<1920xi32, #tpu.memory_space<vmem>>[vector<16xi32>], vector<16xi32>,
    %add3A_714 = arith.constant 2 : i32
    %add3A_715 = vector.broadcast %add3A_714 : i32 to vector<16xi32>
    %add3A_716 = arith.addi %mul3A_708, %add3A_715 : vector<16xi32>
    %gather3A_717 = tpu.vector_load_idx %arg11[%add3A_716] : memref<1920xi32, #tpu.memory_space<vmem>>[vector<16xi32>], vector<16xi32>,
    %mul3A_718 = arith.constant 4096 : i32
    %mul3A_719 = vector.broadcast %mul3A_718 : i32 to vector<16xi32>
    %mul3A_720 = arith.muli %gather3A_709, %mul3A_719 : vector<16xi32>
    %shift_right_logical3A_721 = arith.constant 1 : i32
    %shift_right_logical3A_722 = vector.broadcast %shift_right_logical3A_721 : i32 to vector<16xi32>
    %shift_right_logical3A_723 = arith.shrui %gather3A_713, %shift_right_logical3A_722 : vector<16xi32>
    %mul3A_724 = arith.constant 64 : i32
    %mul3A_725 = vector.broadcast %mul3A_724 : i32 to vector<16xi32>
    %mul3A_726 = arith.muli %shift_right_logical3A_723, %mul3A_725 : vector<16xi32>
    %add3A_727 = arith.addi %mul3A_720, %mul3A_726 : vector<16xi32>
    %shift_right_logical3A_728 = arith.constant 1 : i32
    %shift_right_logical3A_729 = vector.broadcast %shift_right_logical3A_728 : i32 to vector<16xi32>
    %shift_right_logical3A_730 = arith.shrui %gather3A_717, %shift_right_logical3A_729 : vector<16xi32>
    %add3A_731 = arith.addi %add3A_727, %shift_right_logical3A_730 : vector<16xi32>
    %swap3A_732 = arith.constant 96 : index
    %swap3A_733 = tpu.vector_load %arg8[%swap3A_732] {strides = array<i32>} : memref<128xi32, #tpu.memory_space<vmem>>, vector<16xi32>,
    tpu.vector_store %arg8[%swap3A_732], %add3A_731 {strides = array<i32>} : memref<128xi32, #tpu.memory_space<vmem>>, vector<16xi32>,
    %add3A_734 = arith.constant 368 : i32
    %add3A_735 = vector.broadcast %add3A_734 : i32 to vector<16xi32>
    %add3A_736 = arith.addi %add3A_735, %iota3A : vector<16xi32>
    %mul3A_737 = arith.constant 3 : i32
    %mul3A_738 = vector.broadcast %mul3A_737 : i32 to vector<16xi32>
    %mul3A_739 = arith.muli %add3A_736, %mul3A_738 : vector<16xi32>
    %gather3A_740 = tpu.vector_load_idx %arg11[%mul3A_739] : memref<1920xi32, #tpu.memory_space<vmem>>[vector<16xi32>], vector<16xi32>,
    %add3A_741 = arith.constant 1 : i32
    %add3A_742 = vector.broadcast %add3A_741 : i32 to vector<16xi32>
    %add3A_743 = arith.addi %mul3A_739, %add3A_742 : vector<16xi32>
    %gather3A_744 = tpu.vector_load_idx %arg11[%add3A_743] : memref<1920xi32, #tpu.memory_space<vmem>>[vector<16xi32>], vector<16xi32>,
    %add3A_745 = arith.constant 2 : i32
    %add3A_746 = vector.broadcast %add3A_745 : i32 to vector<16xi32>
    %add3A_747 = arith.addi %mul3A_739, %add3A_746 : vector<16xi32>
    %gather3A_748 = tpu.vector_load_idx %arg11[%add3A_747] : memref<1920xi32, #tpu.memory_space<vmem>>[vector<16xi32>], vector<16xi32>,
    %mul3A_749 = arith.constant 4096 : i32
    %mul3A_750 = vector.broadcast %mul3A_749 : i32 to vector<16xi32>
    %mul3A_751 = arith.muli %gather3A_740, %mul3A_750 : vector<16xi32>
    %shift_right_logical3A_752 = arith.constant 1 : i32
    %shift_right_logical3A_753 = vector.broadcast %shift_right_logical3A_752 : i32 to vector<16xi32>
    %shift_right_logical3A_754 = arith.shrui %gather3A_744, %shift_right_logical3A_753 : vector<16xi32>
    %mul3A_755 = arith.constant 64 : i32
    %mul3A_756 = vector.broadcast %mul3A_755 : i32 to vector<16xi32>
    %mul3A_757 = arith.muli %shift_right_logical3A_754, %mul3A_756 : vector<16xi32>
    %add3A_758 = arith.addi %mul3A_751, %mul3A_757 : vector<16xi32>
    %shift_right_logical3A_759 = arith.constant 1 : i32
    %shift_right_logical3A_760 = vector.broadcast %shift_right_logical3A_759 : i32 to vector<16xi32>
    %shift_right_logical3A_761 = arith.shrui %gather3A_748, %shift_right_logical3A_760 : vector<16xi32>
    %add3A_762 = arith.addi %add3A_758, %shift_right_logical3A_761 : vector<16xi32>
    %swap3A_763 = arith.constant 112 : index
    %swap3A_764 = tpu.vector_load %arg8[%swap3A_763] {strides = array<i32>} : memref<128xi32, #tpu.memory_space<vmem>>, vector<16xi32>,
    tpu.vector_store %arg8[%swap3A_763], %add3A_762 {strides = array<i32>} : memref<128xi32, #tpu.memory_space<vmem>>, vector<16xi32>,
    %add3A_765 = arith.constant 384 : i32
    %add3A_766 = vector.broadcast %add3A_765 : i32 to vector<16xi32>
    %add3A_767 = arith.addi %add3A_766, %iota3A : vector<16xi32>
    %mul3A_768 = arith.constant 3 : i32
    %mul3A_769 = vector.broadcast %mul3A_768 : i32 to vector<16xi32>
    %mul3A_770 = arith.muli %add3A_767, %mul3A_769 : vector<16xi32>
    %gather3A_771 = tpu.vector_load_idx %arg11[%mul3A_770] : memref<1920xi32, #tpu.memory_space<vmem>>[vector<16xi32>], vector<16xi32>,
    %add3A_772 = arith.constant 1 : i32
    %add3A_773 = vector.broadcast %add3A_772 : i32 to vector<16xi32>
    %add3A_774 = arith.addi %mul3A_770, %add3A_773 : vector<16xi32>
    %gather3A_775 = tpu.vector_load_idx %arg11[%add3A_774] : memref<1920xi32, #tpu.memory_space<vmem>>[vector<16xi32>], vector<16xi32>,
    %add3A_776 = arith.constant 2 : i32
    %add3A_777 = vector.broadcast %add3A_776 : i32 to vector<16xi32>
    %add3A_778 = arith.addi %mul3A_770, %add3A_777 : vector<16xi32>
    %gather3A_779 = tpu.vector_load_idx %arg11[%add3A_778] : memref<1920xi32, #tpu.memory_space<vmem>>[vector<16xi32>], vector<16xi32>,
    %mul3A_780 = arith.constant 4096 : i32
    %mul3A_781 = vector.broadcast %mul3A_780 : i32 to vector<16xi32>
    %mul3A_782 = arith.muli %gather3A_771, %mul3A_781 : vector<16xi32>
    %shift_right_logical3A_783 = arith.constant 1 : i32
    %shift_right_logical3A_784 = vector.broadcast %shift_right_logical3A_783 : i32 to vector<16xi32>
    %shift_right_logical3A_785 = arith.shrui %gather3A_775, %shift_right_logical3A_784 : vector<16xi32>
    %mul3A_786 = arith.constant 64 : i32
    %mul3A_787 = vector.broadcast %mul3A_786 : i32 to vector<16xi32>
    %mul3A_788 = arith.muli %shift_right_logical3A_785, %mul3A_787 : vector<16xi32>
    %add3A_789 = arith.addi %mul3A_782, %mul3A_788 : vector<16xi32>
    %shift_right_logical3A_790 = arith.constant 1 : i32
    %shift_right_logical3A_791 = vector.broadcast %shift_right_logical3A_790 : i32 to vector<16xi32>
    %shift_right_logical3A_792 = arith.shrui %gather3A_779, %shift_right_logical3A_791 : vector<16xi32>
    %add3A_793 = arith.addi %add3A_789, %shift_right_logical3A_792 : vector<16xi32>
    %swap3A_794 = arith.constant 0 : index
    %swap3A_795 = tpu.vector_load %arg9[%swap3A_794] {strides = array<i32>} : memref<128xi32, #tpu.memory_space<vmem>>, vector<16xi32>,
    tpu.vector_store %arg9[%swap3A_794], %add3A_793 {strides = array<i32>} : memref<128xi32, #tpu.memory_space<vmem>>, vector<16xi32>,
    %add3A_796 = arith.constant 400 : i32
    %add3A_797 = vector.broadcast %add3A_796 : i32 to vector<16xi32>
    %add3A_798 = arith.addi %add3A_797, %iota3A : vector<16xi32>
    %mul3A_799 = arith.constant 3 : i32
    %mul3A_800 = vector.broadcast %mul3A_799 : i32 to vector<16xi32>
    %mul3A_801 = arith.muli %add3A_798, %mul3A_800 : vector<16xi32>
    %gather3A_802 = tpu.vector_load_idx %arg11[%mul3A_801] : memref<1920xi32, #tpu.memory_space<vmem>>[vector<16xi32>], vector<16xi32>,
    %add3A_803 = arith.constant 1 : i32
    %add3A_804 = vector.broadcast %add3A_803 : i32 to vector<16xi32>
    %add3A_805 = arith.addi %mul3A_801, %add3A_804 : vector<16xi32>
    %gather3A_806 = tpu.vector_load_idx %arg11[%add3A_805] : memref<1920xi32, #tpu.memory_space<vmem>>[vector<16xi32>], vector<16xi32>,
    %add3A_807 = arith.constant 2 : i32
    %add3A_808 = vector.broadcast %add3A_807 : i32 to vector<16xi32>
    %add3A_809 = arith.addi %mul3A_801, %add3A_808 : vector<16xi32>
    %gather3A_810 = tpu.vector_load_idx %arg11[%add3A_809] : memref<1920xi32, #tpu.memory_space<vmem>>[vector<16xi32>], vector<16xi32>,
    %mul3A_811 = arith.constant 4096 : i32
    %mul3A_812 = vector.broadcast %mul3A_811 : i32 to vector<16xi32>
    %mul3A_813 = arith.muli %gather3A_802, %mul3A_812 : vector<16xi32>
    %shift_right_logical3A_814 = arith.constant 1 : i32
    %shift_right_logical3A_815 = vector.broadcast %shift_right_logical3A_814 : i32 to vector<16xi32>
    %shift_right_logical3A_816 = arith.shrui %gather3A_806, %shift_right_logical3A_815 : vector<16xi32>
    %mul3A_817 = arith.constant 64 : i32
    %mul3A_818 = vector.broadcast %mul3A_817 : i32 to vector<16xi32>
    %mul3A_819 = arith.muli %shift_right_logical3A_816, %mul3A_818 : vector<16xi32>
    %add3A_820 = arith.addi %mul3A_813, %mul3A_819 : vector<16xi32>
    %shift_right_logical3A_821 = arith.constant 1 : i32
    %shift_right_logical3A_822 = vector.broadcast %shift_right_logical3A_821 : i32 to vector<16xi32>
    %shift_right_logical3A_823 = arith.shrui %gather3A_810, %shift_right_logical3A_822 : vector<16xi32>
    %add3A_824 = arith.addi %add3A_820, %shift_right_logical3A_823 : vector<16xi32>
    %swap3A_825 = arith.constant 16 : index
    %swap3A_826 = tpu.vector_load %arg9[%swap3A_825] {strides = array<i32>} : memref<128xi32, #tpu.memory_space<vmem>>, vector<16xi32>,
    tpu.vector_store %arg9[%swap3A_825], %add3A_824 {strides = array<i32>} : memref<128xi32, #tpu.memory_space<vmem>>, vector<16xi32>,
    %add3A_827 = arith.constant 416 : i32
    %add3A_828 = vector.broadcast %add3A_827 : i32 to vector<16xi32>
    %add3A_829 = arith.addi %add3A_828, %iota3A : vector<16xi32>
    %mul3A_830 = arith.constant 3 : i32
    %mul3A_831 = vector.broadcast %mul3A_830 : i32 to vector<16xi32>
    %mul3A_832 = arith.muli %add3A_829, %mul3A_831 : vector<16xi32>
    %gather3A_833 = tpu.vector_load_idx %arg11[%mul3A_832] : memref<1920xi32, #tpu.memory_space<vmem>>[vector<16xi32>], vector<16xi32>,
    %add3A_834 = arith.constant 1 : i32
    %add3A_835 = vector.broadcast %add3A_834 : i32 to vector<16xi32>
    %add3A_836 = arith.addi %mul3A_832, %add3A_835 : vector<16xi32>
    %gather3A_837 = tpu.vector_load_idx %arg11[%add3A_836] : memref<1920xi32, #tpu.memory_space<vmem>>[vector<16xi32>], vector<16xi32>,
    %add3A_838 = arith.constant 2 : i32
    %add3A_839 = vector.broadcast %add3A_838 : i32 to vector<16xi32>
    %add3A_840 = arith.addi %mul3A_832, %add3A_839 : vector<16xi32>
    %gather3A_841 = tpu.vector_load_idx %arg11[%add3A_840] : memref<1920xi32, #tpu.memory_space<vmem>>[vector<16xi32>], vector<16xi32>,
    %mul3A_842 = arith.constant 4096 : i32
    %mul3A_843 = vector.broadcast %mul3A_842 : i32 to vector<16xi32>
    %mul3A_844 = arith.muli %gather3A_833, %mul3A_843 : vector<16xi32>
    %shift_right_logical3A_845 = arith.constant 1 : i32
    %shift_right_logical3A_846 = vector.broadcast %shift_right_logical3A_845 : i32 to vector<16xi32>
    %shift_right_logical3A_847 = arith.shrui %gather3A_837, %shift_right_logical3A_846 : vector<16xi32>
    %mul3A_848 = arith.constant 64 : i32
    %mul3A_849 = vector.broadcast %mul3A_848 : i32 to vector<16xi32>
    %mul3A_850 = arith.muli %shift_right_logical3A_847, %mul3A_849 : vector<16xi32>
    %add3A_851 = arith.addi %mul3A_844, %mul3A_850 : vector<16xi32>
    %shift_right_logical3A_852 = arith.constant 1 : i32
    %shift_right_logical3A_853 = vector.broadcast %shift_right_logical3A_852 : i32 to vector<16xi32>
    %shift_right_logical3A_854 = arith.shrui %gather3A_841, %shift_right_logical3A_853 : vector<16xi32>
    %add3A_855 = arith.addi %add3A_851, %shift_right_logical3A_854 : vector<16xi32>
    %swap3A_856 = arith.constant 32 : index
    %swap3A_857 = tpu.vector_load %arg9[%swap3A_856] {strides = array<i32>} : memref<128xi32, #tpu.memory_space<vmem>>, vector<16xi32>,
    tpu.vector_store %arg9[%swap3A_856], %add3A_855 {strides = array<i32>} : memref<128xi32, #tpu.memory_space<vmem>>, vector<16xi32>,
    %add3A_858 = arith.constant 432 : i32
    %add3A_859 = vector.broadcast %add3A_858 : i32 to vector<16xi32>
    %add3A_860 = arith.addi %add3A_859, %iota3A : vector<16xi32>
    %mul3A_861 = arith.constant 3 : i32
    %mul3A_862 = vector.broadcast %mul3A_861 : i32 to vector<16xi32>
    %mul3A_863 = arith.muli %add3A_860, %mul3A_862 : vector<16xi32>
    %gather3A_864 = tpu.vector_load_idx %arg11[%mul3A_863] : memref<1920xi32, #tpu.memory_space<vmem>>[vector<16xi32>], vector<16xi32>,
    %add3A_865 = arith.constant 1 : i32
    %add3A_866 = vector.broadcast %add3A_865 : i32 to vector<16xi32>
    %add3A_867 = arith.addi %mul3A_863, %add3A_866 : vector<16xi32>
    %gather3A_868 = tpu.vector_load_idx %arg11[%add3A_867] : memref<1920xi32, #tpu.memory_space<vmem>>[vector<16xi32>], vector<16xi32>,
    %add3A_869 = arith.constant 2 : i32
    %add3A_870 = vector.broadcast %add3A_869 : i32 to vector<16xi32>
    %add3A_871 = arith.addi %mul3A_863, %add3A_870 : vector<16xi32>
    %gather3A_872 = tpu.vector_load_idx %arg11[%add3A_871] : memref<1920xi32, #tpu.memory_space<vmem>>[vector<16xi32>], vector<16xi32>,
    %mul3A_873 = arith.constant 4096 : i32
    %mul3A_874 = vector.broadcast %mul3A_873 : i32 to vector<16xi32>
    %mul3A_875 = arith.muli %gather3A_864, %mul3A_874 : vector<16xi32>
    %shift_right_logical3A_876 = arith.constant 1 : i32
    %shift_right_logical3A_877 = vector.broadcast %shift_right_logical3A_876 : i32 to vector<16xi32>
    %shift_right_logical3A_878 = arith.shrui %gather3A_868, %shift_right_logical3A_877 : vector<16xi32>
    %mul3A_879 = arith.constant 64 : i32
    %mul3A_880 = vector.broadcast %mul3A_879 : i32 to vector<16xi32>
    %mul3A_881 = arith.muli %shift_right_logical3A_878, %mul3A_880 : vector<16xi32>
    %add3A_882 = arith.addi %mul3A_875, %mul3A_881 : vector<16xi32>
    %shift_right_logical3A_883 = arith.constant 1 : i32
    %shift_right_logical3A_884 = vector.broadcast %shift_right_logical3A_883 : i32 to vector<16xi32>
    %shift_right_logical3A_885 = arith.shrui %gather3A_872, %shift_right_logical3A_884 : vector<16xi32>
    %add3A_886 = arith.addi %add3A_882, %shift_right_logical3A_885 : vector<16xi32>
    %swap3A_887 = arith.constant 48 : index
    %swap3A_888 = tpu.vector_load %arg9[%swap3A_887] {strides = array<i32>} : memref<128xi32, #tpu.memory_space<vmem>>, vector<16xi32>,
    tpu.vector_store %arg9[%swap3A_887], %add3A_886 {strides = array<i32>} : memref<128xi32, #tpu.memory_space<vmem>>, vector<16xi32>,
    %add3A_889 = arith.constant 448 : i32
    %add3A_890 = vector.broadcast %add3A_889 : i32 to vector<16xi32>
    %add3A_891 = arith.addi %add3A_890, %iota3A : vector<16xi32>
    %mul3A_892 = arith.constant 3 : i32
    %mul3A_893 = vector.broadcast %mul3A_892 : i32 to vector<16xi32>
    %mul3A_894 = arith.muli %add3A_891, %mul3A_893 : vector<16xi32>
    %gather3A_895 = tpu.vector_load_idx %arg11[%mul3A_894] : memref<1920xi32, #tpu.memory_space<vmem>>[vector<16xi32>], vector<16xi32>,
    %add3A_896 = arith.constant 1 : i32
    %add3A_897 = vector.broadcast %add3A_896 : i32 to vector<16xi32>
    %add3A_898 = arith.addi %mul3A_894, %add3A_897 : vector<16xi32>
    %gather3A_899 = tpu.vector_load_idx %arg11[%add3A_898] : memref<1920xi32, #tpu.memory_space<vmem>>[vector<16xi32>], vector<16xi32>,
    %add3A_900 = arith.constant 2 : i32
    %add3A_901 = vector.broadcast %add3A_900 : i32 to vector<16xi32>
    %add3A_902 = arith.addi %mul3A_894, %add3A_901 : vector<16xi32>
    %gather3A_903 = tpu.vector_load_idx %arg11[%add3A_902] : memref<1920xi32, #tpu.memory_space<vmem>>[vector<16xi32>], vector<16xi32>,
    %mul3A_904 = arith.constant 4096 : i32
    %mul3A_905 = vector.broadcast %mul3A_904 : i32 to vector<16xi32>
    %mul3A_906 = arith.muli %gather3A_895, %mul3A_905 : vector<16xi32>
    %shift_right_logical3A_907 = arith.constant 1 : i32
    %shift_right_logical3A_908 = vector.broadcast %shift_right_logical3A_907 : i32 to vector<16xi32>
    %shift_right_logical3A_909 = arith.shrui %gather3A_899, %shift_right_logical3A_908 : vector<16xi32>
    %mul3A_910 = arith.constant 64 : i32
    %mul3A_911 = vector.broadcast %mul3A_910 : i32 to vector<16xi32>
    %mul3A_912 = arith.muli %shift_right_logical3A_909, %mul3A_911 : vector<16xi32>
    %add3A_913 = arith.addi %mul3A_906, %mul3A_912 : vector<16xi32>
    %shift_right_logical3A_914 = arith.constant 1 : i32
    %shift_right_logical3A_915 = vector.broadcast %shift_right_logical3A_914 : i32 to vector<16xi32>
    %shift_right_logical3A_916 = arith.shrui %gather3A_903, %shift_right_logical3A_915 : vector<16xi32>
    %add3A_917 = arith.addi %add3A_913, %shift_right_logical3A_916 : vector<16xi32>
    %swap3A_918 = arith.constant 64 : index
    %swap3A_919 = tpu.vector_load %arg9[%swap3A_918] {strides = array<i32>} : memref<128xi32, #tpu.memory_space<vmem>>, vector<16xi32>,
    tpu.vector_store %arg9[%swap3A_918], %add3A_917 {strides = array<i32>} : memref<128xi32, #tpu.memory_space<vmem>>, vector<16xi32>,
    %add3A_920 = arith.constant 464 : i32
    %add3A_921 = vector.broadcast %add3A_920 : i32 to vector<16xi32>
    %add3A_922 = arith.addi %add3A_921, %iota3A : vector<16xi32>
    %mul3A_923 = arith.constant 3 : i32
    %mul3A_924 = vector.broadcast %mul3A_923 : i32 to vector<16xi32>
    %mul3A_925 = arith.muli %add3A_922, %mul3A_924 : vector<16xi32>
    %gather3A_926 = tpu.vector_load_idx %arg11[%mul3A_925] : memref<1920xi32, #tpu.memory_space<vmem>>[vector<16xi32>], vector<16xi32>,
    %add3A_927 = arith.constant 1 : i32
    %add3A_928 = vector.broadcast %add3A_927 : i32 to vector<16xi32>
    %add3A_929 = arith.addi %mul3A_925, %add3A_928 : vector<16xi32>
    %gather3A_930 = tpu.vector_load_idx %arg11[%add3A_929] : memref<1920xi32, #tpu.memory_space<vmem>>[vector<16xi32>], vector<16xi32>,
    %add3A_931 = arith.constant 2 : i32
    %add3A_932 = vector.broadcast %add3A_931 : i32 to vector<16xi32>
    %add3A_933 = arith.addi %mul3A_925, %add3A_932 : vector<16xi32>
    %gather3A_934 = tpu.vector_load_idx %arg11[%add3A_933] : memref<1920xi32, #tpu.memory_space<vmem>>[vector<16xi32>], vector<16xi32>,
    %mul3A_935 = arith.constant 4096 : i32
    %mul3A_936 = vector.broadcast %mul3A_935 : i32 to vector<16xi32>
    %mul3A_937 = arith.muli %gather3A_926, %mul3A_936 : vector<16xi32>
    %shift_right_logical3A_938 = arith.constant 1 : i32
    %shift_right_logical3A_939 = vector.broadcast %shift_right_logical3A_938 : i32 to vector<16xi32>
    %shift_right_logical3A_940 = arith.shrui %gather3A_930, %shift_right_logical3A_939 : vector<16xi32>
    %mul3A_941 = arith.constant 64 : i32
    %mul3A_942 = vector.broadcast %mul3A_941 : i32 to vector<16xi32>
    %mul3A_943 = arith.muli %shift_right_logical3A_940, %mul3A_942 : vector<16xi32>
    %add3A_944 = arith.addi %mul3A_937, %mul3A_943 : vector<16xi32>
    %shift_right_logical3A_945 = arith.constant 1 : i32
    %shift_right_logical3A_946 = vector.broadcast %shift_right_logical3A_945 : i32 to vector<16xi32>
    %shift_right_logical3A_947 = arith.shrui %gather3A_934, %shift_right_logical3A_946 : vector<16xi32>
    %add3A_948 = arith.addi %add3A_944, %shift_right_logical3A_947 : vector<16xi32>
    %swap3A_949 = arith.constant 80 : index
    %swap3A_950 = tpu.vector_load %arg9[%swap3A_949] {strides = array<i32>} : memref<128xi32, #tpu.memory_space<vmem>>, vector<16xi32>,
    tpu.vector_store %arg9[%swap3A_949], %add3A_948 {strides = array<i32>} : memref<128xi32, #tpu.memory_space<vmem>>, vector<16xi32>,
    %add3A_951 = arith.constant 480 : i32
    %add3A_952 = vector.broadcast %add3A_951 : i32 to vector<16xi32>
    %add3A_953 = arith.addi %add3A_952, %iota3A : vector<16xi32>
    %mul3A_954 = arith.constant 3 : i32
    %mul3A_955 = vector.broadcast %mul3A_954 : i32 to vector<16xi32>
    %mul3A_956 = arith.muli %add3A_953, %mul3A_955 : vector<16xi32>
    %gather3A_957 = tpu.vector_load_idx %arg11[%mul3A_956] : memref<1920xi32, #tpu.memory_space<vmem>>[vector<16xi32>], vector<16xi32>,
    %add3A_958 = arith.constant 1 : i32
    %add3A_959 = vector.broadcast %add3A_958 : i32 to vector<16xi32>
    %add3A_960 = arith.addi %mul3A_956, %add3A_959 : vector<16xi32>
    %gather3A_961 = tpu.vector_load_idx %arg11[%add3A_960] : memref<1920xi32, #tpu.memory_space<vmem>>[vector<16xi32>], vector<16xi32>,
    %add3A_962 = arith.constant 2 : i32
    %add3A_963 = vector.broadcast %add3A_962 : i32 to vector<16xi32>
    %add3A_964 = arith.addi %mul3A_956, %add3A_963 : vector<16xi32>
    %gather3A_965 = tpu.vector_load_idx %arg11[%add3A_964] : memref<1920xi32, #tpu.memory_space<vmem>>[vector<16xi32>], vector<16xi32>,
    %mul3A_966 = arith.constant 4096 : i32
    %mul3A_967 = vector.broadcast %mul3A_966 : i32 to vector<16xi32>
    %mul3A_968 = arith.muli %gather3A_957, %mul3A_967 : vector<16xi32>
    %shift_right_logical3A_969 = arith.constant 1 : i32
    %shift_right_logical3A_970 = vector.broadcast %shift_right_logical3A_969 : i32 to vector<16xi32>
    %shift_right_logical3A_971 = arith.shrui %gather3A_961, %shift_right_logical3A_970 : vector<16xi32>
    %mul3A_972 = arith.constant 64 : i32
    %mul3A_973 = vector.broadcast %mul3A_972 : i32 to vector<16xi32>
    %mul3A_974 = arith.muli %shift_right_logical3A_971, %mul3A_973 : vector<16xi32>
    %add3A_975 = arith.addi %mul3A_968, %mul3A_974 : vector<16xi32>
    %shift_right_logical3A_976 = arith.constant 1 : i32
    %shift_right_logical3A_977 = vector.broadcast %shift_right_logical3A_976 : i32 to vector<16xi32>
    %shift_right_logical3A_978 = arith.shrui %gather3A_965, %shift_right_logical3A_977 : vector<16xi32>
    %add3A_979 = arith.addi %add3A_975, %shift_right_logical3A_978 : vector<16xi32>
    %swap3A_980 = arith.constant 96 : index
    %swap3A_981 = tpu.vector_load %arg9[%swap3A_980] {strides = array<i32>} : memref<128xi32, #tpu.memory_space<vmem>>, vector<16xi32>,
    tpu.vector_store %arg9[%swap3A_980], %add3A_979 {strides = array<i32>} : memref<128xi32, #tpu.memory_space<vmem>>, vector<16xi32>,
    %add3A_982 = arith.constant 496 : i32
    %add3A_983 = vector.broadcast %add3A_982 : i32 to vector<16xi32>
    %add3A_984 = arith.addi %add3A_983, %iota3A : vector<16xi32>
    %mul3A_985 = arith.constant 3 : i32
    %mul3A_986 = vector.broadcast %mul3A_985 : i32 to vector<16xi32>
    %mul3A_987 = arith.muli %add3A_984, %mul3A_986 : vector<16xi32>
    %gather3A_988 = tpu.vector_load_idx %arg11[%mul3A_987] : memref<1920xi32, #tpu.memory_space<vmem>>[vector<16xi32>], vector<16xi32>,
    %add3A_989 = arith.constant 1 : i32
    %add3A_990 = vector.broadcast %add3A_989 : i32 to vector<16xi32>
    %add3A_991 = arith.addi %mul3A_987, %add3A_990 : vector<16xi32>
    %gather3A_992 = tpu.vector_load_idx %arg11[%add3A_991] : memref<1920xi32, #tpu.memory_space<vmem>>[vector<16xi32>], vector<16xi32>,
    %add3A_993 = arith.constant 2 : i32
    %add3A_994 = vector.broadcast %add3A_993 : i32 to vector<16xi32>
    %add3A_995 = arith.addi %mul3A_987, %add3A_994 : vector<16xi32>
    %gather3A_996 = tpu.vector_load_idx %arg11[%add3A_995] : memref<1920xi32, #tpu.memory_space<vmem>>[vector<16xi32>], vector<16xi32>,
    %mul3A_997 = arith.constant 4096 : i32
    %mul3A_998 = vector.broadcast %mul3A_997 : i32 to vector<16xi32>
    %mul3A_999 = arith.muli %gather3A_988, %mul3A_998 : vector<16xi32>
    %shift_right_logical3A_1000 = arith.constant 1 : i32
    %shift_right_logical3A_1001 = vector.broadcast %shift_right_logical3A_1000 : i32 to vector<16xi32>
    %shift_right_logical3A_1002 = arith.shrui %gather3A_992, %shift_right_logical3A_1001 : vector<16xi32>
    %mul3A_1003 = arith.constant 64 : i32
    %mul3A_1004 = vector.broadcast %mul3A_1003 : i32 to vector<16xi32>
    %mul3A_1005 = arith.muli %shift_right_logical3A_1002, %mul3A_1004 : vector<16xi32>
    %add3A_1006 = arith.addi %mul3A_999, %mul3A_1005 : vector<16xi32>
    %shift_right_logical3A_1007 = arith.constant 1 : i32
    %shift_right_logical3A_1008 = vector.broadcast %shift_right_logical3A_1007 : i32 to vector<16xi32>
    %shift_right_logical3A_1009 = arith.shrui %gather3A_996, %shift_right_logical3A_1008 : vector<16xi32>
    %add3A_1010 = arith.addi %add3A_1006, %shift_right_logical3A_1009 : vector<16xi32>
    %swap3A_1011 = arith.constant 112 : index
    %swap3A_1012 = tpu.vector_load %arg9[%swap3A_1011] {strides = array<i32>} : memref<128xi32, #tpu.memory_space<vmem>>, vector<16xi32>,
    tpu.vector_store %arg9[%swap3A_1011], %add3A_1010 {strides = array<i32>} : memref<128xi32, #tpu.memory_space<vmem>>, vector<16xi32>,
    %add3A_1013 = arith.constant 512 : i32
    %add3A_1014 = vector.broadcast %add3A_1013 : i32 to vector<16xi32>
    %add3A_1015 = arith.addi %add3A_1014, %iota3A : vector<16xi32>
    %mul3A_1016 = arith.constant 3 : i32
    %mul3A_1017 = vector.broadcast %mul3A_1016 : i32 to vector<16xi32>
    %mul3A_1018 = arith.muli %add3A_1015, %mul3A_1017 : vector<16xi32>
    %gather3A_1019 = tpu.vector_load_idx %arg11[%mul3A_1018] : memref<1920xi32, #tpu.memory_space<vmem>>[vector<16xi32>], vector<16xi32>,
    %add3A_1020 = arith.constant 1 : i32
    %add3A_1021 = vector.broadcast %add3A_1020 : i32 to vector<16xi32>
    %add3A_1022 = arith.addi %mul3A_1018, %add3A_1021 : vector<16xi32>
    %gather3A_1023 = tpu.vector_load_idx %arg11[%add3A_1022] : memref<1920xi32, #tpu.memory_space<vmem>>[vector<16xi32>], vector<16xi32>,
    %add3A_1024 = arith.constant 2 : i32
    %add3A_1025 = vector.broadcast %add3A_1024 : i32 to vector<16xi32>
    %add3A_1026 = arith.addi %mul3A_1018, %add3A_1025 : vector<16xi32>
    %gather3A_1027 = tpu.vector_load_idx %arg11[%add3A_1026] : memref<1920xi32, #tpu.memory_space<vmem>>[vector<16xi32>], vector<16xi32>,
    %mul3A_1028 = arith.constant 4096 : i32
    %mul3A_1029 = vector.broadcast %mul3A_1028 : i32 to vector<16xi32>
    %mul3A_1030 = arith.muli %gather3A_1019, %mul3A_1029 : vector<16xi32>
    %shift_right_logical3A_1031 = arith.constant 1 : i32
    %shift_right_logical3A_1032 = vector.broadcast %shift_right_logical3A_1031 : i32 to vector<16xi32>
    %shift_right_logical3A_1033 = arith.shrui %gather3A_1023, %shift_right_logical3A_1032 : vector<16xi32>
    %mul3A_1034 = arith.constant 64 : i32
    %mul3A_1035 = vector.broadcast %mul3A_1034 : i32 to vector<16xi32>
    %mul3A_1036 = arith.muli %shift_right_logical3A_1033, %mul3A_1035 : vector<16xi32>
    %add3A_1037 = arith.addi %mul3A_1030, %mul3A_1036 : vector<16xi32>
    %shift_right_logical3A_1038 = arith.constant 1 : i32
    %shift_right_logical3A_1039 = vector.broadcast %shift_right_logical3A_1038 : i32 to vector<16xi32>
    %shift_right_logical3A_1040 = arith.shrui %gather3A_1027, %shift_right_logical3A_1039 : vector<16xi32>
    %add3A_1041 = arith.addi %add3A_1037, %shift_right_logical3A_1040 : vector<16xi32>
    %swap3A_1042 = arith.constant 0 : index
    %swap3A_1043 = tpu.vector_load %arg10[%swap3A_1042] {strides = array<i32>} : memref<128xi32, #tpu.memory_space<vmem>>, vector<16xi32>,
    tpu.vector_store %arg10[%swap3A_1042], %add3A_1041 {strides = array<i32>} : memref<128xi32, #tpu.memory_space<vmem>>, vector<16xi32>,
    %add3A_1044 = arith.constant 528 : i32
    %add3A_1045 = vector.broadcast %add3A_1044 : i32 to vector<16xi32>
    %add3A_1046 = arith.addi %add3A_1045, %iota3A : vector<16xi32>
    %mul3A_1047 = arith.constant 3 : i32
    %mul3A_1048 = vector.broadcast %mul3A_1047 : i32 to vector<16xi32>
    %mul3A_1049 = arith.muli %add3A_1046, %mul3A_1048 : vector<16xi32>
    %gather3A_1050 = tpu.vector_load_idx %arg11[%mul3A_1049] : memref<1920xi32, #tpu.memory_space<vmem>>[vector<16xi32>], vector<16xi32>,
    %add3A_1051 = arith.constant 1 : i32
    %add3A_1052 = vector.broadcast %add3A_1051 : i32 to vector<16xi32>
    %add3A_1053 = arith.addi %mul3A_1049, %add3A_1052 : vector<16xi32>
    %gather3A_1054 = tpu.vector_load_idx %arg11[%add3A_1053] : memref<1920xi32, #tpu.memory_space<vmem>>[vector<16xi32>], vector<16xi32>,
    %add3A_1055 = arith.constant 2 : i32
    %add3A_1056 = vector.broadcast %add3A_1055 : i32 to vector<16xi32>
    %add3A_1057 = arith.addi %mul3A_1049, %add3A_1056 : vector<16xi32>
    %gather3A_1058 = tpu.vector_load_idx %arg11[%add3A_1057] : memref<1920xi32, #tpu.memory_space<vmem>>[vector<16xi32>], vector<16xi32>,
    %mul3A_1059 = arith.constant 4096 : i32
    %mul3A_1060 = vector.broadcast %mul3A_1059 : i32 to vector<16xi32>
    %mul3A_1061 = arith.muli %gather3A_1050, %mul3A_1060 : vector<16xi32>
    %shift_right_logical3A_1062 = arith.constant 1 : i32
    %shift_right_logical3A_1063 = vector.broadcast %shift_right_logical3A_1062 : i32 to vector<16xi32>
    %shift_right_logical3A_1064 = arith.shrui %gather3A_1054, %shift_right_logical3A_1063 : vector<16xi32>
    %mul3A_1065 = arith.constant 64 : i32
    %mul3A_1066 = vector.broadcast %mul3A_1065 : i32 to vector<16xi32>
    %mul3A_1067 = arith.muli %shift_right_logical3A_1064, %mul3A_1066 : vector<16xi32>
    %add3A_1068 = arith.addi %mul3A_1061, %mul3A_1067 : vector<16xi32>
    %shift_right_logical3A_1069 = arith.constant 1 : i32
    %shift_right_logical3A_1070 = vector.broadcast %shift_right_logical3A_1069 : i32 to vector<16xi32>
    %shift_right_logical3A_1071 = arith.shrui %gather3A_1058, %shift_right_logical3A_1070 : vector<16xi32>
    %add3A_1072 = arith.addi %add3A_1068, %shift_right_logical3A_1071 : vector<16xi32>
    %swap3A_1073 = arith.constant 16 : index
    %swap3A_1074 = tpu.vector_load %arg10[%swap3A_1073] {strides = array<i32>} : memref<128xi32, #tpu.memory_space<vmem>>, vector<16xi32>,
    tpu.vector_store %arg10[%swap3A_1073], %add3A_1072 {strides = array<i32>} : memref<128xi32, #tpu.memory_space<vmem>>, vector<16xi32>,
    %add3A_1075 = arith.constant 544 : i32
    %add3A_1076 = vector.broadcast %add3A_1075 : i32 to vector<16xi32>
    %add3A_1077 = arith.addi %add3A_1076, %iota3A : vector<16xi32>
    %mul3A_1078 = arith.constant 3 : i32
    %mul3A_1079 = vector.broadcast %mul3A_1078 : i32 to vector<16xi32>
    %mul3A_1080 = arith.muli %add3A_1077, %mul3A_1079 : vector<16xi32>
    %gather3A_1081 = tpu.vector_load_idx %arg11[%mul3A_1080] : memref<1920xi32, #tpu.memory_space<vmem>>[vector<16xi32>], vector<16xi32>,
    %add3A_1082 = arith.constant 1 : i32
    %add3A_1083 = vector.broadcast %add3A_1082 : i32 to vector<16xi32>
    %add3A_1084 = arith.addi %mul3A_1080, %add3A_1083 : vector<16xi32>
    %gather3A_1085 = tpu.vector_load_idx %arg11[%add3A_1084] : memref<1920xi32, #tpu.memory_space<vmem>>[vector<16xi32>], vector<16xi32>,
    %add3A_1086 = arith.constant 2 : i32
    %add3A_1087 = vector.broadcast %add3A_1086 : i32 to vector<16xi32>
    %add3A_1088 = arith.addi %mul3A_1080, %add3A_1087 : vector<16xi32>
    %gather3A_1089 = tpu.vector_load_idx %arg11[%add3A_1088] : memref<1920xi32, #tpu.memory_space<vmem>>[vector<16xi32>], vector<16xi32>,
    %mul3A_1090 = arith.constant 4096 : i32
    %mul3A_1091 = vector.broadcast %mul3A_1090 : i32 to vector<16xi32>
    %mul3A_1092 = arith.muli %gather3A_1081, %mul3A_1091 : vector<16xi32>
    %shift_right_logical3A_1093 = arith.constant 1 : i32
    %shift_right_logical3A_1094 = vector.broadcast %shift_right_logical3A_1093 : i32 to vector<16xi32>
    %shift_right_logical3A_1095 = arith.shrui %gather3A_1085, %shift_right_logical3A_1094 : vector<16xi32>
    %mul3A_1096 = arith.constant 64 : i32
    %mul3A_1097 = vector.broadcast %mul3A_1096 : i32 to vector<16xi32>
    %mul3A_1098 = arith.muli %shift_right_logical3A_1095, %mul3A_1097 : vector<16xi32>
    %add3A_1099 = arith.addi %mul3A_1092, %mul3A_1098 : vector<16xi32>
    %shift_right_logical3A_1100 = arith.constant 1 : i32
    %shift_right_logical3A_1101 = vector.broadcast %shift_right_logical3A_1100 : i32 to vector<16xi32>
    %shift_right_logical3A_1102 = arith.shrui %gather3A_1089, %shift_right_logical3A_1101 : vector<16xi32>
    %add3A_1103 = arith.addi %add3A_1099, %shift_right_logical3A_1102 : vector<16xi32>
    %swap3A_1104 = arith.constant 32 : index
    %swap3A_1105 = tpu.vector_load %arg10[%swap3A_1104] {strides = array<i32>} : memref<128xi32, #tpu.memory_space<vmem>>, vector<16xi32>,
    tpu.vector_store %arg10[%swap3A_1104], %add3A_1103 {strides = array<i32>} : memref<128xi32, #tpu.memory_space<vmem>>, vector<16xi32>,
    %add3A_1106 = arith.constant 560 : i32
    %add3A_1107 = vector.broadcast %add3A_1106 : i32 to vector<16xi32>
    %add3A_1108 = arith.addi %add3A_1107, %iota3A : vector<16xi32>
    %mul3A_1109 = arith.constant 3 : i32
    %mul3A_1110 = vector.broadcast %mul3A_1109 : i32 to vector<16xi32>
    %mul3A_1111 = arith.muli %add3A_1108, %mul3A_1110 : vector<16xi32>
    %gather3A_1112 = tpu.vector_load_idx %arg11[%mul3A_1111] : memref<1920xi32, #tpu.memory_space<vmem>>[vector<16xi32>], vector<16xi32>,
    %add3A_1113 = arith.constant 1 : i32
    %add3A_1114 = vector.broadcast %add3A_1113 : i32 to vector<16xi32>
    %add3A_1115 = arith.addi %mul3A_1111, %add3A_1114 : vector<16xi32>
    %gather3A_1116 = tpu.vector_load_idx %arg11[%add3A_1115] : memref<1920xi32, #tpu.memory_space<vmem>>[vector<16xi32>], vector<16xi32>,
    %add3A_1117 = arith.constant 2 : i32
    %add3A_1118 = vector.broadcast %add3A_1117 : i32 to vector<16xi32>
    %add3A_1119 = arith.addi %mul3A_1111, %add3A_1118 : vector<16xi32>
    %gather3A_1120 = tpu.vector_load_idx %arg11[%add3A_1119] : memref<1920xi32, #tpu.memory_space<vmem>>[vector<16xi32>], vector<16xi32>,
    %mul3A_1121 = arith.constant 4096 : i32
    %mul3A_1122 = vector.broadcast %mul3A_1121 : i32 to vector<16xi32>
    %mul3A_1123 = arith.muli %gather3A_1112, %mul3A_1122 : vector<16xi32>
    %shift_right_logical3A_1124 = arith.constant 1 : i32
    %shift_right_logical3A_1125 = vector.broadcast %shift_right_logical3A_1124 : i32 to vector<16xi32>
    %shift_right_logical3A_1126 = arith.shrui %gather3A_1116, %shift_right_logical3A_1125 : vector<16xi32>
    %mul3A_1127 = arith.constant 64 : i32
    %mul3A_1128 = vector.broadcast %mul3A_1127 : i32 to vector<16xi32>
    %mul3A_1129 = arith.muli %shift_right_logical3A_1126, %mul3A_1128 : vector<16xi32>
    %add3A_1130 = arith.addi %mul3A_1123, %mul3A_1129 : vector<16xi32>
    %shift_right_logical3A_1131 = arith.constant 1 : i32
    %shift_right_logical3A_1132 = vector.broadcast %shift_right_logical3A_1131 : i32 to vector<16xi32>
    %shift_right_logical3A_1133 = arith.shrui %gather3A_1120, %shift_right_logical3A_1132 : vector<16xi32>
    %add3A_1134 = arith.addi %add3A_1130, %shift_right_logical3A_1133 : vector<16xi32>
    %swap3A_1135 = arith.constant 48 : index
    %swap3A_1136 = tpu.vector_load %arg10[%swap3A_1135] {strides = array<i32>} : memref<128xi32, #tpu.memory_space<vmem>>, vector<16xi32>,
    tpu.vector_store %arg10[%swap3A_1135], %add3A_1134 {strides = array<i32>} : memref<128xi32, #tpu.memory_space<vmem>>, vector<16xi32>,
    %add3A_1137 = arith.constant 576 : i32
    %add3A_1138 = vector.broadcast %add3A_1137 : i32 to vector<16xi32>
    %add3A_1139 = arith.addi %add3A_1138, %iota3A : vector<16xi32>
    %mul3A_1140 = arith.constant 3 : i32
    %mul3A_1141 = vector.broadcast %mul3A_1140 : i32 to vector<16xi32>
    %mul3A_1142 = arith.muli %add3A_1139, %mul3A_1141 : vector<16xi32>
    %gather3A_1143 = tpu.vector_load_idx %arg11[%mul3A_1142] : memref<1920xi32, #tpu.memory_space<vmem>>[vector<16xi32>], vector<16xi32>,
    %add3A_1144 = arith.constant 1 : i32
    %add3A_1145 = vector.broadcast %add3A_1144 : i32 to vector<16xi32>
    %add3A_1146 = arith.addi %mul3A_1142, %add3A_1145 : vector<16xi32>
    %gather3A_1147 = tpu.vector_load_idx %arg11[%add3A_1146] : memref<1920xi32, #tpu.memory_space<vmem>>[vector<16xi32>], vector<16xi32>,
    %add3A_1148 = arith.constant 2 : i32
    %add3A_1149 = vector.broadcast %add3A_1148 : i32 to vector<16xi32>
    %add3A_1150 = arith.addi %mul3A_1142, %add3A_1149 : vector<16xi32>
    %gather3A_1151 = tpu.vector_load_idx %arg11[%add3A_1150] : memref<1920xi32, #tpu.memory_space<vmem>>[vector<16xi32>], vector<16xi32>,
    %mul3A_1152 = arith.constant 4096 : i32
    %mul3A_1153 = vector.broadcast %mul3A_1152 : i32 to vector<16xi32>
    %mul3A_1154 = arith.muli %gather3A_1143, %mul3A_1153 : vector<16xi32>
    %shift_right_logical3A_1155 = arith.constant 1 : i32
    %shift_right_logical3A_1156 = vector.broadcast %shift_right_logical3A_1155 : i32 to vector<16xi32>
    %shift_right_logical3A_1157 = arith.shrui %gather3A_1147, %shift_right_logical3A_1156 : vector<16xi32>
    %mul3A_1158 = arith.constant 64 : i32
    %mul3A_1159 = vector.broadcast %mul3A_1158 : i32 to vector<16xi32>
    %mul3A_1160 = arith.muli %shift_right_logical3A_1157, %mul3A_1159 : vector<16xi32>
    %add3A_1161 = arith.addi %mul3A_1154, %mul3A_1160 : vector<16xi32>
    %shift_right_logical3A_1162 = arith.constant 1 : i32
    %shift_right_logical3A_1163 = vector.broadcast %shift_right_logical3A_1162 : i32 to vector<16xi32>
    %shift_right_logical3A_1164 = arith.shrui %gather3A_1151, %shift_right_logical3A_1163 : vector<16xi32>
    %add3A_1165 = arith.addi %add3A_1161, %shift_right_logical3A_1164 : vector<16xi32>
    %swap3A_1166 = arith.constant 64 : index
    %swap3A_1167 = tpu.vector_load %arg10[%swap3A_1166] {strides = array<i32>} : memref<128xi32, #tpu.memory_space<vmem>>, vector<16xi32>,
    tpu.vector_store %arg10[%swap3A_1166], %add3A_1165 {strides = array<i32>} : memref<128xi32, #tpu.memory_space<vmem>>, vector<16xi32>,
    %add3A_1168 = arith.constant 592 : i32
    %add3A_1169 = vector.broadcast %add3A_1168 : i32 to vector<16xi32>
    %add3A_1170 = arith.addi %add3A_1169, %iota3A : vector<16xi32>
    %mul3A_1171 = arith.constant 3 : i32
    %mul3A_1172 = vector.broadcast %mul3A_1171 : i32 to vector<16xi32>
    %mul3A_1173 = arith.muli %add3A_1170, %mul3A_1172 : vector<16xi32>
    %gather3A_1174 = tpu.vector_load_idx %arg11[%mul3A_1173] : memref<1920xi32, #tpu.memory_space<vmem>>[vector<16xi32>], vector<16xi32>,
    %add3A_1175 = arith.constant 1 : i32
    %add3A_1176 = vector.broadcast %add3A_1175 : i32 to vector<16xi32>
    %add3A_1177 = arith.addi %mul3A_1173, %add3A_1176 : vector<16xi32>
    %gather3A_1178 = tpu.vector_load_idx %arg11[%add3A_1177] : memref<1920xi32, #tpu.memory_space<vmem>>[vector<16xi32>], vector<16xi32>,
    %add3A_1179 = arith.constant 2 : i32
    %add3A_1180 = vector.broadcast %add3A_1179 : i32 to vector<16xi32>
    %add3A_1181 = arith.addi %mul3A_1173, %add3A_1180 : vector<16xi32>
    %gather3A_1182 = tpu.vector_load_idx %arg11[%add3A_1181] : memref<1920xi32, #tpu.memory_space<vmem>>[vector<16xi32>], vector<16xi32>,
    %mul3A_1183 = arith.constant 4096 : i32
    %mul3A_1184 = vector.broadcast %mul3A_1183 : i32 to vector<16xi32>
    %mul3A_1185 = arith.muli %gather3A_1174, %mul3A_1184 : vector<16xi32>
    %shift_right_logical3A_1186 = arith.constant 1 : i32
    %shift_right_logical3A_1187 = vector.broadcast %shift_right_logical3A_1186 : i32 to vector<16xi32>
    %shift_right_logical3A_1188 = arith.shrui %gather3A_1178, %shift_right_logical3A_1187 : vector<16xi32>
    %mul3A_1189 = arith.constant 64 : i32
    %mul3A_1190 = vector.broadcast %mul3A_1189 : i32 to vector<16xi32>
    %mul3A_1191 = arith.muli %shift_right_logical3A_1188, %mul3A_1190 : vector<16xi32>
    %add3A_1192 = arith.addi %mul3A_1185, %mul3A_1191 : vector<16xi32>
    %shift_right_logical3A_1193 = arith.constant 1 : i32
    %shift_right_logical3A_1194 = vector.broadcast %shift_right_logical3A_1193 : i32 to vector<16xi32>
    %shift_right_logical3A_1195 = arith.shrui %gather3A_1182, %shift_right_logical3A_1194 : vector<16xi32>
    %add3A_1196 = arith.addi %add3A_1192, %shift_right_logical3A_1195 : vector<16xi32>
    %swap3A_1197 = arith.constant 80 : index
    %swap3A_1198 = tpu.vector_load %arg10[%swap3A_1197] {strides = array<i32>} : memref<128xi32, #tpu.memory_space<vmem>>, vector<16xi32>,
    tpu.vector_store %arg10[%swap3A_1197], %add3A_1196 {strides = array<i32>} : memref<128xi32, #tpu.memory_space<vmem>>, vector<16xi32>,
    %add3A_1199 = arith.constant 608 : i32
    %add3A_1200 = vector.broadcast %add3A_1199 : i32 to vector<16xi32>
    %add3A_1201 = arith.addi %add3A_1200, %iota3A : vector<16xi32>
    %mul3A_1202 = arith.constant 3 : i32
    %mul3A_1203 = vector.broadcast %mul3A_1202 : i32 to vector<16xi32>
    %mul3A_1204 = arith.muli %add3A_1201, %mul3A_1203 : vector<16xi32>
    %gather3A_1205 = tpu.vector_load_idx %arg11[%mul3A_1204] : memref<1920xi32, #tpu.memory_space<vmem>>[vector<16xi32>], vector<16xi32>,
    %add3A_1206 = arith.constant 1 : i32
    %add3A_1207 = vector.broadcast %add3A_1206 : i32 to vector<16xi32>
    %add3A_1208 = arith.addi %mul3A_1204, %add3A_1207 : vector<16xi32>
    %gather3A_1209 = tpu.vector_load_idx %arg11[%add3A_1208] : memref<1920xi32, #tpu.memory_space<vmem>>[vector<16xi32>], vector<16xi32>,
    %add3A_1210 = arith.constant 2 : i32
    %add3A_1211 = vector.broadcast %add3A_1210 : i32 to vector<16xi32>
    %add3A_1212 = arith.addi %mul3A_1204, %add3A_1211 : vector<16xi32>
    %gather3A_1213 = tpu.vector_load_idx %arg11[%add3A_1212] : memref<1920xi32, #tpu.memory_space<vmem>>[vector<16xi32>], vector<16xi32>,
    %mul3A_1214 = arith.constant 4096 : i32
    %mul3A_1215 = vector.broadcast %mul3A_1214 : i32 to vector<16xi32>
    %mul3A_1216 = arith.muli %gather3A_1205, %mul3A_1215 : vector<16xi32>
    %shift_right_logical3A_1217 = arith.constant 1 : i32
    %shift_right_logical3A_1218 = vector.broadcast %shift_right_logical3A_1217 : i32 to vector<16xi32>
    %shift_right_logical3A_1219 = arith.shrui %gather3A_1209, %shift_right_logical3A_1218 : vector<16xi32>
    %mul3A_1220 = arith.constant 64 : i32
    %mul3A_1221 = vector.broadcast %mul3A_1220 : i32 to vector<16xi32>
    %mul3A_1222 = arith.muli %shift_right_logical3A_1219, %mul3A_1221 : vector<16xi32>
    %add3A_1223 = arith.addi %mul3A_1216, %mul3A_1222 : vector<16xi32>
    %shift_right_logical3A_1224 = arith.constant 1 : i32
    %shift_right_logical3A_1225 = vector.broadcast %shift_right_logical3A_1224 : i32 to vector<16xi32>
    %shift_right_logical3A_1226 = arith.shrui %gather3A_1213, %shift_right_logical3A_1225 : vector<16xi32>
    %add3A_1227 = arith.addi %add3A_1223, %shift_right_logical3A_1226 : vector<16xi32>
    %swap3A_1228 = arith.constant 96 : index
    %swap3A_1229 = tpu.vector_load %arg10[%swap3A_1228] {strides = array<i32>} : memref<128xi32, #tpu.memory_space<vmem>>, vector<16xi32>,
    tpu.vector_store %arg10[%swap3A_1228], %add3A_1227 {strides = array<i32>} : memref<128xi32, #tpu.memory_space<vmem>>, vector<16xi32>,
    %add3A_1230 = arith.constant 624 : i32
    %add3A_1231 = vector.broadcast %add3A_1230 : i32 to vector<16xi32>
    %add3A_1232 = arith.addi %add3A_1231, %iota3A : vector<16xi32>
    %mul3A_1233 = arith.constant 3 : i32
    %mul3A_1234 = vector.broadcast %mul3A_1233 : i32 to vector<16xi32>
    %mul3A_1235 = arith.muli %add3A_1232, %mul3A_1234 : vector<16xi32>
    %gather3A_1236 = tpu.vector_load_idx %arg11[%mul3A_1235] : memref<1920xi32, #tpu.memory_space<vmem>>[vector<16xi32>], vector<16xi32>,
    %add3A_1237 = arith.constant 1 : i32
    %add3A_1238 = vector.broadcast %add3A_1237 : i32 to vector<16xi32>
    %add3A_1239 = arith.addi %mul3A_1235, %add3A_1238 : vector<16xi32>
    %gather3A_1240 = tpu.vector_load_idx %arg11[%add3A_1239] : memref<1920xi32, #tpu.memory_space<vmem>>[vector<16xi32>], vector<16xi32>,
    %add3A_1241 = arith.constant 2 : i32
    %add3A_1242 = vector.broadcast %add3A_1241 : i32 to vector<16xi32>
    %add3A_1243 = arith.addi %mul3A_1235, %add3A_1242 : vector<16xi32>
    %gather3A_1244 = tpu.vector_load_idx %arg11[%add3A_1243] : memref<1920xi32, #tpu.memory_space<vmem>>[vector<16xi32>], vector<16xi32>,
    %mul3A_1245 = arith.constant 4096 : i32
    %mul3A_1246 = vector.broadcast %mul3A_1245 : i32 to vector<16xi32>
    %mul3A_1247 = arith.muli %gather3A_1236, %mul3A_1246 : vector<16xi32>
    %shift_right_logical3A_1248 = arith.constant 1 : i32
    %shift_right_logical3A_1249 = vector.broadcast %shift_right_logical3A_1248 : i32 to vector<16xi32>
    %shift_right_logical3A_1250 = arith.shrui %gather3A_1240, %shift_right_logical3A_1249 : vector<16xi32>
    %mul3A_1251 = arith.constant 64 : i32
    %mul3A_1252 = vector.broadcast %mul3A_1251 : i32 to vector<16xi32>
    %mul3A_1253 = arith.muli %shift_right_logical3A_1250, %mul3A_1252 : vector<16xi32>
    %add3A_1254 = arith.addi %mul3A_1247, %mul3A_1253 : vector<16xi32>
    %shift_right_logical3A_1255 = arith.constant 1 : i32
    %shift_right_logical3A_1256 = vector.broadcast %shift_right_logical3A_1255 : i32 to vector<16xi32>
    %shift_right_logical3A_1257 = arith.shrui %gather3A_1244, %shift_right_logical3A_1256 : vector<16xi32>
    %add3A_1258 = arith.addi %add3A_1254, %shift_right_logical3A_1257 : vector<16xi32>
    %swap3A_1259 = arith.constant 112 : index
    %swap3A_1260 = tpu.vector_load %arg10[%swap3A_1259] {strides = array<i32>} : memref<128xi32, #tpu.memory_space<vmem>>, vector<16xi32>,
    tpu.vector_store %arg10[%swap3A_1259], %add3A_1258 {strides = array<i32>} : memref<128xi32, #tpu.memory_space<vmem>>, vector<16xi32>,
    %dma_wait3A_1261 = arith.constant 0 : i32
    %dma_wait3A_1262 = tpu.memref_slice %arg13[%mul3A_4, %dma_wait3A_1261] : memref<8320x128xf32, #tpu.memory_space<vmem_shared>> -> memref<520x128xf32, #tpu.memory_space<vmem_shared>>
    tpu.wait_dma2 semaphore(%arg14 : memref<!tpu.dma_semaphore, #tpu.memory_space<semaphore_mem>>) src(%arg4 : memref<520x128xf32, #tpu.memory_space<hbm>>) dst(%dma_wait3A_1262 : memref<520x128xf32, #tpu.memory_space<vmem_shared>>)
    %barrier3A = arith.constant 0 : index
    tpu.barrier barrier_id(%barrier3A)
    %add3A_1263 = arith.constant 128 : i32
    %add3A_1264 = arith.addi %add3A, %add3A_1263 : i32
    %dma_start3A_1265 = arith.constant 1 : i32
    %dma_start3A_1266 = arith.constant 0 : i32
    %dma_start3A_1267 = arith.constant 0 : i32
    %dma_start3A_1268 = tpu.memref_slice %arg12[%dma_start3A_1265, %dma_start3A_1266, %dma_start3A_1267] : memref<2x128x128xf32, #tpu.memory_space<vmem>> -> memref<1x128x128xf32, #tpu.memory_space<vmem>>
    %dma_start3A_1269 = tpu.memref_squeeze %dma_start3A_1268 : memref<1x128x128xf32, #tpu.memory_space<vmem>> -> memref<128x128xf32, #tpu.memory_space<vmem>>
    %dma_start3A_1270 = arith.constant 0 : i32
    %dma_start3A_1271 = tpu.memref_slice %arg2[%add3A_1264, %dma_start3A_1270] : memref<20480x128xf32, #tpu.memory_space<hbm>> -> memref<128x128xf32, #tpu.memory_space<hbm>>
    %dma_start3A_1272 = arith.constant 0 : i32
    %dma_start3A_1273 = arith.constant 0 : i32
    %dma_start3A_1274 = tpu.memref_slice %arg12[%dma_start3A_1265, %dma_start3A_1272, %dma_start3A_1273] : memref<2x128x128xf32, #tpu.memory_space<vmem>> -> memref<1x128x128xf32, #tpu.memory_space<vmem>>
    %dma_start3A_1275 = tpu.memref_squeeze %dma_start3A_1274 : memref<1x128x128xf32, #tpu.memory_space<vmem>> -> memref<128x128xf32, #tpu.memory_space<vmem>>
    %dma_start3A_1276 = arith.constant 0 : i32
    %dma_start3A_1277 = tpu.memref_slice %arg2[%add3A_1264, %dma_start3A_1276] : memref<20480x128xf32, #tpu.memory_space<hbm>> -> memref<128x128xf32, #tpu.memory_space<hbm>>
    tpu.enqueue_dma source(%dma_start3A_1277 : memref<128x128xf32, #tpu.memory_space<hbm>>) target(%dma_start3A_1275 : memref<128x128xf32, #tpu.memory_space<vmem>>) target_semaphore(%arg17 : memref<!tpu.dma_semaphore, #tpu.memory_space<semaphore_mem>>)
    %dma_wait3A_1278 = arith.constant 0 : i32
    %dma_wait3A_1279 = arith.constant 0 : i32
    %dma_wait3A_1280 = arith.constant 0 : i32
    %dma_wait3A_1281 = tpu.memref_slice %arg12[%dma_wait3A_1278, %dma_wait3A_1279, %dma_wait3A_1280] : memref<2x128x128xf32, #tpu.memory_space<vmem>> -> memref<1x128x128xf32, #tpu.memory_space<vmem>>
    %dma_wait3A_1282 = tpu.memref_squeeze %dma_wait3A_1281 : memref<1x128x128xf32, #tpu.memory_space<vmem>> -> memref<128x128xf32, #tpu.memory_space<vmem>>
    %dma_wait3A_1283 = arith.constant 0 : i32
    %dma_wait3A_1284 = tpu.memref_slice %arg2[%add3A, %dma_wait3A_1283] : memref<20480x128xf32, #tpu.memory_space<hbm>> -> memref<128x128xf32, #tpu.memory_space<hbm>>
    %dma_wait3A_1285 = arith.constant 0 : i32
    %dma_wait3A_1286 = arith.constant 0 : i32
    %dma_wait3A_1287 = tpu.memref_slice %arg12[%dma_wait3A_1278, %dma_wait3A_1285, %dma_wait3A_1286] : memref<2x128x128xf32, #tpu.memory_space<vmem>> -> memref<1x128x128xf32, #tpu.memory_space<vmem>>
    %dma_wait3A_1288 = tpu.memref_squeeze %dma_wait3A_1287 : memref<1x128x128xf32, #tpu.memory_space<vmem>> -> memref<128x128xf32, #tpu.memory_space<vmem>>
    %dma_wait3A_1289 = arith.constant 0 : i32
    %dma_wait3A_1290 = tpu.memref_slice %arg2[%add3A, %dma_wait3A_1289] : memref<20480x128xf32, #tpu.memory_space<hbm>> -> memref<128x128xf32, #tpu.memory_space<hbm>>
    tpu.wait_dma2 semaphore(%arg16 : memref<!tpu.dma_semaphore, #tpu.memory_space<semaphore_mem>>) src(%dma_wait3A_1290 : memref<128x128xf32, #tpu.memory_space<hbm>>) dst(%dma_wait3A_1288 : memref<128x128xf32, #tpu.memory_space<vmem>>)
    %run_scoped3A = arith.constant 0 : i32
    "tpu.region"() ({
      %run_scoped3A_1397 = tpu.sem_alloc : memref<!tpu.dma_semaphore, #tpu.memory_space<semaphore_mem>>
      %dma_start3A_1398 = arith.constant 0 : i32
      %dma_start3A_1399 = arith.constant 0 : i32
      %dma_start3A_1400 = tpu.memref_slice %arg12[%run_scoped3A, %dma_start3A_1398, %dma_start3A_1399] : memref<2x128x128xf32, #tpu.memory_space<vmem>> -> memref<1x128x128xf32, #tpu.memory_space<vmem>>
      %dma_start3A_1401 = tpu.memref_squeeze %dma_start3A_1400 : memref<1x128x128xf32, #tpu.memory_space<vmem>> -> memref<128x128xf32, #tpu.memory_space<vmem>>
      %dma_start3A_1402 = arith.constant 0 : i32
      %dma_start3A_1403 = arith.constant 0 : i32
      %dma_start3A_1404 = tpu.memref_slice %arg13[%dma_start3A_1402, %dma_start3A_1403] : memref<8320x128xf32, #tpu.memory_space<vmem_shared>> -> memref<8320x128xf32, #tpu.memory_space<vmem_shared>>
      tpu.enqueue_indirect_dma source(%dma_start3A_1401 : memref<128x128xf32, #tpu.memory_space<vmem>>) target(%dma_start3A_1404 : memref<8320x128xf32, #tpu.memory_space<vmem_shared>>) offsets(%arg6 : memref<128xi32, #tpu.memory_space<vmem>>) semaphore(%run_scoped3A_1397 : memref<!tpu.dma_semaphore, #tpu.memory_space<semaphore_mem>>) {add = true}
      %dma_wait3A_1405 = arith.constant 0 : i32
      %dma_wait3A_1406 = arith.constant 0 : i32
      %dma_wait3A_1407 = tpu.memref_slice %arg12[%run_scoped3A, %dma_wait3A_1405, %dma_wait3A_1406] : memref<2x128x128xf32, #tpu.memory_space<vmem>> -> memref<1x128x128xf32, #tpu.memory_space<vmem>>
      %dma_wait3A_1408 = tpu.memref_squeeze %dma_wait3A_1407 : memref<1x128x128xf32, #tpu.memory_space<vmem>> -> memref<128x128xf32, #tpu.memory_space<vmem>>
      %dma_wait3A_1409 = arith.constant 0 : i32
      %dma_wait3A_1410 = arith.constant 0 : i32
      %dma_wait3A_1411 = tpu.memref_slice %arg13[%dma_wait3A_1409, %dma_wait3A_1410] : memref<8320x128xf32, #tpu.memory_space<vmem_shared>> -> memref<8320x128xf32, #tpu.memory_space<vmem_shared>>
      tpu.wait_indirect_dma semaphore(%run_scoped3A_1397 : memref<!tpu.dma_semaphore, #tpu.memory_space<semaphore_mem>>) src(%dma_wait3A_1408 : memref<128x128xf32, #tpu.memory_space<vmem>>) dst(%dma_wait3A_1411 : memref<8320x128xf32, #tpu.memory_space<vmem_shared>>)
      tpu.yield
    }) : () -> ()
    %add3A_1291 = arith.constant 256 : i32
    %add3A_1292 = arith.addi %add3A, %add3A_1291 : i32
    %dma_start3A_1293 = arith.constant 0 : i32
    %dma_start3A_1294 = arith.constant 0 : i32
    %dma_start3A_1295 = arith.constant 0 : i32
    %dma_start3A_1296 = tpu.memref_slice %arg12[%dma_start3A_1293, %dma_start3A_1294, %dma_start3A_1295] : memref<2x128x128xf32, #tpu.memory_space<vmem>> -> memref<1x128x128xf32, #tpu.memory_space<vmem>>
    %dma_start3A_1297 = tpu.memref_squeeze %dma_start3A_1296 : memref<1x128x128xf32, #tpu.memory_space<vmem>> -> memref<128x128xf32, #tpu.memory_space<vmem>>
    %dma_start3A_1298 = arith.constant 0 : i32
    %dma_start3A_1299 = tpu.memref_slice %arg2[%add3A_1292, %dma_start3A_1298] : memref<20480x128xf32, #tpu.memory_space<hbm>> -> memref<128x128xf32, #tpu.memory_space<hbm>>
    %dma_start3A_1300 = arith.constant 0 : i32
    %dma_start3A_1301 = arith.constant 0 : i32
    %dma_start3A_1302 = tpu.memref_slice %arg12[%dma_start3A_1293, %dma_start3A_1300, %dma_start3A_1301] : memref<2x128x128xf32, #tpu.memory_space<vmem>> -> memref<1x128x128xf32, #tpu.memory_space<vmem>>
    %dma_start3A_1303 = tpu.memref_squeeze %dma_start3A_1302 : memref<1x128x128xf32, #tpu.memory_space<vmem>> -> memref<128x128xf32, #tpu.memory_space<vmem>>
    %dma_start3A_1304 = arith.constant 0 : i32
    %dma_start3A_1305 = tpu.memref_slice %arg2[%add3A_1292, %dma_start3A_1304] : memref<20480x128xf32, #tpu.memory_space<hbm>> -> memref<128x128xf32, #tpu.memory_space<hbm>>
    tpu.enqueue_dma source(%dma_start3A_1305 : memref<128x128xf32, #tpu.memory_space<hbm>>) target(%dma_start3A_1303 : memref<128x128xf32, #tpu.memory_space<vmem>>) target_semaphore(%arg16 : memref<!tpu.dma_semaphore, #tpu.memory_space<semaphore_mem>>)
    %dma_wait3A_1306 = arith.constant 1 : i32
    %dma_wait3A_1307 = arith.constant 0 : i32
    %dma_wait3A_1308 = arith.constant 0 : i32
    %dma_wait3A_1309 = tpu.memref_slice %arg12[%dma_wait3A_1306, %dma_wait3A_1307, %dma_wait3A_1308] : memref<2x128x128xf32, #tpu.memory_space<vmem>> -> memref<1x128x128xf32, #tpu.memory_space<vmem>>
    %dma_wait3A_1310 = tpu.memref_squeeze %dma_wait3A_1309 : memref<1x128x128xf32, #tpu.memory_space<vmem>> -> memref<128x128xf32, #tpu.memory_space<vmem>>
    %dma_wait3A_1311 = arith.constant 0 : i32
    %dma_wait3A_1312 = tpu.memref_slice %arg2[%add3A_1264, %dma_wait3A_1311] : memref<20480x128xf32, #tpu.memory_space<hbm>> -> memref<128x128xf32, #tpu.memory_space<hbm>>
    %dma_wait3A_1313 = arith.constant 0 : i32
    %dma_wait3A_1314 = arith.constant 0 : i32
    %dma_wait3A_1315 = tpu.memref_slice %arg12[%dma_wait3A_1306, %dma_wait3A_1313, %dma_wait3A_1314] : memref<2x128x128xf32, #tpu.memory_space<vmem>> -> memref<1x128x128xf32, #tpu.memory_space<vmem>>
    %dma_wait3A_1316 = tpu.memref_squeeze %dma_wait3A_1315 : memref<1x128x128xf32, #tpu.memory_space<vmem>> -> memref<128x128xf32, #tpu.memory_space<vmem>>
    %dma_wait3A_1317 = arith.constant 0 : i32
    %dma_wait3A_1318 = tpu.memref_slice %arg2[%add3A_1264, %dma_wait3A_1317] : memref<20480x128xf32, #tpu.memory_space<hbm>> -> memref<128x128xf32, #tpu.memory_space<hbm>>
    tpu.wait_dma2 semaphore(%arg17 : memref<!tpu.dma_semaphore, #tpu.memory_space<semaphore_mem>>) src(%dma_wait3A_1318 : memref<128x128xf32, #tpu.memory_space<hbm>>) dst(%dma_wait3A_1316 : memref<128x128xf32, #tpu.memory_space<vmem>>)
    %run_scoped3A_1319 = arith.constant 1 : i32
    "tpu.region"() ({
      %run_scoped3A_1397 = tpu.sem_alloc : memref<!tpu.dma_semaphore, #tpu.memory_space<semaphore_mem>>
      %dma_start3A_1398 = arith.constant 0 : i32
      %dma_start3A_1399 = arith.constant 0 : i32
      %dma_start3A_1400 = tpu.memref_slice %arg12[%run_scoped3A_1319, %dma_start3A_1398, %dma_start3A_1399] : memref<2x128x128xf32, #tpu.memory_space<vmem>> -> memref<1x128x128xf32, #tpu.memory_space<vmem>>
      %dma_start3A_1401 = tpu.memref_squeeze %dma_start3A_1400 : memref<1x128x128xf32, #tpu.memory_space<vmem>> -> memref<128x128xf32, #tpu.memory_space<vmem>>
      %dma_start3A_1402 = arith.constant 0 : i32
      %dma_start3A_1403 = arith.constant 0 : i32
      %dma_start3A_1404 = tpu.memref_slice %arg13[%dma_start3A_1402, %dma_start3A_1403] : memref<8320x128xf32, #tpu.memory_space<vmem_shared>> -> memref<8320x128xf32, #tpu.memory_space<vmem_shared>>
      tpu.enqueue_indirect_dma source(%dma_start3A_1401 : memref<128x128xf32, #tpu.memory_space<vmem>>) target(%dma_start3A_1404 : memref<8320x128xf32, #tpu.memory_space<vmem_shared>>) offsets(%arg7 : memref<128xi32, #tpu.memory_space<vmem>>) semaphore(%run_scoped3A_1397 : memref<!tpu.dma_semaphore, #tpu.memory_space<semaphore_mem>>) {add = true}
      %dma_wait3A_1405 = arith.constant 0 : i32
      %dma_wait3A_1406 = arith.constant 0 : i32
      %dma_wait3A_1407 = tpu.memref_slice %arg12[%run_scoped3A_1319, %dma_wait3A_1405, %dma_wait3A_1406] : memref<2x128x128xf32, #tpu.memory_space<vmem>> -> memref<1x128x128xf32, #tpu.memory_space<vmem>>
      %dma_wait3A_1408 = tpu.memref_squeeze %dma_wait3A_1407 : memref<1x128x128xf32, #tpu.memory_space<vmem>> -> memref<128x128xf32, #tpu.memory_space<vmem>>
      %dma_wait3A_1409 = arith.constant 0 : i32
      %dma_wait3A_1410 = arith.constant 0 : i32
      %dma_wait3A_1411 = tpu.memref_slice %arg13[%dma_wait3A_1409, %dma_wait3A_1410] : memref<8320x128xf32, #tpu.memory_space<vmem_shared>> -> memref<8320x128xf32, #tpu.memory_space<vmem_shared>>
      tpu.wait_indirect_dma semaphore(%run_scoped3A_1397 : memref<!tpu.dma_semaphore, #tpu.memory_space<semaphore_mem>>) src(%dma_wait3A_1408 : memref<128x128xf32, #tpu.memory_space<vmem>>) dst(%dma_wait3A_1411 : memref<8320x128xf32, #tpu.memory_space<vmem_shared>>)
      tpu.yield
    }) : () -> ()
    %add3A_1320 = arith.constant 384 : i32
    %add3A_1321 = arith.addi %add3A, %add3A_1320 : i32
    %dma_start3A_1322 = arith.constant 1 : i32
    %dma_start3A_1323 = arith.constant 0 : i32
    %dma_start3A_1324 = arith.constant 0 : i32
    %dma_start3A_1325 = tpu.memref_slice %arg12[%dma_start3A_1322, %dma_start3A_1323, %dma_start3A_1324] : memref<2x128x128xf32, #tpu.memory_space<vmem>> -> memref<1x128x128xf32, #tpu.memory_space<vmem>>
    %dma_start3A_1326 = tpu.memref_squeeze %dma_start3A_1325 : memref<1x128x128xf32, #tpu.memory_space<vmem>> -> memref<128x128xf32, #tpu.memory_space<vmem>>
    %dma_start3A_1327 = arith.constant 0 : i32
    %dma_start3A_1328 = tpu.memref_slice %arg2[%add3A_1321, %dma_start3A_1327] : memref<20480x128xf32, #tpu.memory_space<hbm>> -> memref<128x128xf32, #tpu.memory_space<hbm>>
    %dma_start3A_1329 = arith.constant 0 : i32
    %dma_start3A_1330 = arith.constant 0 : i32
    %dma_start3A_1331 = tpu.memref_slice %arg12[%dma_start3A_1322, %dma_start3A_1329, %dma_start3A_1330] : memref<2x128x128xf32, #tpu.memory_space<vmem>> -> memref<1x128x128xf32, #tpu.memory_space<vmem>>
    %dma_start3A_1332 = tpu.memref_squeeze %dma_start3A_1331 : memref<1x128x128xf32, #tpu.memory_space<vmem>> -> memref<128x128xf32, #tpu.memory_space<vmem>>
    %dma_start3A_1333 = arith.constant 0 : i32
    %dma_start3A_1334 = tpu.memref_slice %arg2[%add3A_1321, %dma_start3A_1333] : memref<20480x128xf32, #tpu.memory_space<hbm>> -> memref<128x128xf32, #tpu.memory_space<hbm>>
    tpu.enqueue_dma source(%dma_start3A_1334 : memref<128x128xf32, #tpu.memory_space<hbm>>) target(%dma_start3A_1332 : memref<128x128xf32, #tpu.memory_space<vmem>>) target_semaphore(%arg17 : memref<!tpu.dma_semaphore, #tpu.memory_space<semaphore_mem>>)
    %dma_wait3A_1335 = arith.constant 0 : i32
    %dma_wait3A_1336 = arith.constant 0 : i32
    %dma_wait3A_1337 = arith.constant 0 : i32
    %dma_wait3A_1338 = tpu.memref_slice %arg12[%dma_wait3A_1335, %dma_wait3A_1336, %dma_wait3A_1337] : memref<2x128x128xf32, #tpu.memory_space<vmem>> -> memref<1x128x128xf32, #tpu.memory_space<vmem>>
    %dma_wait3A_1339 = tpu.memref_squeeze %dma_wait3A_1338 : memref<1x128x128xf32, #tpu.memory_space<vmem>> -> memref<128x128xf32, #tpu.memory_space<vmem>>
    %dma_wait3A_1340 = arith.constant 0 : i32
    %dma_wait3A_1341 = tpu.memref_slice %arg2[%add3A_1292, %dma_wait3A_1340] : memref<20480x128xf32, #tpu.memory_space<hbm>> -> memref<128x128xf32, #tpu.memory_space<hbm>>
    %dma_wait3A_1342 = arith.constant 0 : i32
    %dma_wait3A_1343 = arith.constant 0 : i32
    %dma_wait3A_1344 = tpu.memref_slice %arg12[%dma_wait3A_1335, %dma_wait3A_1342, %dma_wait3A_1343] : memref<2x128x128xf32, #tpu.memory_space<vmem>> -> memref<1x128x128xf32, #tpu.memory_space<vmem>>
    %dma_wait3A_1345 = tpu.memref_squeeze %dma_wait3A_1344 : memref<1x128x128xf32, #tpu.memory_space<vmem>> -> memref<128x128xf32, #tpu.memory_space<vmem>>
    %dma_wait3A_1346 = arith.constant 0 : i32
    %dma_wait3A_1347 = tpu.memref_slice %arg2[%add3A_1292, %dma_wait3A_1346] : memref<20480x128xf32, #tpu.memory_space<hbm>> -> memref<128x128xf32, #tpu.memory_space<hbm>>
    tpu.wait_dma2 semaphore(%arg16 : memref<!tpu.dma_semaphore, #tpu.memory_space<semaphore_mem>>) src(%dma_wait3A_1347 : memref<128x128xf32, #tpu.memory_space<hbm>>) dst(%dma_wait3A_1345 : memref<128x128xf32, #tpu.memory_space<vmem>>)
    %run_scoped3A_1348 = arith.constant 0 : i32
    "tpu.region"() ({
      %run_scoped3A_1397 = tpu.sem_alloc : memref<!tpu.dma_semaphore, #tpu.memory_space<semaphore_mem>>
      %dma_start3A_1398 = arith.constant 0 : i32
      %dma_start3A_1399 = arith.constant 0 : i32
      %dma_start3A_1400 = tpu.memref_slice %arg12[%run_scoped3A_1348, %dma_start3A_1398, %dma_start3A_1399] : memref<2x128x128xf32, #tpu.memory_space<vmem>> -> memref<1x128x128xf32, #tpu.memory_space<vmem>>
      %dma_start3A_1401 = tpu.memref_squeeze %dma_start3A_1400 : memref<1x128x128xf32, #tpu.memory_space<vmem>> -> memref<128x128xf32, #tpu.memory_space<vmem>>
      %dma_start3A_1402 = arith.constant 0 : i32
      %dma_start3A_1403 = arith.constant 0 : i32
      %dma_start3A_1404 = tpu.memref_slice %arg13[%dma_start3A_1402, %dma_start3A_1403] : memref<8320x128xf32, #tpu.memory_space<vmem_shared>> -> memref<8320x128xf32, #tpu.memory_space<vmem_shared>>
      tpu.enqueue_indirect_dma source(%dma_start3A_1401 : memref<128x128xf32, #tpu.memory_space<vmem>>) target(%dma_start3A_1404 : memref<8320x128xf32, #tpu.memory_space<vmem_shared>>) offsets(%arg8 : memref<128xi32, #tpu.memory_space<vmem>>) semaphore(%run_scoped3A_1397 : memref<!tpu.dma_semaphore, #tpu.memory_space<semaphore_mem>>) {add = true}
      %dma_wait3A_1405 = arith.constant 0 : i32
      %dma_wait3A_1406 = arith.constant 0 : i32
      %dma_wait3A_1407 = tpu.memref_slice %arg12[%run_scoped3A_1348, %dma_wait3A_1405, %dma_wait3A_1406] : memref<2x128x128xf32, #tpu.memory_space<vmem>> -> memref<1x128x128xf32, #tpu.memory_space<vmem>>
      %dma_wait3A_1408 = tpu.memref_squeeze %dma_wait3A_1407 : memref<1x128x128xf32, #tpu.memory_space<vmem>> -> memref<128x128xf32, #tpu.memory_space<vmem>>
      %dma_wait3A_1409 = arith.constant 0 : i32
      %dma_wait3A_1410 = arith.constant 0 : i32
      %dma_wait3A_1411 = tpu.memref_slice %arg13[%dma_wait3A_1409, %dma_wait3A_1410] : memref<8320x128xf32, #tpu.memory_space<vmem_shared>> -> memref<8320x128xf32, #tpu.memory_space<vmem_shared>>
      tpu.wait_indirect_dma semaphore(%run_scoped3A_1397 : memref<!tpu.dma_semaphore, #tpu.memory_space<semaphore_mem>>) src(%dma_wait3A_1408 : memref<128x128xf32, #tpu.memory_space<vmem>>) dst(%dma_wait3A_1411 : memref<8320x128xf32, #tpu.memory_space<vmem_shared>>)
      tpu.yield
    }) : () -> ()
    %add3A_1349 = arith.constant 512 : i32
    %add3A_1350 = arith.addi %add3A, %add3A_1349 : i32
    %dma_start3A_1351 = arith.constant 0 : i32
    %dma_start3A_1352 = arith.constant 0 : i32
    %dma_start3A_1353 = arith.constant 0 : i32
    %dma_start3A_1354 = tpu.memref_slice %arg12[%dma_start3A_1351, %dma_start3A_1352, %dma_start3A_1353] : memref<2x128x128xf32, #tpu.memory_space<vmem>> -> memref<1x128x128xf32, #tpu.memory_space<vmem>>
    %dma_start3A_1355 = tpu.memref_squeeze %dma_start3A_1354 : memref<1x128x128xf32, #tpu.memory_space<vmem>> -> memref<128x128xf32, #tpu.memory_space<vmem>>
    %dma_start3A_1356 = arith.constant 0 : i32
    %dma_start3A_1357 = tpu.memref_slice %arg2[%add3A_1350, %dma_start3A_1356] : memref<20480x128xf32, #tpu.memory_space<hbm>> -> memref<128x128xf32, #tpu.memory_space<hbm>>
    %dma_start3A_1358 = arith.constant 0 : i32
    %dma_start3A_1359 = arith.constant 0 : i32
    %dma_start3A_1360 = tpu.memref_slice %arg12[%dma_start3A_1351, %dma_start3A_1358, %dma_start3A_1359] : memref<2x128x128xf32, #tpu.memory_space<vmem>> -> memref<1x128x128xf32, #tpu.memory_space<vmem>>
    %dma_start3A_1361 = tpu.memref_squeeze %dma_start3A_1360 : memref<1x128x128xf32, #tpu.memory_space<vmem>> -> memref<128x128xf32, #tpu.memory_space<vmem>>
    %dma_start3A_1362 = arith.constant 0 : i32
    %dma_start3A_1363 = tpu.memref_slice %arg2[%add3A_1350, %dma_start3A_1362] : memref<20480x128xf32, #tpu.memory_space<hbm>> -> memref<128x128xf32, #tpu.memory_space<hbm>>
    tpu.enqueue_dma source(%dma_start3A_1363 : memref<128x128xf32, #tpu.memory_space<hbm>>) target(%dma_start3A_1361 : memref<128x128xf32, #tpu.memory_space<vmem>>) target_semaphore(%arg16 : memref<!tpu.dma_semaphore, #tpu.memory_space<semaphore_mem>>)
    %dma_wait3A_1364 = arith.constant 1 : i32
    %dma_wait3A_1365 = arith.constant 0 : i32
    %dma_wait3A_1366 = arith.constant 0 : i32
    %dma_wait3A_1367 = tpu.memref_slice %arg12[%dma_wait3A_1364, %dma_wait3A_1365, %dma_wait3A_1366] : memref<2x128x128xf32, #tpu.memory_space<vmem>> -> memref<1x128x128xf32, #tpu.memory_space<vmem>>
    %dma_wait3A_1368 = tpu.memref_squeeze %dma_wait3A_1367 : memref<1x128x128xf32, #tpu.memory_space<vmem>> -> memref<128x128xf32, #tpu.memory_space<vmem>>
    %dma_wait3A_1369 = arith.constant 0 : i32
    %dma_wait3A_1370 = tpu.memref_slice %arg2[%add3A_1321, %dma_wait3A_1369] : memref<20480x128xf32, #tpu.memory_space<hbm>> -> memref<128x128xf32, #tpu.memory_space<hbm>>
    %dma_wait3A_1371 = arith.constant 0 : i32
    %dma_wait3A_1372 = arith.constant 0 : i32
    %dma_wait3A_1373 = tpu.memref_slice %arg12[%dma_wait3A_1364, %dma_wait3A_1371, %dma_wait3A_1372] : memref<2x128x128xf32, #tpu.memory_space<vmem>> -> memref<1x128x128xf32, #tpu.memory_space<vmem>>
    %dma_wait3A_1374 = tpu.memref_squeeze %dma_wait3A_1373 : memref<1x128x128xf32, #tpu.memory_space<vmem>> -> memref<128x128xf32, #tpu.memory_space<vmem>>
    %dma_wait3A_1375 = arith.constant 0 : i32
    %dma_wait3A_1376 = tpu.memref_slice %arg2[%add3A_1321, %dma_wait3A_1375] : memref<20480x128xf32, #tpu.memory_space<hbm>> -> memref<128x128xf32, #tpu.memory_space<hbm>>
    tpu.wait_dma2 semaphore(%arg17 : memref<!tpu.dma_semaphore, #tpu.memory_space<semaphore_mem>>) src(%dma_wait3A_1376 : memref<128x128xf32, #tpu.memory_space<hbm>>) dst(%dma_wait3A_1374 : memref<128x128xf32, #tpu.memory_space<vmem>>)
    %run_scoped3A_1377 = arith.constant 1 : i32
    "tpu.region"() ({
      %run_scoped3A_1397 = tpu.sem_alloc : memref<!tpu.dma_semaphore, #tpu.memory_space<semaphore_mem>>
      %dma_start3A_1398 = arith.constant 0 : i32
      %dma_start3A_1399 = arith.constant 0 : i32
      %dma_start3A_1400 = tpu.memref_slice %arg12[%run_scoped3A_1377, %dma_start3A_1398, %dma_start3A_1399] : memref<2x128x128xf32, #tpu.memory_space<vmem>> -> memref<1x128x128xf32, #tpu.memory_space<vmem>>
      %dma_start3A_1401 = tpu.memref_squeeze %dma_start3A_1400 : memref<1x128x128xf32, #tpu.memory_space<vmem>> -> memref<128x128xf32, #tpu.memory_space<vmem>>
      %dma_start3A_1402 = arith.constant 0 : i32
      %dma_start3A_1403 = arith.constant 0 : i32
      %dma_start3A_1404 = tpu.memref_slice %arg13[%dma_start3A_1402, %dma_start3A_1403] : memref<8320x128xf32, #tpu.memory_space<vmem_shared>> -> memref<8320x128xf32, #tpu.memory_space<vmem_shared>>
      tpu.enqueue_indirect_dma source(%dma_start3A_1401 : memref<128x128xf32, #tpu.memory_space<vmem>>) target(%dma_start3A_1404 : memref<8320x128xf32, #tpu.memory_space<vmem_shared>>) offsets(%arg9 : memref<128xi32, #tpu.memory_space<vmem>>) semaphore(%run_scoped3A_1397 : memref<!tpu.dma_semaphore, #tpu.memory_space<semaphore_mem>>) {add = true}
      %dma_wait3A_1405 = arith.constant 0 : i32
      %dma_wait3A_1406 = arith.constant 0 : i32
      %dma_wait3A_1407 = tpu.memref_slice %arg12[%run_scoped3A_1377, %dma_wait3A_1405, %dma_wait3A_1406] : memref<2x128x128xf32, #tpu.memory_space<vmem>> -> memref<1x128x128xf32, #tpu.memory_space<vmem>>
      %dma_wait3A_1408 = tpu.memref_squeeze %dma_wait3A_1407 : memref<1x128x128xf32, #tpu.memory_space<vmem>> -> memref<128x128xf32, #tpu.memory_space<vmem>>
      %dma_wait3A_1409 = arith.constant 0 : i32
      %dma_wait3A_1410 = arith.constant 0 : i32
      %dma_wait3A_1411 = tpu.memref_slice %arg13[%dma_wait3A_1409, %dma_wait3A_1410] : memref<8320x128xf32, #tpu.memory_space<vmem_shared>> -> memref<8320x128xf32, #tpu.memory_space<vmem_shared>>
      tpu.wait_indirect_dma semaphore(%run_scoped3A_1397 : memref<!tpu.dma_semaphore, #tpu.memory_space<semaphore_mem>>) src(%dma_wait3A_1408 : memref<128x128xf32, #tpu.memory_space<vmem>>) dst(%dma_wait3A_1411 : memref<8320x128xf32, #tpu.memory_space<vmem_shared>>)
      tpu.yield
    }) : () -> ()
    %dma_wait3A_1378 = arith.constant 0 : i32
    %dma_wait3A_1379 = arith.constant 0 : i32
    %dma_wait3A_1380 = arith.constant 0 : i32
    %dma_wait3A_1381 = tpu.memref_slice %arg12[%dma_wait3A_1378, %dma_wait3A_1379, %dma_wait3A_1380] : memref<2x128x128xf32, #tpu.memory_space<vmem>> -> memref<1x128x128xf32, #tpu.memory_space<vmem>>
    %dma_wait3A_1382 = tpu.memref_squeeze %dma_wait3A_1381 : memref<1x128x128xf32, #tpu.memory_space<vmem>> -> memref<128x128xf32, #tpu.memory_space<vmem>>
    %dma_wait3A_1383 = arith.constant 0 : i32
    %dma_wait3A_1384 = tpu.memref_slice %arg2[%add3A_1350, %dma_wait3A_1383] : memref<20480x128xf32, #tpu.memory_space<hbm>> -> memref<128x128xf32, #tpu.memory_space<hbm>>
    %dma_wait3A_1385 = arith.constant 0 : i32
    %dma_wait3A_1386 = arith.constant 0 : i32
    %dma_wait3A_1387 = tpu.memref_slice %arg12[%dma_wait3A_1378, %dma_wait3A_1385, %dma_wait3A_1386] : memref<2x128x128xf32, #tpu.memory_space<vmem>> -> memref<1x128x128xf32, #tpu.memory_space<vmem>>
    %dma_wait3A_1388 = tpu.memref_squeeze %dma_wait3A_1387 : memref<1x128x128xf32, #tpu.memory_space<vmem>> -> memref<128x128xf32, #tpu.memory_space<vmem>>
    %dma_wait3A_1389 = arith.constant 0 : i32
    %dma_wait3A_1390 = tpu.memref_slice %arg2[%add3A_1350, %dma_wait3A_1389] : memref<20480x128xf32, #tpu.memory_space<hbm>> -> memref<128x128xf32, #tpu.memory_space<hbm>>
    tpu.wait_dma2 semaphore(%arg16 : memref<!tpu.dma_semaphore, #tpu.memory_space<semaphore_mem>>) src(%dma_wait3A_1390 : memref<128x128xf32, #tpu.memory_space<hbm>>) dst(%dma_wait3A_1388 : memref<128x128xf32, #tpu.memory_space<vmem>>)
    %run_scoped3A_1391 = arith.constant 0 : i32
    "tpu.region"() ({
      %run_scoped3A_1397 = tpu.sem_alloc : memref<!tpu.dma_semaphore, #tpu.memory_space<semaphore_mem>>
      %dma_start3A_1398 = arith.constant 0 : i32
      %dma_start3A_1399 = arith.constant 0 : i32
      %dma_start3A_1400 = tpu.memref_slice %arg12[%run_scoped3A_1391, %dma_start3A_1398, %dma_start3A_1399] : memref<2x128x128xf32, #tpu.memory_space<vmem>> -> memref<1x128x128xf32, #tpu.memory_space<vmem>>
      %dma_start3A_1401 = tpu.memref_squeeze %dma_start3A_1400 : memref<1x128x128xf32, #tpu.memory_space<vmem>> -> memref<128x128xf32, #tpu.memory_space<vmem>>
      %dma_start3A_1402 = arith.constant 0 : i32
      %dma_start3A_1403 = arith.constant 0 : i32
      %dma_start3A_1404 = tpu.memref_slice %arg13[%dma_start3A_1402, %dma_start3A_1403] : memref<8320x128xf32, #tpu.memory_space<vmem_shared>> -> memref<8320x128xf32, #tpu.memory_space<vmem_shared>>
      tpu.enqueue_indirect_dma source(%dma_start3A_1401 : memref<128x128xf32, #tpu.memory_space<vmem>>) target(%dma_start3A_1404 : memref<8320x128xf32, #tpu.memory_space<vmem_shared>>) offsets(%arg10 : memref<128xi32, #tpu.memory_space<vmem>>) semaphore(%run_scoped3A_1397 : memref<!tpu.dma_semaphore, #tpu.memory_space<semaphore_mem>>) {add = true}
      %dma_wait3A_1405 = arith.constant 0 : i32
      %dma_wait3A_1406 = arith.constant 0 : i32
      %dma_wait3A_1407 = tpu.memref_slice %arg12[%run_scoped3A_1391, %dma_wait3A_1405, %dma_wait3A_1406] : memref<2x128x128xf32, #tpu.memory_space<vmem>> -> memref<1x128x128xf32, #tpu.memory_space<vmem>>
      %dma_wait3A_1408 = tpu.memref_squeeze %dma_wait3A_1407 : memref<1x128x128xf32, #tpu.memory_space<vmem>> -> memref<128x128xf32, #tpu.memory_space<vmem>>
      %dma_wait3A_1409 = arith.constant 0 : i32
      %dma_wait3A_1410 = arith.constant 0 : i32
      %dma_wait3A_1411 = tpu.memref_slice %arg13[%dma_wait3A_1409, %dma_wait3A_1410] : memref<8320x128xf32, #tpu.memory_space<vmem_shared>> -> memref<8320x128xf32, #tpu.memory_space<vmem_shared>>
      tpu.wait_indirect_dma semaphore(%run_scoped3A_1397 : memref<!tpu.dma_semaphore, #tpu.memory_space<semaphore_mem>>) src(%dma_wait3A_1408 : memref<128x128xf32, #tpu.memory_space<vmem>>) dst(%dma_wait3A_1411 : memref<8320x128xf32, #tpu.memory_space<vmem_shared>>)
      tpu.yield
    }) : () -> ()
    %barrier3A_1392 = arith.constant 0 : index
    tpu.barrier barrier_id(%barrier3A_1392)
    %mul3A_1393 = arith.constant 512 : i32
    %mul3A_1394 = arith.muli %arg1, %mul3A_1393 : i32
    %mul3A_1395 = arith.constant 512 : i32
    %mul3A_1396 = arith.muli %arg1, %mul3A_1395 : i32
    "tpu.region"() ({
      %run_scoped3A_1397 = tpu.sem_alloc : memref<!tpu.dma_semaphore, #tpu.memory_space<semaphore_mem>>
      %dma_start3A_1398 = arith.constant 0 : i32
      %dma_start3A_1399 = tpu.memref_slice %arg5[%arg0, %mul3A_1396, %dma_start3A_1398] : memref<2x8192x128xf32, #tpu.memory_space<hbm>> -> memref<1x512x128xf32, #tpu.memory_space<hbm>>
      %dma_start3A_1400 = tpu.memref_squeeze %dma_start3A_1399 : memref<1x512x128xf32, #tpu.memory_space<hbm>> -> memref<512x128xf32, #tpu.memory_space<hbm>>
      %dma_start3A_1401 = arith.constant 0 : i32
      %dma_start3A_1402 = tpu.memref_slice %arg13[%mul3A_1394, %dma_start3A_1401] : memref<8320x128xf32, #tpu.memory_space<vmem_shared>> -> memref<512x128xf32, #tpu.memory_space<vmem_shared>>
      tpu.enqueue_dma source(%dma_start3A_1402 : memref<512x128xf32, #tpu.memory_space<vmem_shared>>) target(%dma_start3A_1400 : memref<512x128xf32, #tpu.memory_space<hbm>>) target_semaphore(%run_scoped3A_1397 : memref<!tpu.dma_semaphore, #tpu.memory_space<semaphore_mem>>)
      %dma_wait3A_1403 = arith.constant 0 : i32
      %dma_wait3A_1404 = tpu.memref_slice %arg5[%arg0, %mul3A_1396, %dma_wait3A_1403] : memref<2x8192x128xf32, #tpu.memory_space<hbm>> -> memref<1x512x128xf32, #tpu.memory_space<hbm>>
      %dma_wait3A_1405 = tpu.memref_squeeze %dma_wait3A_1404 : memref<1x512x128xf32, #tpu.memory_space<hbm>> -> memref<512x128xf32, #tpu.memory_space<hbm>>
      %dma_wait3A_1406 = arith.constant 0 : i32
      %dma_wait3A_1407 = tpu.memref_slice %arg13[%mul3A_1394, %dma_wait3A_1406] : memref<8320x128xf32, #tpu.memory_space<vmem_shared>> -> memref<512x128xf32, #tpu.memory_space<vmem_shared>>
      tpu.wait_dma2 semaphore(%run_scoped3A_1397 : memref<!tpu.dma_semaphore, #tpu.memory_space<semaphore_mem>>) src(%dma_wait3A_1407 : memref<512x128xf32, #tpu.memory_space<vmem_shared>>) dst(%dma_wait3A_1405 : memref<512x128xf32, #tpu.memory_space<hbm>>)
      tpu.yield
    }) : () -> ()
    return
  }
}

module attributes {stable_mosaic.version = 14 : i64} {
  func.func @_reader_body(%arg0: i32, %arg1: memref<10240x41xf32, #tpu.memory_space<vmem>>, %arg2: memref<40x128xf32, #tpu.memory_space<vmem>>, %arg3: memref<10240x128xf32, #tpu.memory_space<vmem>>) attributes {dimension_semantics = [#tpu.dimension_semantics<arbitrary>], iteration_bounds = array<i64: 2>, scalar_prefetch = 0 : i64, scratch_operands = 0 : i64, tpu.core_type = #tpu.core_type<tc>, window_params = [{transform_indices = @transform_0, window_bounds = array<i64: 10240, 41>}, {pipeline_mode = #tpu.pipeline_mode<synchronous>, transform_indices = @transform_1, window_bounds = array<i64: 40, 128>}, {transform_indices = @transform_2, window_bounds = array<i64: 10240, 128>}]} {
    %get3A = arith.constant 0 : index
    %get3A_0 = arith.constant 0 : index
    %get3A_1 = vector.load %arg1[%get3A, %get3A_0] : memref<10240x41xf32, #tpu.memory_space<vmem>>, vector<10240x41xf32>
    %slice3A = vector.extract_strided_slice %get3A_1 {offsets = [0, 40], sizes = [10240, 1], strides = [1, 1]} : vector<10240x41xf32> to vector<10240x1xf32>
    %iota3A = tpu.iota {dimensions = array<i32: 1>} : vector<10240x40xi32>
    %jit3A = arith.constant 4 : i32
    %div3A = vector.broadcast %jit3A : i32 to vector<10240x40xi32>
    %div3A_2 = arith.divsi %iota3A, %div3A : vector<10240x40xi32>
    %sign3A = arith.constant 0 : i32
    %sign3A_3 = vector.broadcast %sign3A : i32 to vector<10240x40xi32>
    %sign3A_4 = arith.cmpi sgt, %iota3A, %sign3A_3 : vector<10240x40xi32>
    %sign3A_5 = arith.extui %sign3A_4 : vector<10240x40xi1> to vector<10240x40xi32>
    %sign3A_6 = arith.constant 0 : i32
    %sign3A_7 = vector.broadcast %sign3A_6 : i32 to vector<10240x40xi32>
    %sign3A_8 = arith.cmpi slt, %iota3A, %sign3A_7 : vector<10240x40xi32>
    %sign3A_9 = arith.extui %sign3A_8 : vector<10240x40xi1> to vector<10240x40xi32>
    %sign3A_10 = arith.subi %sign3A_5, %sign3A_9 : vector<10240x40xi32>
    %sign3A_11 = arith.constant 0 : i32
    %sign3A_12 = arith.cmpi sgt, %jit3A, %sign3A_11 : i32
    %sign3A_13 = arith.extui %sign3A_12 : i1 to i32
    %sign3A_14 = arith.constant 0 : i32
    %sign3A_15 = arith.cmpi slt, %jit3A, %sign3A_14 : i32
    %sign3A_16 = arith.extui %sign3A_15 : i1 to i32
    %sign3A_17 = arith.subi %sign3A_13, %sign3A_16 : i32
    %ne3A = vector.broadcast %sign3A_17 : i32 to vector<10240x40xi32>
    %ne3A_18 = arith.cmpi ne, %sign3A_10, %ne3A : vector<10240x40xi32>
    %rem3A = vector.broadcast %jit3A : i32 to vector<10240x40xi32>
    %rem3A_19 = arith.remsi %iota3A, %rem3A : vector<10240x40xi32>
    %ne3A_20 = arith.constant 0 : i32
    %ne3A_21 = vector.broadcast %ne3A_20 : i32 to vector<10240x40xi32>
    %ne3A_22 = arith.cmpi ne, %rem3A_19, %ne3A_21 : vector<10240x40xi32>
    %and3A = arith.andi %ne3A_18, %ne3A_22 : vector<10240x40xi1>
    %sub3A = arith.constant 1 : i32
    %sub3A_23 = vector.broadcast %sub3A : i32 to vector<10240x40xi32>
    %sub3A_24 = arith.subi %div3A_2, %sub3A_23 : vector<10240x40xi32>
    %select_n3A = arith.select %and3A, %sub3A_24, %div3A_2 : vector<10240x40xi1>, vector<10240x40xi32>
    %convert_element_type3A = arith.sitofp %select_n3A : vector<10240x40xi32> to vector<10240x40xf32>
    %lt3A = vector.broadcast %slice3A : vector<10240x1xf32> to vector<10240x40xf32>
    %lt3A_25 = arith.cmpf olt, %convert_element_type3A, %lt3A : vector<10240x40xf32>
    %convert_element_type3A_26 = arith.extui %lt3A_25 : vector<10240x40xi1> to vector<10240x40xi32>
    %convert_element_type3A_27 = arith.sitofp %convert_element_type3A_26 : vector<10240x40xi32> to vector<10240x40xf32>
    %slice3A_28 = vector.extract_strided_slice %get3A_1 {offsets = [0, 0], sizes = [10240, 40], strides = [1, 1]} : vector<10240x41xf32> to vector<10240x40xf32>
    %mul3A = arith.mulf %slice3A_28, %convert_element_type3A_27 : vector<10240x40xf32>
    %get3A_29 = arith.constant 0 : index
    %get3A_30 = arith.constant 0 : index
    %get3A_31 = vector.load %arg2[%get3A_29, %get3A_30] : memref<40x128xf32, #tpu.memory_space<vmem>>, vector<40x128xf32>
    %dot_general3A = arith.constant dense<0.000000e+00> : vector<10240x128xf32>
    %dot_general3A_32 = tpu.matmul %mul3A, %get3A_31, %dot_general3A {dimension_numbers = #tpu.dot_dimension_numbers<[1], [0], [0], [1], [0, 0, 1, 1], [], []>, transpose_lhs_hint = false} : vector<10240x40xf32>, vector<40x128xf32>, vector<10240x128xf32> -> vector<10240x128xf32>
    %div3A_33 = vector.broadcast %slice3A : vector<10240x1xf32> to vector<10240x128xf32>
    %div3A_34 = arith.divf %dot_general3A_32, %div3A_33 : vector<10240x128xf32>
    %max3A = arith.constant 0.000000e+00 : f32
    %max3A_35 = vector.broadcast %max3A : f32 to vector<10240x128xf32>
    %max3A_36 = arith.maximumf %div3A_34, %max3A_35 : vector<10240x128xf32>
    %swap3A = arith.constant 0 : index
    %swap3A_37 = arith.constant 0 : index
    %swap3A_38 = vector.load %arg3[%swap3A, %swap3A_37] : memref<10240x128xf32, #tpu.memory_space<vmem>>, vector<10240x128xf32>
    tpu.vector_store %arg3[%swap3A, %swap3A_37], %max3A_36 {strides = array<i32>} : memref<10240x128xf32, #tpu.memory_space<vmem>>, vector<10240x128xf32>,
    return
  }
  func.func @transform_0(%arg0: i32) -> (i32, i32) {
    %c0_i32 = arith.constant 0 : i32
    %c0_i32_0 = arith.constant 0 : i32
    return %arg0, %c0_i32 : i32, i32
  }
  func.func @transform_1(%arg0: i32) -> (i32, i32) {
    %c0_i32 = arith.constant 0 : i32
    %c0_i32_0 = arith.constant 0 : i32
    %c0_i32_1 = arith.constant 0 : i32
    return %c0_i32, %c0_i32_0 : i32, i32
  }
  func.func @transform_2(%arg0: i32) -> (i32, i32) {
    %c0_i32 = arith.constant 0 : i32
    %c0_i32_0 = arith.constant 0 : i32
    return %arg0, %c0_i32 : i32, i32
  }
}

module attributes {stable_mosaic.version = 14 : i64} {
  func.func @_neck_body(%arg0: i32, %arg1: memref<2x2048x128xf32, #tpu.memory_space<vmem>>, %arg2: memref<64x16xf32, #tpu.memory_space<vmem>>, %arg3: memref<128x128xf32, #tpu.memory_space<vmem>>, %arg4: memref<17x128xf32, #tpu.memory_space<vmem>>, %arg5: memref<2x128xf32, #tpu.memory_space<vmem>>, %arg6: memref<128x128xf32, #tpu.memory_space<vmem>>, %arg7: memref<128x128xf32, #tpu.memory_space<vmem>>, %arg8: memref<1x128x2048xf32, #tpu.memory_space<vmem>>, %arg9: memref<64x128xf32, #tpu.memory_space<vmem>>, %arg10: memref<2x128xf32, #tpu.memory_space<vmem>>, %arg11: memref<2x128xf32, #tpu.memory_space<vmem>>, %arg12: memref<2x128xf32, #tpu.memory_space<vmem>>, %arg13: memref<2x128xf32, #tpu.memory_space<vmem>>, %arg14: memref<2x128xf32, #tpu.memory_space<vmem>>, %arg15: memref<64x128xf32, #tpu.memory_space<vmem>>) attributes {dimension_semantics = [#tpu.dimension_semantics<arbitrary>], iteration_bounds = array<i64: 4>, scalar_prefetch = 0 : i64, scratch_operands = 6 : i64, tpu.core_type = #tpu.core_type<tc>, window_params = [{transform_indices = @transform_0, window_bounds = array<i64: 2, 2048, 128>}, {pipeline_mode = #tpu.pipeline_mode<synchronous>, transform_indices = @transform_1, window_bounds = array<i64: 64, 16>}, {pipeline_mode = #tpu.pipeline_mode<synchronous>, transform_indices = @transform_2, window_bounds = array<i64: 128, 128>}, {pipeline_mode = #tpu.pipeline_mode<synchronous>, transform_indices = @transform_3, window_bounds = array<i64: 17, 128>}, {pipeline_mode = #tpu.pipeline_mode<synchronous>, transform_indices = @transform_4, window_bounds = array<i64: 2, 128>}, {pipeline_mode = #tpu.pipeline_mode<synchronous>, transform_indices = @transform_5, window_bounds = array<i64: 128, 128>}, {pipeline_mode = #tpu.pipeline_mode<synchronous>, transform_indices = @transform_6, window_bounds = array<i64: 128, 128>}, {transform_indices = @transform_7, window_bounds = array<i64: 1, 128, 2048>}, {pipeline_mode = #tpu.pipeline_mode<synchronous>, transform_indices = @transform_8, window_bounds = array<i64: 64, 128>}]} {
    %jit3A = arith.constant 2 : i32
    %div3A = arith.divsi %arg0, %jit3A : i32
    %sign3A = arith.constant 0 : i32
    %sign3A_0 = arith.cmpi sgt, %arg0, %sign3A : i32
    %sign3A_1 = arith.extui %sign3A_0 : i1 to i32
    %sign3A_2 = arith.constant 0 : i32
    %sign3A_3 = arith.cmpi slt, %arg0, %sign3A_2 : i32
    %sign3A_4 = arith.extui %sign3A_3 : i1 to i32
    %sign3A_5 = arith.subi %sign3A_1, %sign3A_4 : i32
    %sign3A_6 = arith.constant 0 : i32
    %sign3A_7 = arith.cmpi sgt, %jit3A, %sign3A_6 : i32
    %sign3A_8 = arith.extui %sign3A_7 : i1 to i32
    %sign3A_9 = arith.constant 0 : i32
    %sign3A_10 = arith.cmpi slt, %jit3A, %sign3A_9 : i32
    %sign3A_11 = arith.extui %sign3A_10 : i1 to i32
    %sign3A_12 = arith.subi %sign3A_8, %sign3A_11 : i32
    %ne3A = arith.cmpi ne, %sign3A_5, %sign3A_12 : i32
    %rem3A = arith.remsi %arg0, %jit3A : i32
    %ne3A_13 = arith.constant 0 : i32
    %ne3A_14 = arith.cmpi ne, %rem3A, %ne3A_13 : i32
    %and3A = arith.andi %ne3A, %ne3A_14 : i1
    %sub3A = arith.constant 1 : i32
    %sub3A_15 = arith.subi %div3A, %sub3A : i32
    %select_n3A = arith.select %and3A, %sub3A_15, %div3A : i32
    %eq3A = arith.constant 0 : i32
    %eq3A_16 = arith.cmpi eq, %arg0, %eq3A : i32
    %convert_element_type3A = arith.extui %eq3A_16 : i1 to i32
    %cond3A = arith.constant 0 : i32
    %cond3A_17 = arith.cmpi ne, %convert_element_type3A, %cond3A : i32
    scf.if %cond3A_17 {
      %get3A_149 = arith.constant 0 : index
      %get3A_150 = arith.constant 0 : index
      %get3A_151 = vector.load %arg7[%get3A_149, %get3A_150] : memref<128x128xf32, #tpu.memory_space<vmem>>, vector<128x128xf32>
      %get3A_152 = arith.constant 0 : index
      %get3A_153 = arith.constant 0 : index
      %get3A_154 = vector.load %arg5[%get3A_152, %get3A_153] : memref<2x128xf32, #tpu.memory_space<vmem>>, vector<2x128xf32>
      %dot_general3A_155 = arith.constant dense<0.000000e+00> : vector<2x128xf32>
      %dot_general3A_156 = tpu.matmul %get3A_154, %get3A_151, %dot_general3A_155 {dimension_numbers = #tpu.dot_dimension_numbers<[1], [0], [0], [1], [0, 0, 1, 1], [], []>, transpose_lhs_hint = false} : vector<2x128xf32>, vector<128x128xf32>, vector<2x128xf32> -> vector<2x128xf32>
      %swap3A_157 = arith.constant 0 : index
      %swap3A_158 = arith.constant 0 : index
      %swap3A_159 = vector.load %arg11[%swap3A_157, %swap3A_158] : memref<2x128xf32, #tpu.memory_space<vmem>>, vector<2x128xf32>
      tpu.vector_store %arg11[%swap3A_157, %swap3A_158], %dot_general3A_156 {strides = array<i32>} : memref<2x128xf32, #tpu.memory_space<vmem>>, vector<2x128xf32>,
      %get3A_160 = arith.constant 0 : index
      %get3A_161 = arith.constant 0 : index
      %get3A_162 = vector.load %arg2[%get3A_160, %get3A_161] : memref<64x16xf32, #tpu.memory_space<vmem>>, vector<64x16xf32>
      %slice3A_163 = vector.extract_strided_slice %get3A_162 {offsets = [0, 9], sizes = [64, 1], strides = [1, 1]} : vector<64x16xf32> to vector<64x1xf32>
      %iota3A_164 = tpu.iota {dimensions = array<i32: 1>} : vector<64x10xi32>
      %convert_element_type3A_165 = arith.sitofp %iota3A_164 : vector<64x10xi32> to vector<64x10xf32>
      %eq3A_166 = vector.broadcast %slice3A_163 : vector<64x1xf32> to vector<64x10xf32>
      %eq3A_167 = arith.cmpf oeq, %convert_element_type3A_165, %eq3A_166 : vector<64x10xf32>
      %convert_element_type3A_168 = arith.extui %eq3A_167 : vector<64x10xi1> to vector<64x10xi32>
      %convert_element_type3A_169 = arith.sitofp %convert_element_type3A_168 : vector<64x10xi32> to vector<64x10xf32>
      %get3A_170 = arith.constant 0 : index
      %get3A_171 = arith.constant 0 : index
      %get3A_172 = vector.load %arg4[%get3A_170, %get3A_171] : memref<17x128xf32, #tpu.memory_space<vmem>>, vector<17x128xf32>
      %slice3A_173 = vector.extract_strided_slice %get3A_162 {offsets = [0, 0], sizes = [64, 6], strides = [1, 1]} : vector<64x16xf32> to vector<64x6xf32>
      %slice3A_174 = vector.extract_strided_slice %get3A_172 {offsets = [0, 0], sizes = [6, 128], strides = [1, 1]} : vector<17x128xf32> to vector<6x128xf32>
      %dot_general3A_175 = arith.constant dense<0.000000e+00> : vector<64x128xf32>
      %dot_general3A_176 = tpu.matmul %slice3A_173, %slice3A_174, %dot_general3A_175 {dimension_numbers = #tpu.dot_dimension_numbers<[1], [0], [0], [1], [0, 0, 1, 1], [], []>, transpose_lhs_hint = false} : vector<64x6xf32>, vector<6x128xf32>, vector<64x128xf32> -> vector<64x128xf32>
      %slice3A_177 = vector.extract_strided_slice %get3A_162 {offsets = [0, 8], sizes = [64, 1], strides = [1, 1]} : vector<64x16xf32> to vector<64x1xf32>
      %slice3A_178 = vector.extract_strided_slice %get3A_172 {offsets = [6, 0], sizes = [1, 128], strides = [1, 1]} : vector<17x128xf32> to vector<1x128xf32>
      %dot_general3A_179 = arith.constant dense<0.000000e+00> : vector<64x128xf32>
      %dot_general3A_180 = tpu.matmul %slice3A_177, %slice3A_178, %dot_general3A_179 {dimension_numbers = #tpu.dot_dimension_numbers<[1], [0], [0], [1], [0, 0, 1, 1], [], []>, transpose_lhs_hint = false} : vector<64x1xf32>, vector<1x128xf32>, vector<64x128xf32> -> vector<64x128xf32>
      %add3A_181 = arith.addf %dot_general3A_176, %dot_general3A_180 : vector<64x128xf32>
      %slice3A_182 = vector.extract_strided_slice %get3A_172 {offsets = [7, 0], sizes = [10, 128], strides = [1, 1]} : vector<17x128xf32> to vector<10x128xf32>
      %dot_general3A_183 = arith.constant dense<0.000000e+00> : vector<64x128xf32>
      %dot_general3A_184 = tpu.matmul %convert_element_type3A_169, %slice3A_182, %dot_general3A_183 {dimension_numbers = #tpu.dot_dimension_numbers<[1], [0], [0], [1], [0, 0, 1, 1], [], []>, transpose_lhs_hint = false} : vector<64x10xf32>, vector<10x128xf32>, vector<64x128xf32> -> vector<64x128xf32>
      %add3A_185 = arith.addf %add3A_181, %dot_general3A_184 : vector<64x128xf32>
      %max3A_186 = arith.constant 0.000000e+00 : f32
      %max3A_187 = vector.broadcast %max3A_186 : f32 to vector<64x128xf32>
      %max3A_188 = arith.maximumf %add3A_185, %max3A_187 : vector<64x128xf32>
      %swap3A_189 = arith.constant 0 : index
      %swap3A_190 = arith.constant 0 : index
      %swap3A_191 = vector.load %arg15[%swap3A_189, %swap3A_190] : memref<64x128xf32, #tpu.memory_space<vmem>>, vector<64x128xf32>
      tpu.vector_store %arg15[%swap3A_189, %swap3A_190], %max3A_188 {strides = array<i32>} : memref<64x128xf32, #tpu.memory_space<vmem>>, vector<64x128xf32>,
      %slice3A_192 = vector.extract_strided_slice %get3A_162 {offsets = [0, 12], sizes = [64, 1], strides = [1, 1]} : vector<64x16xf32> to vector<64x1xf32>
      %slice3A_193 = vector.extract_strided_slice %get3A_162 {offsets = [0, 10], sizes = [64, 2], strides = [1, 1]} : vector<64x16xf32> to vector<64x2xf32>
      %broadcast_in_dim3A_194 = arith.constant 0.000000e+00 : f32
      %broadcast_in_dim3A_195 = vector.broadcast %broadcast_in_dim3A_194 : f32 to vector<2x128xf32>
      %swap3A_196 = arith.constant 0 : index
      %swap3A_197 = arith.constant 0 : index
      %swap3A_198 = vector.load %arg10[%swap3A_196, %swap3A_197] : memref<2x128xf32, #tpu.memory_space<vmem>>, vector<2x128xf32>
      tpu.vector_store %arg10[%swap3A_196, %swap3A_197], %broadcast_in_dim3A_195 {strides = array<i32>} : memref<2x128xf32, #tpu.memory_space<vmem>>, vector<2x128xf32>,
      %eq3A_199 = arith.constant 0.000000e+00 : f32
      %eq3A_200 = vector.broadcast %eq3A_199 : f32 to vector<64x1xf32>
      %eq3A_201 = arith.cmpf oeq, %slice3A_192, %eq3A_200 : vector<64x1xf32>
      %convert_element_type3A_202 = arith.extui %eq3A_201 : vector<64x1xi1> to vector<64x1xi32>
      %convert_element_type3A_203 = arith.sitofp %convert_element_type3A_202 : vector<64x1xi32> to vector<64x1xf32>
      %reduce_sum3A_204 = vector.shape_cast %convert_element_type3A_203 : vector<64x1xf32> to vector<1x64x1xf32>
      %reduce_sum3A_205 = arith.constant dense<0.000000e+00> : vector<1xf32>
      %reduce_sum3A_206 = vector.multi_reduction <add>, %reduce_sum3A_204, %reduce_sum3A_205 [1, 2] : vector<1x64x1xf32> to vector<1xf32>
      %reduce_sum3A_207 = vector.shape_cast %reduce_sum3A_206 : vector<1xf32> to vector<1x1x1xf32>
      %reduce_sum3A_208 = vector.extract %reduce_sum3A_207[0, 0, 0] : f32 from vector<1x1x1xf32>
      %max3A_209 = arith.constant 1.000000e+00 : f32
      %max3A_210 = arith.maximumf %reduce_sum3A_208, %max3A_209 : f32
      %mul3A_211 = vector.broadcast %convert_element_type3A_203 : vector<64x1xf32> to vector<64x128xf32>
      %mul3A_212 = arith.mulf %max3A_188, %mul3A_211 : vector<64x128xf32>
      %reduce_sum3A_213 = arith.constant dense<0.000000e+00> : vector<128xf32>
      %reduce_sum3A_214 = vector.multi_reduction <add>, %mul3A_212, %reduce_sum3A_213 [0] : vector<64x128xf32> to vector<128xf32>
      %broadcast_in_dim3A_215 = vector.shape_cast %reduce_sum3A_214 : vector<128xf32> to vector<1x128xf32>
      %mul3A_216 = vector.broadcast %convert_element_type3A_203 : vector<64x1xf32> to vector<64x2xf32>
      %mul3A_217 = arith.mulf %slice3A_193, %mul3A_216 : vector<64x2xf32>
      %reduce_sum3A_218 = arith.constant dense<0.000000e+00> : vector<2xf32>
      %reduce_sum3A_219 = vector.multi_reduction <add>, %mul3A_217, %reduce_sum3A_218 [0] : vector<64x2xf32> to vector<2xf32>
      %broadcast_in_dim3A_220 = vector.shape_cast %reduce_sum3A_219 : vector<2xf32> to vector<1x2xf32>
      %dot_general3A_221 = arith.constant dense<0.000000e+00> : vector<1x128xf32>
      %dot_general3A_222 = tpu.matmul %broadcast_in_dim3A_215, %get3A_151, %dot_general3A_221 {dimension_numbers = #tpu.dot_dimension_numbers<[1], [0], [0], [1], [0, 0, 1, 1], [], []>, transpose_lhs_hint = false} : vector<1x128xf32>, vector<128x128xf32>, vector<1x128xf32> -> vector<1x128xf32>
      %dot_general3A_223 = arith.constant dense<0.000000e+00> : vector<1x128xf32>
      %dot_general3A_224 = tpu.matmul %broadcast_in_dim3A_220, %dot_general3A_156, %dot_general3A_223 {dimension_numbers = #tpu.dot_dimension_numbers<[1], [0], [0], [1], [0, 0, 1, 1], [], []>, transpose_lhs_hint = false} : vector<1x2xf32>, vector<2x128xf32>, vector<1x128xf32> -> vector<1x128xf32>
      %sub3A_225 = arith.subf %dot_general3A_222, %dot_general3A_224 : vector<1x128xf32>
      %div3A_226 = vector.broadcast %max3A_210 : f32 to vector<1x128xf32>
      %div3A_227 = arith.divf %sub3A_225, %div3A_226 : vector<1x128xf32>
      %swap3A_228 = arith.constant 0 : index
      %swap3A_229 = arith.constant 0 : index
      %swap3A_230 = vector.load %arg12[%swap3A_228, %swap3A_229] : memref<2x128xf32, #tpu.memory_space<vmem>>, vector<1x128xf32>
      tpu.vector_store %arg12[%swap3A_228, %swap3A_229], %div3A_227 {strides = array<i32>} : memref<2x128xf32, #tpu.memory_space<vmem>>, vector<1x128xf32>,
      %mul3A_231 = arith.constant 2.000000e+00 : f32
      %mul3A_232 = arith.mulf %mul3A_231, %reduce_sum3A_208 : f32
      %div3A_233 = arith.divf %mul3A_232, %max3A_210 : f32
      %slice3A_234 = vector.extract_strided_slice %dot_general3A_156 {offsets = [0, 0], sizes = [1, 128], strides = [1, 1]} : vector<2x128xf32> to vector<1x128xf32>
      %mul3A_235 = vector.broadcast %div3A_233 : f32 to vector<1x128xf32>
      %mul3A_236 = arith.mulf %mul3A_235, %slice3A_234 : vector<1x128xf32>
      %swap3A_237 = arith.constant 0 : index
      %swap3A_238 = arith.constant 0 : index
      %swap3A_239 = vector.load %arg13[%swap3A_237, %swap3A_238] : memref<2x128xf32, #tpu.memory_space<vmem>>, vector<1x128xf32>
      tpu.vector_store %arg13[%swap3A_237, %swap3A_238], %mul3A_236 {strides = array<i32>} : memref<2x128xf32, #tpu.memory_space<vmem>>, vector<1x128xf32>,
      %mul3A_240 = arith.constant 2.000000e+00 : f32
      %mul3A_241 = arith.mulf %mul3A_240, %reduce_sum3A_208 : f32
      %div3A_242 = arith.divf %mul3A_241, %max3A_210 : f32
      %slice3A_243 = vector.extract_strided_slice %dot_general3A_156 {offsets = [1, 0], sizes = [1, 128], strides = [1, 1]} : vector<2x128xf32> to vector<1x128xf32>
      %mul3A_244 = vector.broadcast %div3A_242 : f32 to vector<1x128xf32>
      %mul3A_245 = arith.mulf %mul3A_244, %slice3A_243 : vector<1x128xf32>
      %swap3A_246 = arith.constant 0 : index
      %swap3A_247 = arith.constant 0 : index
      %swap3A_248 = vector.load %arg14[%swap3A_246, %swap3A_247] : memref<2x128xf32, #tpu.memory_space<vmem>>, vector<1x128xf32>
      tpu.vector_store %arg14[%swap3A_246, %swap3A_247], %mul3A_245 {strides = array<i32>} : memref<2x128xf32, #tpu.memory_space<vmem>>, vector<1x128xf32>,
      %eq3A_249 = arith.constant 1.000000e+00 : f32
      %eq3A_250 = vector.broadcast %eq3A_249 : f32 to vector<64x1xf32>
      %eq3A_251 = arith.cmpf oeq, %slice3A_192, %eq3A_250 : vector<64x1xf32>
      %convert_element_type3A_252 = arith.extui %eq3A_251 : vector<64x1xi1> to vector<64x1xi32>
      %convert_element_type3A_253 = arith.sitofp %convert_element_type3A_252 : vector<64x1xi32> to vector<64x1xf32>
      %reduce_sum3A_254 = vector.shape_cast %convert_element_type3A_253 : vector<64x1xf32> to vector<1x64x1xf32>
      %reduce_sum3A_255 = arith.constant dense<0.000000e+00> : vector<1xf32>
      %reduce_sum3A_256 = vector.multi_reduction <add>, %reduce_sum3A_254, %reduce_sum3A_255 [1, 2] : vector<1x64x1xf32> to vector<1xf32>
      %reduce_sum3A_257 = vector.shape_cast %reduce_sum3A_256 : vector<1xf32> to vector<1x1x1xf32>
      %reduce_sum3A_258 = vector.extract %reduce_sum3A_257[0, 0, 0] : f32 from vector<1x1x1xf32>
      %max3A_259 = arith.constant 1.000000e+00 : f32
      %max3A_260 = arith.maximumf %reduce_sum3A_258, %max3A_259 : f32
      %mul3A_261 = vector.broadcast %convert_element_type3A_253 : vector<64x1xf32> to vector<64x128xf32>
      %mul3A_262 = arith.mulf %max3A_188, %mul3A_261 : vector<64x128xf32>
      %reduce_sum3A_263 = arith.constant dense<0.000000e+00> : vector<128xf32>
      %reduce_sum3A_264 = vector.multi_reduction <add>, %mul3A_262, %reduce_sum3A_263 [0] : vector<64x128xf32> to vector<128xf32>
      %broadcast_in_dim3A_265 = vector.shape_cast %reduce_sum3A_264 : vector<128xf32> to vector<1x128xf32>
      %mul3A_266 = vector.broadcast %convert_element_type3A_253 : vector<64x1xf32> to vector<64x2xf32>
      %mul3A_267 = arith.mulf %slice3A_193, %mul3A_266 : vector<64x2xf32>
      %reduce_sum3A_268 = arith.constant dense<0.000000e+00> : vector<2xf32>
      %reduce_sum3A_269 = vector.multi_reduction <add>, %mul3A_267, %reduce_sum3A_268 [0] : vector<64x2xf32> to vector<2xf32>
      %broadcast_in_dim3A_270 = vector.shape_cast %reduce_sum3A_269 : vector<2xf32> to vector<1x2xf32>
      %dot_general3A_271 = arith.constant dense<0.000000e+00> : vector<1x128xf32>
      %dot_general3A_272 = tpu.matmul %broadcast_in_dim3A_265, %get3A_151, %dot_general3A_271 {dimension_numbers = #tpu.dot_dimension_numbers<[1], [0], [0], [1], [0, 0, 1, 1], [], []>, transpose_lhs_hint = false} : vector<1x128xf32>, vector<128x128xf32>, vector<1x128xf32> -> vector<1x128xf32>
      %dot_general3A_273 = arith.constant dense<0.000000e+00> : vector<1x128xf32>
      %dot_general3A_274 = tpu.matmul %broadcast_in_dim3A_270, %dot_general3A_156, %dot_general3A_273 {dimension_numbers = #tpu.dot_dimension_numbers<[1], [0], [0], [1], [0, 0, 1, 1], [], []>, transpose_lhs_hint = false} : vector<1x2xf32>, vector<2x128xf32>, vector<1x128xf32> -> vector<1x128xf32>
      %sub3A_275 = arith.subf %dot_general3A_272, %dot_general3A_274 : vector<1x128xf32>
      %div3A_276 = vector.broadcast %max3A_260 : f32 to vector<1x128xf32>
      %div3A_277 = arith.divf %sub3A_275, %div3A_276 : vector<1x128xf32>
      %swap3A_278 = arith.constant 1 : index
      %swap3A_279 = arith.constant 0 : index
      %swap3A_280 = vector.load %arg12[%swap3A_278, %swap3A_279] : memref<2x128xf32, #tpu.memory_space<vmem>>, vector<1x128xf32>
      tpu.vector_store %arg12[%swap3A_278, %swap3A_279], %div3A_277 {strides = array<i32>} : memref<2x128xf32, #tpu.memory_space<vmem>>, vector<1x128xf32>,
      %mul3A_281 = arith.constant 2.000000e+00 : f32
      %mul3A_282 = arith.mulf %mul3A_281, %reduce_sum3A_258 : f32
      %div3A_283 = arith.divf %mul3A_282, %max3A_260 : f32
      %slice3A_284 = vector.extract_strided_slice %dot_general3A_156 {offsets = [0, 0], sizes = [1, 128], strides = [1, 1]} : vector<2x128xf32> to vector<1x128xf32>
      %mul3A_285 = vector.broadcast %div3A_283 : f32 to vector<1x128xf32>
      %mul3A_286 = arith.mulf %mul3A_285, %slice3A_284 : vector<1x128xf32>
      %swap3A_287 = arith.constant 1 : index
      %swap3A_288 = arith.constant 0 : index
      %swap3A_289 = vector.load %arg13[%swap3A_287, %swap3A_288] : memref<2x128xf32, #tpu.memory_space<vmem>>, vector<1x128xf32>
      tpu.vector_store %arg13[%swap3A_287, %swap3A_288], %mul3A_286 {strides = array<i32>} : memref<2x128xf32, #tpu.memory_space<vmem>>, vector<1x128xf32>,
      %mul3A_290 = arith.constant 2.000000e+00 : f32
      %mul3A_291 = arith.mulf %mul3A_290, %reduce_sum3A_258 : f32
      %div3A_292 = arith.divf %mul3A_291, %max3A_260 : f32
      %slice3A_293 = vector.extract_strided_slice %dot_general3A_156 {offsets = [1, 0], sizes = [1, 128], strides = [1, 1]} : vector<2x128xf32> to vector<1x128xf32>
      %mul3A_294 = vector.broadcast %div3A_292 : f32 to vector<1x128xf32>
      %mul3A_295 = arith.mulf %mul3A_294, %slice3A_293 : vector<1x128xf32>
      %swap3A_296 = arith.constant 1 : index
      %swap3A_297 = arith.constant 0 : index
      %swap3A_298 = vector.load %arg14[%swap3A_296, %swap3A_297] : memref<2x128xf32, #tpu.memory_space<vmem>>, vector<1x128xf32>
      tpu.vector_store %arg14[%swap3A_296, %swap3A_297], %mul3A_295 {strides = array<i32>} : memref<2x128xf32, #tpu.memory_space<vmem>>, vector<1x128xf32>,
    } else {
    }
    %get3A = arith.constant 0 : index
    %get3A_18 = arith.constant 0 : index
    %get3A_19 = arith.constant 0 : index
    %get3A_20 = vector.load %arg1[%get3A, %get3A_18, %get3A_19] : memref<2x2048x128xf32, #tpu.memory_space<vmem>>, vector<2x2048x128xf32>
    %slice3A = vector.extract_strided_slice %get3A_20 {offsets = [0, 0, 0], sizes = [1, 2048, 128], strides = [1, 1, 1]} : vector<2x2048x128xf32> to vector<1x2048x128xf32>
    %squeeze3A = vector.shape_cast %slice3A : vector<1x2048x128xf32> to vector<2048x128xf32>
    %slice3A_21 = vector.extract_strided_slice %get3A_20 {offsets = [1, 0, 0], sizes = [1, 2048, 128], strides = [1, 1, 1]} : vector<2x2048x128xf32> to vector<1x2048x128xf32>
    %squeeze3A_22 = vector.shape_cast %slice3A_21 : vector<1x2048x128xf32> to vector<2048x128xf32>
    %add3A = arith.addf %squeeze3A, %squeeze3A_22 : vector<2048x128xf32>
    %mul3A = arith.constant 2.500000e-01 : f32
    %mul3A_23 = vector.broadcast %mul3A : f32 to vector<2048x128xf32>
    %mul3A_24 = arith.mulf %add3A, %mul3A_23 : vector<2048x128xf32>
    %get3A_25 = arith.constant 0 : index
    %get3A_26 = arith.constant 0 : index
    %get3A_27 = vector.load %arg3[%get3A_25, %get3A_26] : memref<128x128xf32, #tpu.memory_space<vmem>>, vector<128x128xf32>
    %dot_general3A = arith.constant dense<0.000000e+00> : vector<2048x128xf32>
    %dot_general3A_28 = tpu.matmul %mul3A_24, %get3A_27, %dot_general3A {dimension_numbers = #tpu.dot_dimension_numbers<[1], [0], [0], [1], [0, 0, 1, 1], [], []>, transpose_lhs_hint = false} : vector<2048x128xf32>, vector<128x128xf32>, vector<2048x128xf32> -> vector<2048x128xf32>
    %max3A = arith.constant 0.000000e+00 : f32
    %max3A_29 = vector.broadcast %max3A : f32 to vector<2048x128xf32>
    %max3A_30 = arith.maximumf %dot_general3A_28, %max3A_29 : vector<2048x128xf32>
    %get3A_31 = arith.index_cast %select_n3A : i32 to index
    %get3A_32 = arith.constant 0 : index
    %get3A_33 = vector.load %arg10[%get3A_31, %get3A_32] : memref<2x128xf32, #tpu.memory_space<vmem>>, vector<1x128xf32>
    %reduce_sum3A = arith.constant dense<0.000000e+00> : vector<128xf32>
    %reduce_sum3A_34 = vector.multi_reduction <add>, %max3A_30, %reduce_sum3A [0] : vector<2048x128xf32> to vector<128xf32>
    %broadcast_in_dim3A = vector.shape_cast %reduce_sum3A_34 : vector<128xf32> to vector<1x128xf32>
    %add3A_35 = arith.addf %get3A_33, %broadcast_in_dim3A : vector<1x128xf32>
    %swap3A = arith.index_cast %select_n3A : i32 to index
    %swap3A_36 = arith.constant 0 : index
    %swap3A_37 = vector.load %arg10[%swap3A, %swap3A_36] : memref<2x128xf32, #tpu.memory_space<vmem>>, vector<1x128xf32>
    tpu.vector_store %arg10[%swap3A, %swap3A_36], %add3A_35 {strides = array<i32>} : memref<2x128xf32, #tpu.memory_space<vmem>>, vector<1x128xf32>,
    %iota3A = tpu.iota {dimensions = array<i32: 0>} : vector<2048x1xi32>
    %jit3A_38 = arith.constant 64 : i32
    %eq3A_39 = arith.constant 0 : i32
    %eq3A_40 = arith.cmpi eq, %jit3A_38, %eq3A_39 : i32
    %jit3A_41 = arith.constant 1 : i32
    %select_n3A_42 = arith.select %eq3A_40, %jit3A_41, %jit3A_38 : i32
    %rem3A_43 = vector.broadcast %select_n3A_42 : i32 to vector<2048x1xi32>
    %rem3A_44 = arith.remsi %iota3A, %rem3A_43 : vector<2048x1xi32>
    %ne3A_45 = arith.constant 0 : i32
    %ne3A_46 = vector.broadcast %ne3A_45 : i32 to vector<2048x1xi32>
    %ne3A_47 = arith.cmpi ne, %rem3A_44, %ne3A_46 : vector<2048x1xi32>
    %lt3A = arith.constant 0 : i32
    %lt3A_48 = vector.broadcast %lt3A : i32 to vector<2048x1xi32>
    %lt3A_49 = arith.cmpi slt, %rem3A_44, %lt3A_48 : vector<2048x1xi32>
    %lt3A_50 = arith.constant 0 : i32
    %lt3A_51 = arith.cmpi slt, %select_n3A_42, %lt3A_50 : i32
    %ne3A_52 = vector.broadcast %lt3A_51 : i1 to vector<2048x1xi1>
    %ne3A_53 = vector.broadcast %ne3A_52 : vector<2048x1xi1> to vector<2048x1xi1>
    %ne3A_54 = arith.xori %lt3A_49, %ne3A_53 : vector<2048x1xi1>
    %and3A_55 = arith.andi %ne3A_54, %ne3A_47 : vector<2048x1xi1>
    %add3A_56 = vector.broadcast %select_n3A_42 : i32 to vector<2048x1xi32>
    %add3A_57 = arith.addi %rem3A_44, %add3A_56 : vector<2048x1xi32>
    %select_n3A_58 = arith.select %and3A_55, %add3A_57, %rem3A_44 : vector<2048x1xi1>, vector<2048x1xi32>
    %convert_element_type3A_59 = arith.sitofp %select_n3A_58 : vector<2048x1xi32> to vector<2048x1xf32>
    %jit3A_60 = arith.constant 2 : i32
    %eq3A_61 = arith.constant 0 : i32
    %eq3A_62 = arith.cmpi eq, %jit3A_60, %eq3A_61 : i32
    %jit3A_63 = arith.constant 1 : i32
    %select_n3A_64 = arith.select %eq3A_62, %jit3A_63, %jit3A_60 : i32
    %rem3A_65 = arith.remsi %arg0, %select_n3A_64 : i32
    %ne3A_66 = arith.constant 0 : i32
    %ne3A_67 = arith.cmpi ne, %rem3A_65, %ne3A_66 : i32
    %lt3A_68 = arith.constant 0 : i32
    %lt3A_69 = arith.cmpi slt, %rem3A_65, %lt3A_68 : i32
    %lt3A_70 = arith.constant 0 : i32
    %lt3A_71 = arith.cmpi slt, %select_n3A_64, %lt3A_70 : i32
    %ne3A_72 = arith.xori %lt3A_69, %lt3A_71 : i1
    %and3A_73 = arith.andi %ne3A_72, %ne3A_67 : i1
    %add3A_74 = arith.addi %rem3A_65, %select_n3A_64 : i32
    %select_n3A_75 = arith.select %and3A_73, %add3A_74, %rem3A_65 : i32
    %mul3A_76 = arith.constant 32 : i32
    %mul3A_77 = arith.muli %select_n3A_75, %mul3A_76 : i32
    %jit3A_78 = arith.constant 64 : i32
    %div3A_79 = vector.broadcast %jit3A_78 : i32 to vector<2048x1xi32>
    %div3A_80 = arith.divsi %iota3A, %div3A_79 : vector<2048x1xi32>
    %sign3A_81 = arith.constant 0 : i32
    %sign3A_82 = vector.broadcast %sign3A_81 : i32 to vector<2048x1xi32>
    %sign3A_83 = arith.cmpi sgt, %iota3A, %sign3A_82 : vector<2048x1xi32>
    %sign3A_84 = arith.extui %sign3A_83 : vector<2048x1xi1> to vector<2048x1xi32>
    %sign3A_85 = arith.constant 0 : i32
    %sign3A_86 = vector.broadcast %sign3A_85 : i32 to vector<2048x1xi32>
    %sign3A_87 = arith.cmpi slt, %iota3A, %sign3A_86 : vector<2048x1xi32>
    %sign3A_88 = arith.extui %sign3A_87 : vector<2048x1xi1> to vector<2048x1xi32>
    %sign3A_89 = arith.subi %sign3A_84, %sign3A_88 : vector<2048x1xi32>
    %sign3A_90 = arith.constant 0 : i32
    %sign3A_91 = arith.cmpi sgt, %jit3A_78, %sign3A_90 : i32
    %sign3A_92 = arith.extui %sign3A_91 : i1 to i32
    %sign3A_93 = arith.constant 0 : i32
    %sign3A_94 = arith.cmpi slt, %jit3A_78, %sign3A_93 : i32
    %sign3A_95 = arith.extui %sign3A_94 : i1 to i32
    %sign3A_96 = arith.subi %sign3A_92, %sign3A_95 : i32
    %ne3A_97 = vector.broadcast %sign3A_96 : i32 to vector<2048x1xi32>
    %ne3A_98 = arith.cmpi ne, %sign3A_89, %ne3A_97 : vector<2048x1xi32>
    %rem3A_99 = vector.broadcast %jit3A_78 : i32 to vector<2048x1xi32>
    %rem3A_100 = arith.remsi %iota3A, %rem3A_99 : vector<2048x1xi32>
    %ne3A_101 = arith.constant 0 : i32
    %ne3A_102 = vector.broadcast %ne3A_101 : i32 to vector<2048x1xi32>
    %ne3A_103 = arith.cmpi ne, %rem3A_100, %ne3A_102 : vector<2048x1xi32>
    %and3A_104 = arith.andi %ne3A_98, %ne3A_103 : vector<2048x1xi1>
    %sub3A_105 = arith.constant 1 : i32
    %sub3A_106 = vector.broadcast %sub3A_105 : i32 to vector<2048x1xi32>
    %sub3A_107 = arith.subi %div3A_80, %sub3A_106 : vector<2048x1xi32>
    %select_n3A_108 = arith.select %and3A_104, %sub3A_107, %div3A_80 : vector<2048x1xi1>, vector<2048x1xi32>
    %add3A_109 = vector.broadcast %mul3A_77 : i32 to vector<2048x1xi32>
    %add3A_110 = arith.addi %add3A_109, %select_n3A_108 : vector<2048x1xi32>
    %convert_element_type3A_111 = arith.sitofp %add3A_110 : vector<2048x1xi32> to vector<2048x1xf32>
    %get3A_112 = arith.index_cast %select_n3A : i32 to index
    %get3A_113 = arith.constant 0 : index
    %get3A_114 = vector.load %arg12[%get3A_112, %get3A_113] : memref<2x128xf32, #tpu.memory_space<vmem>>, vector<1x128xf32>
    %get3A_115 = arith.index_cast %select_n3A : i32 to index
    %get3A_116 = arith.constant 0 : index
    %get3A_117 = vector.load %arg13[%get3A_115, %get3A_116] : memref<2x128xf32, #tpu.memory_space<vmem>>, vector<1x128xf32>
    %mul3A_118 = vector.broadcast %convert_element_type3A_59 : vector<2048x1xf32> to vector<2048x128xf32>
    %mul3A_119 = vector.broadcast %get3A_117 : vector<1x128xf32> to vector<2048x128xf32>
    %mul3A_120 = arith.mulf %mul3A_118, %mul3A_119 : vector<2048x128xf32>
    %add3A_121 = vector.broadcast %get3A_114 : vector<1x128xf32> to vector<2048x128xf32>
    %add3A_122 = arith.addf %add3A_121, %mul3A_120 : vector<2048x128xf32>
    %get3A_123 = arith.index_cast %select_n3A : i32 to index
    %get3A_124 = arith.constant 0 : index
    %get3A_125 = vector.load %arg14[%get3A_123, %get3A_124] : memref<2x128xf32, #tpu.memory_space<vmem>>, vector<1x128xf32>
    %mul3A_126 = vector.broadcast %convert_element_type3A_111 : vector<2048x1xf32> to vector<2048x128xf32>
    %mul3A_127 = vector.broadcast %get3A_125 : vector<1x128xf32> to vector<2048x128xf32>
    %mul3A_128 = arith.mulf %mul3A_126, %mul3A_127 : vector<2048x128xf32>
    %add3A_129 = arith.addf %add3A_122, %mul3A_128 : vector<2048x128xf32>
    %get3A_130 = arith.constant 0 : index
    %get3A_131 = arith.constant 0 : index
    %get3A_132 = vector.load %arg6[%get3A_130, %get3A_131] : memref<128x128xf32, #tpu.memory_space<vmem>>, vector<128x128xf32>
    %dot_general3A_133 = arith.constant dense<0.000000e+00> : vector<2048x128xf32>
    %dot_general3A_134 = tpu.matmul %max3A_30, %get3A_132, %dot_general3A_133 {dimension_numbers = #tpu.dot_dimension_numbers<[1], [0], [0], [1], [0, 0, 1, 1], [], []>, transpose_lhs_hint = false} : vector<2048x128xf32>, vector<128x128xf32>, vector<2048x128xf32> -> vector<2048x128xf32>
    %add3A_135 = arith.addf %dot_general3A_134, %add3A_129 : vector<2048x128xf32>
    %max3A_136 = arith.constant 0.000000e+00 : f32
    %max3A_137 = vector.broadcast %max3A_136 : f32 to vector<2048x128xf32>
    %max3A_138 = arith.maximumf %add3A_135, %max3A_137 : vector<2048x128xf32>
    %transpose3A = tpu.transpose %max3A_138, [1, 0] : vector<2048x128xf32> -> vector<128x2048xf32>
    %broadcast_in_dim3A_139 = vector.shape_cast %transpose3A : vector<128x2048xf32> to vector<1x128x2048xf32>
    %swap3A_140 = arith.constant 0 : index
    %swap3A_141 = arith.constant 0 : index
    %swap3A_142 = arith.constant 0 : index
    %swap3A_143 = vector.load %arg8[%swap3A_140, %swap3A_141, %swap3A_142] : memref<1x128x2048xf32, #tpu.memory_space<vmem>>, vector<1x128x2048xf32>
    tpu.vector_store %arg8[%swap3A_140, %swap3A_141, %swap3A_142], %broadcast_in_dim3A_139 {strides = array<i32>} : memref<1x128x2048xf32, #tpu.memory_space<vmem>>, vector<1x128x2048xf32>,
    %eq3A_144 = arith.constant 3 : i32
    %eq3A_145 = arith.cmpi eq, %arg0, %eq3A_144 : i32
    %convert_element_type3A_146 = arith.extui %eq3A_145 : i1 to i32
    %cond3A_147 = arith.constant 0 : i32
    %cond3A_148 = arith.cmpi ne, %convert_element_type3A_146, %cond3A_147 : i32
    scf.if %cond3A_148 {
      %get3A_149 = arith.constant 0 : index
      %get3A_150 = arith.constant 0 : index
      %get3A_151 = vector.load %arg10[%get3A_149, %get3A_150] : memref<2x128xf32, #tpu.memory_space<vmem>>, vector<2x128xf32>
      %get3A_152 = arith.constant 0 : index
      %get3A_153 = arith.constant 0 : index
      %get3A_154 = vector.load %arg7[%get3A_152, %get3A_153] : memref<128x128xf32, #tpu.memory_space<vmem>>, vector<128x128xf32>
      %dot_general3A_155 = arith.constant dense<0.000000e+00> : vector<2x128xf32>
      %dot_general3A_156 = tpu.matmul %get3A_151, %get3A_154, %dot_general3A_155 {dimension_numbers = #tpu.dot_dimension_numbers<[1], [0], [0], [1], [0, 0, 1, 1], [], []>, transpose_lhs_hint = false} : vector<2x128xf32>, vector<128x128xf32>, vector<2x128xf32> -> vector<2x128xf32>
      %mul3A_157 = arith.constant 2.44140625E-4 : f32
      %mul3A_158 = vector.broadcast %mul3A_157 : f32 to vector<2x128xf32>
      %mul3A_159 = arith.mulf %dot_general3A_156, %mul3A_158 : vector<2x128xf32>
      %get3A_160 = arith.constant 0 : index
      %get3A_161 = arith.constant 0 : index
      %get3A_162 = vector.load %arg2[%get3A_160, %get3A_161] : memref<64x16xf32, #tpu.memory_space<vmem>>, vector<64x16xf32>
      %slice3A_163 = vector.extract_strided_slice %get3A_162 {offsets = [0, 12], sizes = [64, 1], strides = [1, 1]} : vector<64x16xf32> to vector<64x1xf32>
      %eq3A_164 = arith.constant 0.000000e+00 : f32
      %eq3A_165 = vector.broadcast %eq3A_164 : f32 to vector<64x1xf32>
      %eq3A_166 = arith.cmpf oeq, %slice3A_163, %eq3A_165 : vector<64x1xf32>
      %slice3A_167 = vector.extract_strided_slice %mul3A_159 {offsets = [0, 0], sizes = [1, 128], strides = [1, 1]} : vector<2x128xf32> to vector<1x128xf32>
      %slice3A_168 = vector.extract_strided_slice %mul3A_159 {offsets = [1, 0], sizes = [1, 128], strides = [1, 1]} : vector<2x128xf32> to vector<1x128xf32>
      %broadcast_in_dim3A_169 = vector.shape_cast %eq3A_166 : vector<64x1xi1> to vector<64x1xi1>
      %broadcast_in_dim3A_170 = vector.broadcast %broadcast_in_dim3A_169 : vector<64x1xi1> to vector<64x128xi1>
      %broadcast_in_dim3A_171 = vector.shape_cast %slice3A_167 : vector<1x128xf32> to vector<1x128xf32>
      %broadcast_in_dim3A_172 = vector.broadcast %broadcast_in_dim3A_171 : vector<1x128xf32> to vector<64x128xf32>
      %broadcast_in_dim3A_173 = vector.shape_cast %slice3A_168 : vector<1x128xf32> to vector<1x128xf32>
      %broadcast_in_dim3A_174 = vector.broadcast %broadcast_in_dim3A_173 : vector<1x128xf32> to vector<64x128xf32>
      %select_n3A_175 = arith.select %broadcast_in_dim3A_170, %broadcast_in_dim3A_172, %broadcast_in_dim3A_174 : vector<64x128xi1>, vector<64x128xf32>
      %slice3A_176 = vector.extract_strided_slice %get3A_162 {offsets = [0, 10], sizes = [64, 2], strides = [1, 1]} : vector<64x16xf32> to vector<64x2xf32>
      %sub3A_177 = arith.constant 6.300000e+01 : f32
      %sub3A_178 = vector.broadcast %sub3A_177 : f32 to vector<64x2xf32>
      %sub3A_179 = arith.subf %slice3A_176, %sub3A_178 : vector<64x2xf32>
      %get3A_180 = arith.constant 0 : index
      %get3A_181 = arith.constant 0 : index
      %get3A_182 = vector.load %arg11[%get3A_180, %get3A_181] : memref<2x128xf32, #tpu.memory_space<vmem>>, vector<2x128xf32>
      %dot_general3A_183 = arith.constant dense<0.000000e+00> : vector<64x128xf32>
      %dot_general3A_184 = tpu.matmul %sub3A_179, %get3A_182, %dot_general3A_183 {dimension_numbers = #tpu.dot_dimension_numbers<[1], [0], [0], [1], [0, 0, 1, 1], [], []>, transpose_lhs_hint = false} : vector<64x2xf32>, vector<2x128xf32>, vector<64x128xf32> -> vector<64x128xf32>
      %add3A_185 = arith.addf %select_n3A_175, %dot_general3A_184 : vector<64x128xf32>
      %get3A_186 = arith.constant 0 : index
      %get3A_187 = arith.constant 0 : index
      %get3A_188 = vector.load %arg15[%get3A_186, %get3A_187] : memref<64x128xf32, #tpu.memory_space<vmem>>, vector<64x128xf32>
      %get3A_189 = arith.constant 0 : index
      %get3A_190 = arith.constant 0 : index
      %get3A_191 = vector.load %arg6[%get3A_189, %get3A_190] : memref<128x128xf32, #tpu.memory_space<vmem>>, vector<128x128xf32>
      %dot_general3A_192 = arith.constant dense<0.000000e+00> : vector<64x128xf32>
      %dot_general3A_193 = tpu.matmul %get3A_188, %get3A_191, %dot_general3A_192 {dimension_numbers = #tpu.dot_dimension_numbers<[1], [0], [0], [1], [0, 0, 1, 1], [], []>, transpose_lhs_hint = false} : vector<64x128xf32>, vector<128x128xf32>, vector<64x128xf32> -> vector<64x128xf32>
      %add3A_194 = arith.addf %dot_general3A_193, %add3A_185 : vector<64x128xf32>
      %max3A_195 = arith.constant 0.000000e+00 : f32
      %max3A_196 = vector.broadcast %max3A_195 : f32 to vector<64x128xf32>
      %max3A_197 = arith.maximumf %add3A_194, %max3A_196 : vector<64x128xf32>
      %swap3A_198 = arith.constant 0 : index
      %swap3A_199 = arith.constant 0 : index
      %swap3A_200 = vector.load %arg9[%swap3A_198, %swap3A_199] : memref<64x128xf32, #tpu.memory_space<vmem>>, vector<64x128xf32>
      tpu.vector_store %arg9[%swap3A_198, %swap3A_199], %max3A_197 {strides = array<i32>} : memref<64x128xf32, #tpu.memory_space<vmem>>, vector<64x128xf32>,
    } else {
    }
    return
  }
  func.func @transform_0(%arg0: i32) -> (i32, i32, i32) {
    %c0_i32 = arith.constant 0 : i32
    %c0_i32_0 = arith.constant 0 : i32
    %c0_i32_1 = arith.constant 0 : i32
    return %c0_i32, %arg0, %c0_i32_0 : i32, i32, i32
  }
  func.func @transform_1(%arg0: i32) -> (i32, i32) {
    %c0_i32 = arith.constant 0 : i32
    %c0_i32_0 = arith.constant 0 : i32
    %c0_i32_1 = arith.constant 0 : i32
    return %c0_i32, %c0_i32_0 : i32, i32
  }
  func.func @transform_2(%arg0: i32) -> (i32, i32) {
    %c0_i32 = arith.constant 0 : i32
    %c0_i32_0 = arith.constant 0 : i32
    %c0_i32_1 = arith.constant 0 : i32
    return %c0_i32, %c0_i32_0 : i32, i32
  }
  func.func @transform_3(%arg0: i32) -> (i32, i32) {
    %c0_i32 = arith.constant 0 : i32
    %c0_i32_0 = arith.constant 0 : i32
    %c0_i32_1 = arith.constant 0 : i32
    return %c0_i32, %c0_i32_0 : i32, i32
  }
  func.func @transform_4(%arg0: i32) -> (i32, i32) {
    %c0_i32 = arith.constant 0 : i32
    %c0_i32_0 = arith.constant 0 : i32
    %c0_i32_1 = arith.constant 0 : i32
    return %c0_i32, %c0_i32_0 : i32, i32
  }
  func.func @transform_5(%arg0: i32) -> (i32, i32) {
    %c0_i32 = arith.constant 0 : i32
    %c0_i32_0 = arith.constant 0 : i32
    %c0_i32_1 = arith.constant 0 : i32
    return %c0_i32, %c0_i32_0 : i32, i32
  }
  func.func @transform_6(%arg0: i32) -> (i32, i32) {
    %c0_i32 = arith.constant 0 : i32
    %c0_i32_0 = arith.constant 0 : i32
    %c0_i32_1 = arith.constant 0 : i32
    return %c0_i32, %c0_i32_0 : i32, i32
  }
  func.func @transform_7(%arg0: i32) -> (i32, i32, i32) {
    %jit3A = arith.constant 2 : i32
    %div3A = arith.divsi %arg0, %jit3A : i32
    %sign3A = arith.constant 0 : i32
    %sign3A_0 = arith.cmpi sgt, %arg0, %sign3A : i32
    %sign3A_1 = arith.extui %sign3A_0 : i1 to i32
    %sign3A_2 = arith.constant 0 : i32
    %sign3A_3 = arith.cmpi slt, %arg0, %sign3A_2 : i32
    %sign3A_4 = arith.extui %sign3A_3 : i1 to i32
    %sign3A_5 = arith.subi %sign3A_1, %sign3A_4 : i32
    %sign3A_6 = arith.constant 0 : i32
    %sign3A_7 = arith.cmpi sgt, %jit3A, %sign3A_6 : i32
    %sign3A_8 = arith.extui %sign3A_7 : i1 to i32
    %sign3A_9 = arith.constant 0 : i32
    %sign3A_10 = arith.cmpi slt, %jit3A, %sign3A_9 : i32
    %sign3A_11 = arith.extui %sign3A_10 : i1 to i32
    %sign3A_12 = arith.subi %sign3A_8, %sign3A_11 : i32
    %ne3A = arith.cmpi ne, %sign3A_5, %sign3A_12 : i32
    %rem3A = arith.remsi %arg0, %jit3A : i32
    %ne3A_13 = arith.constant 0 : i32
    %ne3A_14 = arith.cmpi ne, %rem3A, %ne3A_13 : i32
    %and3A = arith.andi %ne3A, %ne3A_14 : i1
    %sub3A = arith.constant 1 : i32
    %sub3A_15 = arith.subi %div3A, %sub3A : i32
    %select_n3A = arith.select %and3A, %sub3A_15, %div3A : i32
    %jit3A_16 = arith.constant 2 : i32
    %eq3A = arith.constant 0 : i32
    %eq3A_17 = arith.cmpi eq, %jit3A_16, %eq3A : i32
    %jit3A_18 = arith.constant 1 : i32
    %select_n3A_19 = arith.select %eq3A_17, %jit3A_18, %jit3A_16 : i32
    %rem3A_20 = arith.remsi %arg0, %select_n3A_19 : i32
    %ne3A_21 = arith.constant 0 : i32
    %ne3A_22 = arith.cmpi ne, %rem3A_20, %ne3A_21 : i32
    %lt3A = arith.constant 0 : i32
    %lt3A_23 = arith.cmpi slt, %rem3A_20, %lt3A : i32
    %lt3A_24 = arith.constant 0 : i32
    %lt3A_25 = arith.cmpi slt, %select_n3A_19, %lt3A_24 : i32
    %ne3A_26 = arith.xori %lt3A_23, %lt3A_25 : i1
    %and3A_27 = arith.andi %ne3A_26, %ne3A_22 : i1
    %add3A = arith.addi %rem3A_20, %select_n3A_19 : i32
    %select_n3A_28 = arith.select %and3A_27, %add3A, %rem3A_20 : i32
    %c0_i32 = arith.constant 0 : i32
    %c0_i32_29 = arith.constant 0 : i32
    return %select_n3A, %c0_i32, %select_n3A_28 : i32, i32, i32
  }
  func.func @transform_8(%arg0: i32) -> (i32, i32) {
    %c0_i32 = arith.constant 0 : i32
    %c0_i32_0 = arith.constant 0 : i32
    %c0_i32_1 = arith.constant 0 : i32
    return %c0_i32, %c0_i32_0 : i32, i32
  }
}

</mosaic_0001>

<sc_bundles>
// kernel: kernel.5.cloned.1.call-start
scs
__scs_entry_jumppad:
0x0: {  	(pc) =	sbr.rel $0x88, $3  }
0x1: {  	(tag) =	ssettag $0x0;
	lr =	simm.s32 $0x1  }
0x2: {  	[smem:$0x3F95] =	sst lr;
	_ =	strace $0xD0000000  }
0x3: {  	_ = 	snop  }
0x4: {  	_ = 	snop  }
0x5: {  	_ = 	snop  }
0x6: {  	_ = 	snop  }
0x7: {  	_ = 	snop  }
__scs_overlays_trampoline_lowered:
0x8: {  	[smem:$0x3FA4] =	sst s0  }
0x9: {  	[smem:$0x3FA5] =	sst s1  }
0xa: {  	[smem:$0x3FA6] =	sst s2  }
0xb: {  	[smem:$0x3FA7] =	sst s3  }
0xc: {  	[smem:$0x3FA8] =	sst s4  }
0xd: {  	[smem:$0x3FA9] =	sst s5  }
0xe: {  	[smem:$0x3FAA] =	sst s6  }
0xf: {  	[smem:$0x3FAB] =	sst s7  }
0x10: {  	[smem:$0x3FAC] =	sst s8  }
0x11: {  	[smem:$0x3FAD] =	sst s9;
	s0 =	simm.s32 @!p0 $0x0  }
0x12: {  	s1 =	sld [smem:$0x3F93];
	s0 =	simm.s32 @p0 $0x1  }
0x13: {  	[smem:$0x3FAE] =	sst s0;
	s0 =	simm.s32 @!p1 $0x0  }
0x14: {  	s2 =	sld [smem:$0x3F92];
	s0 =	simm.s32 @p1 $0x1  }
0x15: {  	[smem:$0x3FAF] =	sst s0;
	s0 =	simm.s32 @!p2 $0x0  }
0x16: {  	s3 =	sld [smem:$0x3FDB];
	s0 =	simm.s32 @p2 $0x1  }
0x17: {  	s4 =	simm.s32 $0x1BF5;
	[smem:$0x3FB1] =	sst s0  }
0x18: {  	s0 =	sld [smem:$0x3F94];
	_ =	swait.ge [sflag:s4], $0x0  }
0x19: {  	s7 =	sld [smem:$0x3F95]  }
0x1a: {  	s8 =	sadd.s32 $0xFFFFE003, lr  }
0x1b: {  	s9 =	sadd.s32 $0xFFFFFEF7, lr;
	s5 =	simm.s32 $0xFFFFFFFF;
	p2 =	slt.u32 s8, $0xFFFFF086  }
0x1c: {  	p1 =	slt.u32 s9, $0xF7A;
	s5 =	simm.s32 @!p2 $0x0  }
0x1d: {  	s5 =	simm.s32 @p1 $0x1;
	p0 =	seq.s32 s7, s2  }
0x1e: {  	s7 =	smul.u32 @!p0 $0xF7A, s2;
	p2 =	seq.s32 @!p0 s5, $0x0  }
0x1f: {  	s9 =	smul.u32 $0xF7A, s1;
	s8 =	simm.s32 @!p0 $0x1BF5;
	p2 =	por !p2, p0  }
0x20: {  	[sflag:s8] =	ssyncset.s32 @!p0 $0xFFFFF086;
	s6 =	sadd.s32 @!p0 s3, s7;
	s7 =	simm.s32 @!p0 $0x108  }
0x21: {  	s3 =	sadd.s32 s3, s9;
	s6 =	sadd.s32 @!p0 $0x88, s6;
	s7 =	simm.s32 @p2 $0x1082  }
0x22: {  	[simem:s7], [sflag:s8] =	dma.local @!p0 [hbm:s6], $0xF7A  }
0x23: {  	s9 =	sor.u32 $0xD0000000, s2;
	s6 =	simm.s32 $0x108;
	_ =	swait.ge @!p0 [sflag:s8], $0x0  }
0x24: {  	s3 =	sadd.s32 $0x88, s3;
	s6 =	simm.s32 @!p1 $0x1082;
	[sflag:s4] =	ssyncset.s32 $0xFFFFF086  }
0x25: {  	[simem:s6], [sflag:s4] =	dma.local [hbm:s3], $0xF7A  }
0x26: {  	[smem:$0x3F95] =	sst s1;
	(tag) =	ssettag s2;
	_ =	strace s9  }
0x27: {  	s1 =	sld [smem:$0x3FA5]  }
0x28: {  	s2 =	sld [smem:$0x3FA6]  }
0x29: {  	s4 =	sld [smem:$0x3FA8]  }
0x2a: {  	p0 =	seq.s32 s5, $0x0;
	s5 =	sld [smem:$0x3FA9]  }
0x2b: {  	s6 =	sld [smem:$0x3FAA]  }
0x2c: {  	s7 =	sld [smem:$0x3FAB]  }
0x2d: {  	s3 =	simm.s32 $0x108;
	s8 =	sld [smem:$0x3FAC]  }
0x2e: {  	s3 =	simm.s32 @!p0 $0x1082;
	s9 =	sld [smem:$0x3FAD]  }
0x2f: {  	lr =	sadd.s32 s0, s3;
	s0 =	sld [smem:$0x3FA4]  }
0x30: {  	s3 =	sld [smem:$0x3FA7]  }
0x31: {  	[smem:$0x3FB0] =	sst s10  }
0x32: {  	s10 =	sld [smem:$0x3FAE];
	_ =	sdelay $0x3  }
0x33: {  	p0 =	seq.s32 s10, $0x1;
	s10 =	sld [smem:$0x3FB0];
	_ =	sdelay $0x3  }
0x34: {  	[smem:$0x3FB0] =	sst s10  }
0x35: {  	s10 =	sld [smem:$0x3FAF];
	_ =	sdelay $0x3  }
0x36: {  	p1 =	seq.s32 s10, $0x1;
	s10 =	sld [smem:$0x3FB0];
	_ =	sdelay $0x3  }
0x37: {  	[smem:$0x3FB0] =	sst s10  }
0x38: {  	s10 =	sld [smem:$0x3FB1]  }
0x39: {  	_ = 	snop;
	(pc) =	sbr.ind lr, $3  }
0x3a: {  	_ = 	snop  }
0x3b: {  	_ = 	snop  }
0x3c: {  	p2 =	seq.s32 s10, $0x1;
	s10 =	sld [smem:$0x3FB0]  }
0x3d: {  	_ =	shalt  }
0x3e: {  	_ =	shalt  }
0x3f: {  	_ =	shalt  }
0x40: {  	_ =	shalt  }
0x41: {  	_ =	shalt  }
0x42: {  	_ =	shalt  }
0x43: {  	_ =	shalt  }
0x44: {  	_ =	shalt  }
0x45: {  	_ =	shalt  }
0x46: {  	_ =	shalt  }
0x47: {  	_ =	shalt  }
0x48: {  	_ =	shalt  }
0x49: {  	_ =	shalt  }
0x4a: {  	_ =	shalt  }
0x4b: {  	_ =	shalt  }
0x4c: {  	_ =	shalt  }
0x4d: {  	_ =	shalt  }
0x4e: {  	_ =	shalt  }
0x4f: {  	_ =	shalt  }
0x50: {  	_ =	shalt  }
0x51: {  	_ =	shalt  }
0x52: {  	_ =	shalt  }
0x53: {  	_ =	shalt  }
0x54: {  	_ =	shalt  }
0x55: {  	_ =	shalt  }
0x56: {  	_ =	shalt  }
0x57: {  	_ =	shalt  }
0x58: {  	_ =	shalt  }
0x59: {  	_ =	shalt  }
0x5a: {  	_ =	shalt  }
0x5b: {  	_ =	shalt  }
0x5c: {  	_ =	shalt  }
0x5d: {  	_ =	shalt  }
0x5e: {  	_ =	shalt  }
0x5f: {  	_ =	shalt  }
0x60: {  	_ =	shalt  }
0x61: {  	_ =	shalt  }
0x62: {  	_ =	shalt  }
0x63: {  	_ =	shalt  }
0x64: {  	_ =	shalt  }
0x65: {  	_ =	shalt  }
0x66: {  	_ =	shalt  }
0x67: {  	_ =	shalt  }
0x68: {  	_ =	shalt  }
0x69: {  	_ =	shalt  }
0x6a: {  	_ =	shalt  }
0x6b: {  	_ =	shalt  }
0x6c: {  	_ =	shalt  }
0x6d: {  	_ =	shalt  }
0x6e: {  	_ =	shalt  }
0x6f: {  	_ =	shalt  }
0x70: {  	_ =	shalt  }
0x71: {  	_ =	shalt  }
0x72: {  	_ =	shalt  }
0x73: {  	_ =	shalt  }
0x74: {  	_ =	shalt  }
0x75: {  	_ =	shalt  }
0x76: {  	_ =	shalt  }
0x77: {  	_ =	shalt  }
0x78: {  	_ =	shalt  }
0x79: {  	_ =	shalt  }
0x7a: {  	_ =	shalt  }
0x7b: {  	_ =	shalt  }
0x7c: {  	_ =	shalt  }
0x7d: {  	_ =	shalt  }
0x7e: {  	_ =	shalt  }
0x7f: {  	_ =	shalt  }
0x80: {  	_ =	shalt  }
0x81: {  	_ =	shalt  }
0x82: {  	_ =	shalt  }
0x83: {  	_ =	shalt  }
0x84: {  	_ =	shalt  }
0x85: {  	_ =	shalt  }
0x86: {  	_ =	shalt  }
0x87: {  	_ =	shalt  }
.Lfunc_end0:
.L_simem_size_0:
called_computation_lowered:
.L_overlay_start_0:
0x88: {  	s2 =	sld [smem:$0x3FD9]  }
0x89: {  	s3 =	sld [smem:$0x3FFE];
	_ =	sdelay $0x1  }
0x8a: {  	s1 =	srdreg.scid  }
0x8b: {  	s0 =	sand.u32 $0x1, s1  }
0x8c: {  	s14 =	sshll.u32 s0, $0xA;
	s2 =	sadd.s32 s3, s2  }
0x8d: {  	s2 =	sadd.s32 s2, s14  }
0x8e: {  	[smem:$0x3FBC] =	sst s2  }
0x8f: {  	_ = 	snop  }
0x90: {  	s2 =	sld [smem:$0x3FD0];
	_ =	sdelay $0x2  }
0x91: {  	s15 =	simm.s32 $0xA;
	s4 =	simm.s32 $0x10  }
0x92: {  	[smem:s4], [sflag:s15] =	dma.local [hbm:s2], $0x1  }
0x93: {  	_ =	swait.eq [sflag:s15], $0x1  }
0x94: {  	[sflag:s15] =	ssyncset.done $0x0  }
0x95: {  	[sflag:s15] =	ssyncadd.s32 $0xFFFFFFFF  }
0x96: {  	s16 =	sld [smem:$0x10];
	(tm) =	ssettm $0x1  }
0x97: {  	s17 =	sld [smem:$0x3FFB];
	_ =	sdelay $0x3  }
0x98: {  	_ =	strace s17  }
0x99: {  	s3 =	sld [smem:$0x3FFC];
	_ =	sdelay $0x3  }
0x9a: {  	_ =	strace s3  }
0x9b: {  	s3 =	sld [smem:$0x3FFD];
	_ =	sdelay $0x3  }
0x9c: {  	_ =	strace s3  }
0x9d: {  	_ =	strace $0x8FFFFFFF  }
0x9e: {  	s18 =	sld [smem:$0x3FDB];
	_ =	sdelay $0x1  }
0x9f: {  	s19 =	simm.s32 $_scs_section_size  }
0xa0: {  	s5 =	simm.s32 $_size__tile_overlayer_lowered;
	s6 =	simm.s32 $_tile_overlayer_lowered  }
0xa1: {  	s22 =	simm.s32 $0x1BFF;
	s21 =	sshll.u32 s6, $0x1;
	s3 =	sadd.s32 s19, s18  }
0xa2: {  	s7 =	simm.s32 $0x0;
	s20 =	sshll.u32 s5, $0x1;
	s5 =	sadd.s32 s21, s3  }
0xa3: {  	[timem:s7], [sflag:s22] =	dma.local [hbm:s5], s20  }
0xa4: {  	_ =	swait.ge [sflag:s22], s20  }
0xa5: {  	s4 =	ssub.s32 $0x0, s20;
	[sflag:s22] =	ssyncset.done $0x0  }
0xa6: {  	[sflag:s22] =	ssyncadd.s32 s4;
	_ =	sdelay $0x1  }
0xa7: {  	s23 =	simm.s32 $0x1B8B  }
0xa8: {  	_ =	swait.ge [sflag:s23], $0x1  }
0xa9: {  	[sflag:s23] =	ssyncset.done $0x0  }
0xaa: {  	s25 =	simm.s32 $0x1B8E;
	s24 =	sld [smem:$0x3FFE];
	[sflag:s23] =	ssyncadd.s32 $0xFFFFFFFF  }
0xab: {  	s26 =	simm.s32 $execute0_lowered;
	[smem:$0x3FD2] =	sst s25  }
0xac: {  	s5 =	sshll.u32 s26, $0x1;
	_ =	strace $0x80000046;
	[dreg:$0x1] =	wrdreg $0xFFFFFFFF  }
0xad: {  	s28 =	simm.s32 $_size_execute0_lowered;
	s3 =	sadd.s32 s3, s5;
	[dreg:$0x0] =	wrdreg $0x0  }
0xae: {  	s5 =	sshll.u32 s28, $0x1;
	[dreg:$0x2] =	wrdreg s3  }
0xaf: {  	[dreg:$0x3] =	wrdreg s5  }
0xb0: {  	[dreg:$0x4] =	wrdreg $0xC0  }
0xb1: {  	_ =	task [dreg:s7], $0x5FFFF  }
0xb2: {  	[dreg:$0x1] =	wrdreg $0xFFFFFFFF  }
0xb3: {  	[dreg:$0x0] =	wrdreg $0x60  }
0xb4: {  	[dreg:$0x2] =	wrdreg s24  }
0xb5: {  	[dreg:$0x3] =	wrdreg s16  }
0xb6: {  	[dreg:$0x4] =	wrdreg $0x8A000  }
0xb7: {  	[dreg:$0x5] =	wrdreg $0x9  }
0xb8: {  	_ =	task.clear_ibuf [dreg:s7], $0x6FFFF;
	_ =	strace $0x90000046  }
0xb9: {  	s29 =	simm.s32 $0x9;
	_ =	strace $0x80000048  }
0xba: {  	_ =	swait.ge [sflag:s29], $0x1  }
0xbb: {  	[sflag:s29] =	ssyncadd.s32 $0xFFFFFFFF  }
0xbc: {  	_ =	strace $0x90000048  }
0xbd: {  	_ =	sfence  }
0xbe: {  	s30 =	sld [smem:$0x0];
	_ =	sdelay $0x2  }
0xbf: {  	s31 =	sshll.u32 s1, $0xD;
	s1 =	sshrl.u32 s1, $0x2  }
0xc0: {  	s3 =	sand.u32 $0x4000, s31;
	s1 =	sadd.s32 s1, s30  }
0xc1: {  	s0 =	sor.u32 s3, s0;
	s1 =	sshll.u32 s1, $0x11  }
0xc2: {  	s0 =	sor.u32 s1, s0  }
0xc3: {  	s0 =	sadd.s32 $0x8F2B, s0  }
0xc4: {  	[sflag:s0] =	ssyncadd.remote.s32 $0x1  }
0xc5: {  	_ =	sfence.sel $0xFFFF  }
0xc6: {  	[dreg:$0x0] =	wrdreg $0xFFFFFFFF;
	(pc) =	sbr.abs _section_cstart, $3  }
0xc7: {  	[dreg:$0x1] =	wrdreg $0xFFFFFFFF  }
0xc8: {  	_ =	task.clear_ibuf [dreg:s7], $0x2FFFF;
	_ =	strace $0x9FFFFFFF  }
0xc9: {  	(tm) =	ssettm $0x7FFFFFFF  }
tec
execute0_lowered:
.L_overlay_start_1:
0x0: {  	(tag) =	ssettag $0x1  }
0x1: {  	v0 =	vlaneseq.u32  }
0x2: {  	v0 =	vmul.u32 $0x3, v0;
	_ =	sdelay $0x1  }
0x3: {  	v1 =	vadd.s32 $0x1, v0;
	v6 =	vadd.s32 $0x60, v0;
	v7 =	vadd.s32 $0x61, v0  }
0x4: {  	s5 =	rddreg [dreg:$0x0];
	v8 =	vadd.s32 $0x62, v0;
	v9 =	vadd.s32 $0x90, v0;
	v10 =	vadd.s32 $0x91, v0  }
0x5: {  	s1 =	rddreg [dreg:$0x1];
	v11 =	vadd.s32 $0x92, v0;
	v12 =	vor.u32 $0xC0, v0;
	v13 =	vadd.s32 $0xC1, v0  }
0x6: {  	s3 =	rddreg [dreg:$0x2];
	v14 =	vadd.s32 $0xC2, v0;
	v15 =	vadd.s32 $0xF0, v0;
	v16 =	vadd.s32 $0xF1, v0  }
0x7: {  	s0 =	srdreg.scid;
	s2 =	rddreg [dreg:$0x3];
	s4 =	simm.s32 $0x0;
	v17 =	vadd.s32 $0xF2, v0;
	v18 =	vadd.s32 $0x120, v0;
	v19 =	vadd.s32 $0x121, v0  }
0x8: {  	s17 =	simm.s32 $0xA00;
	s18 =	simm.s32 $0x2;
	s19 =	simm.s32 $0x1;
	v20 =	vadd.s32 $0x122, v0;
	v21 =	vadd.s32 $0x150, v0;
	v22 =	vadd.s32 $0x151, v0  }
0x9: {  	s20 =	simm.s32 $0x4A00;
	s21 =	simm.s32 $0x3;
	s11 =	sand.u32 $0x1, s0;
	v23 =	vadd.s32 $0x152, v0;
	v24 =	vor.u32 $0x180, v0;
	v25 =	vadd.s32 $0x181, v0  }
0xa: {  	s22 =	simm.s32 $0x80;
	s0 =	stileid.u32;
	s6 =	smul.u32 $0x2800, s11;
	v26 =	vadd.s32 $0x182, v0;
	v27 =	vadd.s32 $0x1B0, v0;
	v28 =	vadd.s32 $0x1B1, v0  }
0xb: {  	s28 =	simm.s32 $0x180;
	s29 =	simm.s32 $0x200;
	s7 =	smul.u32 $0x280, s0;
	v29 =	vadd.s32 $0x1B2, v0;
	v30 =	vadd.s32 $0x1E0, v0;
	v31 =	vadd.s32 $0x1E1, v0  }
0xc: {  	[smem:$0x7FF] =	sst s4;
	s24 =	smul.u32 $0x41000, s0;
	s25 =	sshll.u32 s0, $0xD;
	v32 =	vadd.s32 $0x1E2, v0;
	v33 =	vadd.s32 $0x210, v0;
	v34 =	vadd.s32 $0x211, v0  }
0xd: {  	s9 =	ssub.s32 $0x2, s11;
	s16 =	sshll.u32 s11, $0x11;
	s31 =	sshll.u32 s0, $0x10;
	v35 =	vadd.s32 $0x212, v0;
	v36 =	vor.u32 $0x240, v0;
	v37 =	vadd.s32 $0x241, v0  }
0xe: {  	s13 =	sadd.s32 s25, s5;
	s26 =	sshrl.u32 s9, $0x1;
	v38 =	vadd.s32 $0x242, v0;
	v39 =	vadd.s32 $0x270, v0;
	v40 =	vadd.s32 $0x271, v0;
	s25 =	sadd.s32 s31, s3  }
0xf: {  	v41 =	vadd.s32 $0x272, v0;
	v42 =	vadd.s32 $0x2A0, v0;
	v43 =	vadd.s32 $0x2A1, v0;
	s6 =	sadd.s32 s7, s6;
	s30 =	sshrl.u32 s24, $0x2;
	s14 =	ssub.s32 s9, s26  }
0x10: {  	v44 =	vadd.s32 $0x2A2, v0;
	v45 =	vadd.s32 $0x2D0, v0;
	v46 =	vadd.s32 $0x2D1, v0;
	s13 =	sadd.s32 s16, s13;
	s16 =	simm.s32 $0x280;
	s24 =	simm.s32 $0x4  }
0x11: {  	v47 =	vadd.s32 $0x2D2, v0;
	v48 =	vor.u32 $0x300, v0;
	[tilespmem:$0x1FFB0] =	vst v1;
	v1 =	vadd.s32 $0x2, v0;
	s25 =	sshrl.u32 s25, $0x3;
	s26 =	simm.s32 $0x100;
	s7 =	smul.u32 $0x3, s6  }
0x12: {  	v49 =	vadd.s32 $0x301, v0;
	v50 =	vadd.s32 $0x302, v0;
	[tilespmem:$0x1FFC0] =	vst v1;
	v1 =	vadd.s32 $0x30, v0;
	s6 =	sshll.u32 s6, $0x4;
	s15 =	sadd.s32 s30, s3;
	s13 =	sadd.s32 $0x54000, s13  }
0x13: {  	v51 =	vadd.s32 $0x330, v0;
	v52 =	vadd.s32 $0x331, v0;
	s14 =	smax.u32 s14, $0x1;
	[tilespmem:$0x1FFD0] =	vst v1;
	v1 =	vadd.s32 $0x31, v0;
	s12 =	sadd.s32 s6, s5;
	s15 =	sshrl.u32 s15, $0x3  }
0x14: {  	v53 =	vadd.s32 $0x332, v0;
	v54 =	vadd.s32 $0x360, v0;
	[tilespmem:$0x1FFE0] =	vst v1;
	v1 =	vadd.s32 $0x32, v0;
	s23 =	sshrl.u32 s7, $0x3;
	s9 =	sadd.s32 $0x4800, s12;
	s10 =	sadd.s32 $0x5000, s12  }
0x15: {  	v55 =	vadd.s32 $0x361, v0;
	v56 =	vadd.s32 $0x362, v0;
	v57 =	vadd.s32 $0x390, v0;
	s11 =	sadd.s32 $0x5800, s12;
	[tilespmem:$0x1FFF0] =	vst v1;
	s8 =	sadd.s32 s23, s5;
	s5 =	sshll.u32 s0, $0x6  }
0x16: {  	v58 =	vadd.s32 $0x391, v0;
	v59 =	vadd.s32 $0x392, v0;
	v60 =	vor.u32 $0x3C0, v0;
	s23 =	simm.s32 $0x5;
	_ =	strace $0x80000047;
	s6 =	sor.u32 $0x1C01, s5  }
0x17: {  	v61 =	vadd.s32 $0x3C1, v0;
	v62 =	vadd.s32 $0x3C2, v0;
	v63 =	vadd.s32 $0x3F0, v0;
	s7 =	sadd.s32 $0x2200, s8;
	s8 =	sadd.s32 $0x4000, s12;
	s12 =	sadd.s32 $0x6000, s12  }
.LBB2_1:
0x18: {  	[spmem:s15], [sflag:s6] =	dma.local [hbm:s1], $0x2080  }
0x19: {  	[tilespmem:s16], [sflag:$0x2] =	stream.linear.gather [hbm4b:s7+s4], $0x780, $0x38;
	[tilespmem:$0x18E00] =	vst v63  }
0x1a: {  	_ = 	snop  }
0x1b: {  	[tilespmem:s17], [sflag:$0x3] =	stream.linear.gather [hbm4b:s8+s4], $0x4000, $0x38;
	[tilespmem:$0x18E00] =	vst v63  }
0x1c: {  	_ =	swait.ge [sflag:s18], $0x780  }
0x1d: {  	v1 =	vld [tilespmem:$0x1FFB0];
	_ =	sdelay $0x1  }
0x1e: {  	v3 =	vld [tilespmem:$0x1FFC0];
	_ =	sdelay $0x3  }
0x1f: {  	[sflag:s18] =	ssyncset.done $0x0  }
0x20: {  	[sflag:s18] =	ssyncadd.s32 $0xFFFFF880  }
0x21: {  	v1 =	vld.idx.msk [tilespmem:v1+s16+$0x0], $0xffff  }
0x22: {  	v2 =	vld.idx.msk [tilespmem:v0+s16+$0x0], $0xffff  }
0x23: {  	v3 =	vld.idx.msk [tilespmem:v3+s16+$0x0], $0xffff;
	_ =	sdelay $0x2  }
0x24: {  	v1 =	vshll.u32 v1, $0x5  }
0x25: {  	v2 =	vshll.u32 v2, $0xC;
	v1 =	vand.u32 $0xFFFFFFC0, v1  }
0x26: {  	v1 =	vadd.s32 v2, v1;
	v2 =	vshrl.u32 v3, $0x1  }
0x27: {  	v1 =	vadd.s32 v2, v1  }
0x28: {  	[tilespmem:$0x0] =	vst v1;
	v1 =	vld [tilespmem:$0x1FFE0]  }
0x29: {  	v2 =	vld [tilespmem:$0x1FFD0]  }
0x2a: {  	v3 =	vld [tilespmem:$0x1FFF0];
	_ =	sdelay $0x5  }
0x2b: {  	v1 =	vld.idx.msk [tilespmem:v1+s16+$0x0], $0xffff  }
0x2c: {  	v2 =	vld.idx.msk [tilespmem:v2+s16+$0x0], $0xffff  }
0x2d: {  	v3 =	vld.idx.msk [tilespmem:v3+s16+$0x0], $0xffff;
	_ =	sdelay $0x2  }
0x2e: {  	v1 =	vshll.u32 v1, $0x5  }
0x2f: {  	v2 =	vshll.u32 v2, $0xC;
	v1 =	vand.u32 $0xFFFFFFC0, v1  }
0x30: {  	v1 =	vadd.s32 v2, v1;
	v2 =	vshrl.u32 v3, $0x1  }
0x31: {  	v1 =	vadd.s32 v2, v1  }
0x32: {  	[tilespmem:$0x10] =	vst v1  }
0x33: {  	v1 =	vld.idx.msk [tilespmem:v7+s16+$0x0], $0xffff  }
0x34: {  	v2 =	vld.idx.msk [tilespmem:v6+s16+$0x0], $0xffff  }
0x35: {  	v3 =	vld.idx.msk [tilespmem:v8+s16+$0x0], $0xffff;
	_ =	sdelay $0x2  }
0x36: {  	v1 =	vshll.u32 v1, $0x5  }
0x37: {  	v2 =	vshll.u32 v2, $0xC;
	v1 =	vand.u32 $0xFFFFFFC0, v1  }
0x38: {  	v1 =	vadd.s32 v2, v1;
	v2 =	vshrl.u32 v3, $0x1  }
0x39: {  	v1 =	vadd.s32 v2, v1  }
0x3a: {  	[tilespmem:$0x20] =	vst v1  }
0x3b: {  	v1 =	vld.idx.msk [tilespmem:v10+s16+$0x0], $0xffff  }
0x3c: {  	v2 =	vld.idx.msk [tilespmem:v9+s16+$0x0], $0xffff  }
0x3d: {  	v3 =	vld.idx.msk [tilespmem:v11+s16+$0x0], $0xffff;
	_ =	sdelay $0x2  }
0x3e: {  	v1 =	vshll.u32 v1, $0x5  }
0x3f: {  	v2 =	vshll.u32 v2, $0xC;
	v1 =	vand.u32 $0xFFFFFFC0, v1  }
0x40: {  	v1 =	vadd.s32 v2, v1;
	v2 =	vshrl.u32 v3, $0x1  }
0x41: {  	v1 =	vadd.s32 v2, v1  }
0x42: {  	[tilespmem:$0x30] =	vst v1  }
0x43: {  	v1 =	vld.idx.msk [tilespmem:v13+s16+$0x0], $0xffff  }
0x44: {  	v2 =	vld.idx.msk [tilespmem:v12+s16+$0x0], $0xffff  }
0x45: {  	v3 =	vld.idx.msk [tilespmem:v14+s16+$0x0], $0xffff;
	_ =	sdelay $0x2  }
0x46: {  	v1 =	vshll.u32 v1, $0x5  }
0x47: {  	v2 =	vshll.u32 v2, $0xC;
	v1 =	vand.u32 $0xFFFFFFC0, v1  }
0x48: {  	v1 =	vadd.s32 v2, v1;
	v2 =	vshrl.u32 v3, $0x1  }
0x49: {  	v1 =	vadd.s32 v2, v1  }
0x4a: {  	[tilespmem:$0x40] =	vst v1  }
0x4b: {  	v1 =	vld.idx.msk [tilespmem:v16+s16+$0x0], $0xffff  }
0x4c: {  	v2 =	vld.idx.msk [tilespmem:v15+s16+$0x0], $0xffff  }
0x4d: {  	v3 =	vld.idx.msk [tilespmem:v17+s16+$0x0], $0xffff;
	_ =	sdelay $0x2  }
0x4e: {  	v1 =	vshll.u32 v1, $0x5  }
0x4f: {  	v2 =	vshll.u32 v2, $0xC;
	v1 =	vand.u32 $0xFFFFFFC0, v1  }
0x50: {  	v1 =	vadd.s32 v2, v1;
	v2 =	vshrl.u32 v3, $0x1  }
0x51: {  	v1 =	vadd.s32 v2, v1  }
0x52: {  	[tilespmem:$0x50] =	vst v1  }
0x53: {  	v1 =	vld.idx.msk [tilespmem:v19+s16+$0x0], $0xffff  }
0x54: {  	v2 =	vld.idx.msk [tilespmem:v18+s16+$0x0], $0xffff  }
0x55: {  	v3 =	vld.idx.msk [tilespmem:v20+s16+$0x0], $0xffff;
	_ =	sdelay $0x2  }
0x56: {  	v1 =	vshll.u32 v1, $0x5  }
0x57: {  	v2 =	vshll.u32 v2, $0xC;
	v1 =	vand.u32 $0xFFFFFFC0, v1  }
0x58: {  	v1 =	vadd.s32 v2, v1;
	v2 =	vshrl.u32 v3, $0x1  }
0x59: {  	v1 =	vadd.s32 v2, v1  }
0x5a: {  	[tilespmem:$0x60] =	vst v1  }
0x5b: {  	v1 =	vld.idx.msk [tilespmem:v22+s16+$0x0], $0xffff  }
0x5c: {  	v2 =	vld.idx.msk [tilespmem:v21+s16+$0x0], $0xffff  }
0x5d: {  	v3 =	vld.idx.msk [tilespmem:v23+s16+$0x0], $0xffff;
	_ =	sdelay $0x2  }
0x5e: {  	v1 =	vshll.u32 v1, $0x5  }
0x5f: {  	v2 =	vshll.u32 v2, $0xC;
	v1 =	vand.u32 $0xFFFFFFC0, v1  }
0x60: {  	v1 =	vadd.s32 v2, v1;
	v2 =	vshrl.u32 v3, $0x1  }
0x61: {  	v1 =	vadd.s32 v2, v1  }
0x62: {  	[tilespmem:$0x70] =	vst v1  }
0x63: {  	v1 =	vld.idx.msk [tilespmem:v25+s16+$0x0], $0xffff  }
0x64: {  	v2 =	vld.idx.msk [tilespmem:v24+s16+$0x0], $0xffff  }
0x65: {  	v3 =	vld.idx.msk [tilespmem:v26+s16+$0x0], $0xffff;
	_ =	sdelay $0x2  }
0x66: {  	v1 =	vshll.u32 v1, $0x5  }
0x67: {  	v2 =	vshll.u32 v2, $0xC;
	v1 =	vand.u32 $0xFFFFFFC0, v1  }
0x68: {  	v1 =	vadd.s32 v2, v1;
	v2 =	vshrl.u32 v3, $0x1  }
0x69: {  	v1 =	vadd.s32 v2, v1  }
0x6a: {  	[tilespmem:$0x80] =	vst v1  }
0x6b: {  	v1 =	vld.idx.msk [tilespmem:v28+s16+$0x0], $0xffff  }
0x6c: {  	v2 =	vld.idx.msk [tilespmem:v27+s16+$0x0], $0xffff  }
0x6d: {  	v3 =	vld.idx.msk [tilespmem:v29+s16+$0x0], $0xffff;
	_ =	sdelay $0x2  }
0x6e: {  	v1 =	vshll.u32 v1, $0x5  }
0x6f: {  	v2 =	vshll.u32 v2, $0xC;
	v1 =	vand.u32 $0xFFFFFFC0, v1  }
0x70: {  	v1 =	vadd.s32 v2, v1;
	v2 =	vshrl.u32 v3, $0x1  }
0x71: {  	v1 =	vadd.s32 v2, v1  }
0x72: {  	[tilespmem:$0x90] =	vst v1  }
0x73: {  	v1 =	vld.idx.msk [tilespmem:v31+s16+$0x0], $0xffff  }
0x74: {  	v2 =	vld.idx.msk [tilespmem:v30+s16+$0x0], $0xffff  }
0x75: {  	v3 =	vld.idx.msk [tilespmem:v32+s16+$0x0], $0xffff;
	_ =	sdelay $0x2  }
0x76: {  	v1 =	vshll.u32 v1, $0x5  }
0x77: {  	v2 =	vshll.u32 v2, $0xC;
	v1 =	vand.u32 $0xFFFFFFC0, v1  }
0x78: {  	v1 =	vadd.s32 v2, v1;
	v2 =	vshrl.u32 v3, $0x1  }
0x79: {  	v1 =	vadd.s32 v2, v1  }
0x7a: {  	[tilespmem:$0xA0] =	vst v1  }
0x7b: {  	v1 =	vld.idx.msk [tilespmem:v34+s16+$0x0], $0xffff  }
0x7c: {  	v2 =	vld.idx.msk [tilespmem:v33+s16+$0x0], $0xffff  }
0x7d: {  	v3 =	vld.idx.msk [tilespmem:v35+s16+$0x0], $0xffff;
	_ =	sdelay $0x2  }
0x7e: {  	v1 =	vshll.u32 v1, $0x5  }
0x7f: {  	v2 =	vshll.u32 v2, $0xC;
	v1 =	vand.u32 $0xFFFFFFC0, v1  }
0x80: {  	v1 =	vadd.s32 v2, v1;
	v2 =	vshrl.u32 v3, $0x1  }
0x81: {  	v1 =	vadd.s32 v2, v1  }
0x82: {  	[tilespmem:$0xB0] =	vst v1  }
0x83: {  	v1 =	vld.idx.msk [tilespmem:v37+s16+$0x0], $0xffff  }
0x84: {  	v2 =	vld.idx.msk [tilespmem:v36+s16+$0x0], $0xffff  }
0x85: {  	v3 =	vld.idx.msk [tilespmem:v38+s16+$0x0], $0xffff;
	_ =	sdelay $0x2  }
0x86: {  	v1 =	vshll.u32 v1, $0x5  }
0x87: {  	v2 =	vshll.u32 v2, $0xC;
	v1 =	vand.u32 $0xFFFFFFC0, v1  }
0x88: {  	v1 =	vadd.s32 v2, v1;
	v2 =	vshrl.u32 v3, $0x1  }
0x89: {  	v1 =	vadd.s32 v2, v1  }
0x8a: {  	[tilespmem:$0xC0] =	vst v1  }
0x8b: {  	v1 =	vld.idx.msk [tilespmem:v40+s16+$0x0], $0xffff  }
0x8c: {  	v2 =	vld.idx.msk [tilespmem:v39+s16+$0x0], $0xffff  }
0x8d: {  	v3 =	vld.idx.msk [tilespmem:v41+s16+$0x0], $0xffff;
	_ =	sdelay $0x2  }
0x8e: {  	v1 =	vshll.u32 v1, $0x5  }
0x8f: {  	v2 =	vshll.u32 v2, $0xC;
	v1 =	vand.u32 $0xFFFFFFC0, v1  }
0x90: {  	v1 =	vadd.s32 v2, v1;
	v2 =	vshrl.u32 v3, $0x1  }
0x91: {  	v1 =	vadd.s32 v2, v1  }
0x92: {  	[tilespmem:$0xD0] =	vst v1  }
0x93: {  	v1 =	vld.idx.msk [tilespmem:v43+s16+$0x0], $0xffff  }
0x94: {  	v2 =	vld.idx.msk [tilespmem:v42+s16+$0x0], $0xffff  }
0x95: {  	v3 =	vld.idx.msk [tilespmem:v44+s16+$0x0], $0xffff;
	_ =	sdelay $0x2  }
0x96: {  	v1 =	vshll.u32 v1, $0x5  }
0x97: {  	v2 =	vshll.u32 v2, $0xC;
	v1 =	vand.u32 $0xFFFFFFC0, v1  }
0x98: {  	v1 =	vadd.s32 v2, v1;
	v2 =	vshrl.u32 v3, $0x1  }
0x99: {  	v1 =	vadd.s32 v2, v1  }
0x9a: {  	[tilespmem:$0xE0] =	vst v1  }
0x9b: {  	v1 =	vld.idx.msk [tilespmem:v46+s16+$0x0], $0xffff  }
0x9c: {  	v2 =	vld.idx.msk [tilespmem:v45+s16+$0x0], $0xffff  }
0x9d: {  	v3 =	vld.idx.msk [tilespmem:v47+s16+$0x0], $0xffff;
	_ =	sdelay $0x2  }
0x9e: {  	v1 =	vshll.u32 v1, $0x5  }
0x9f: {  	v2 =	vshll.u32 v2, $0xC;
	v1 =	vand.u32 $0xFFFFFFC0, v1  }
0xa0: {  	v1 =	vadd.s32 v2, v1;
	v2 =	vshrl.u32 v3, $0x1  }
0xa1: {  	v1 =	vadd.s32 v2, v1  }
0xa2: {  	[tilespmem:$0xF0] =	vst v1  }
0xa3: {  	v1 =	vld.idx.msk [tilespmem:v49+s16+$0x0], $0xffff  }
0xa4: {  	v2 =	vld.idx.msk [tilespmem:v48+s16+$0x0], $0xffff  }
0xa5: {  	v3 =	vld.idx.msk [tilespmem:v50+s16+$0x0], $0xffff;
	_ =	sdelay $0x2  }
0xa6: {  	v1 =	vshll.u32 v1, $0x5  }
0xa7: {  	v2 =	vshll.u32 v2, $0xC;
	v1 =	vand.u32 $0xFFFFFFC0, v1  }
0xa8: {  	v1 =	vadd.s32 v2, v1;
	v2 =	vshrl.u32 v3, $0x1  }
0xa9: {  	v1 =	vadd.s32 v2, v1  }
0xaa: {  	[tilespmem:$0x100] =	vst v1  }
0xab: {  	v1 =	vld.idx.msk [tilespmem:v52+s16+$0x0], $0xffff  }
0xac: {  	v2 =	vld.idx.msk [tilespmem:v51+s16+$0x0], $0xffff  }
0xad: {  	v3 =	vld.idx.msk [tilespmem:v53+s16+$0x0], $0xffff;
	_ =	sdelay $0x2  }
0xae: {  	v1 =	vshll.u32 v1, $0x5  }
0xaf: {  	v2 =	vshll.u32 v2, $0xC;
	v1 =	vand.u32 $0xFFFFFFC0, v1  }
0xb0: {  	v1 =	vadd.s32 v2, v1;
	v2 =	vshrl.u32 v3, $0x1  }
0xb1: {  	v1 =	vadd.s32 v2, v1  }
0xb2: {  	[tilespmem:$0x110] =	vst v1  }
0xb3: {  	v1 =	vld.idx.msk [tilespmem:v55+s16+$0x0], $0xffff  }
0xb4: {  	v2 =	vld.idx.msk [tilespmem:v54+s16+$0x0], $0xffff  }
0xb5: {  	v3 =	vld.idx.msk [tilespmem:v56+s16+$0x0], $0xffff;
	_ =	sdelay $0x2  }
0xb6: {  	v1 =	vshll.u32 v1, $0x5  }
0xb7: {  	v2 =	vshll.u32 v2, $0xC;
	v1 =	vand.u32 $0xFFFFFFC0, v1  }
0xb8: {  	v1 =	vadd.s32 v2, v1;
	v2 =	vshrl.u32 v3, $0x1  }
0xb9: {  	v1 =	vadd.s32 v2, v1  }
0xba: {  	[tilespmem:$0x120] =	vst v1  }
0xbb: {  	v1 =	vld.idx.msk [tilespmem:v58+s16+$0x0], $0xffff  }
0xbc: {  	v2 =	vld.idx.msk [tilespmem:v57+s16+$0x0], $0xffff  }
0xbd: {  	v3 =	vld.idx.msk [tilespmem:v59+s16+$0x0], $0xffff;
	_ =	sdelay $0x2  }
0xbe: {  	v1 =	vshll.u32 v1, $0x5  }
0xbf: {  	v2 =	vshll.u32 v2, $0xC;
	v1 =	vand.u32 $0xFFFFFFC0, v1  }
0xc0: {  	v1 =	vadd.s32 v2, v1;
	v2 =	vshrl.u32 v3, $0x1  }
0xc1: {  	v1 =	vadd.s32 v2, v1  }
0xc2: {  	[tilespmem:$0x130] =	vst v1  }
0xc3: {  	v1 =	vld.idx.msk [tilespmem:v61+s16+$0x0], $0xffff  }
0xc4: {  	v2 =	vld.idx.msk [tilespmem:v60+s16+$0x0], $0xffff  }
0xc5: {  	v3 =	vld.idx.msk [tilespmem:v62+s16+$0x0], $0xffff;
	_ =	sdelay $0x2  }
0xc6: {  	v4 =	vadd.s32 $0x3F1, v0;
	v1 =	vshll.u32 v1, $0x5  }
0xc7: {  	v2 =	vshll.u32 v2, $0xC;
	v1 =	vand.u32 $0xFFFFFFC0, v1  }
0xc8: {  	v1 =	vadd.s32 v2, v1;
	v2 =	vshrl.u32 v3, $0x1;
	v3 =	vadd.s32 $0x3F2, v0  }
0xc9: {  	v1 =	vadd.s32 v2, v1  }
0xca: {  	[tilespmem:$0x140] =	vst v1  }
0xcb: {  	v1 =	vld.idx.msk [tilespmem:v4+s16+$0x0], $0xffff  }
0xcc: {  	v2 =	vld.idx.msk [tilespmem:v63+s16+$0x0], $0xffff  }
0xcd: {  	v3 =	vld.idx.msk [tilespmem:v3+s16+$0x0], $0xffff;
	_ =	sdelay $0x2  }
0xce: {  	v4 =	vadd.s32 $0x421, v0;
	v1 =	vshll.u32 v1, $0x5  }
0xcf: {  	v5 =	vadd.s32 $0x420, v0;
	v2 =	vshll.u32 v2, $0xC;
	v1 =	vand.u32 $0xFFFFFFC0, v1  }
0xd0: {  	v1 =	vadd.s32 v2, v1;
	v2 =	vshrl.u32 v3, $0x1;
	v3 =	vadd.s32 $0x422, v0  }
0xd1: {  	v1 =	vadd.s32 v2, v1  }
0xd2: {  	[tilespmem:$0x150] =	vst v1  }
0xd3: {  	v1 =	vld.idx.msk [tilespmem:v4+s16+$0x0], $0xffff  }
0xd4: {  	v2 =	vld.idx.msk [tilespmem:v5+s16+$0x0], $0xffff  }
0xd5: {  	v3 =	vld.idx.msk [tilespmem:v3+s16+$0x0], $0xffff;
	_ =	sdelay $0x2  }
0xd6: {  	v4 =	vadd.s32 $0x451, v0;
	v1 =	vshll.u32 v1, $0x5  }
0xd7: {  	v5 =	vadd.s32 $0x450, v0;
	v2 =	vshll.u32 v2, $0xC;
	v1 =	vand.u32 $0xFFFFFFC0, v1  }
0xd8: {  	v1 =	vadd.s32 v2, v1;
	v2 =	vshrl.u32 v3, $0x1;
	v3 =	vadd.s32 $0x452, v0  }
0xd9: {  	v1 =	vadd.s32 v2, v1  }
0xda: {  	[tilespmem:$0x160] =	vst v1  }
0xdb: {  	v1 =	vld.idx.msk [tilespmem:v4+s16+$0x0], $0xffff  }
0xdc: {  	v2 =	vld.idx.msk [tilespmem:v5+s16+$0x0], $0xffff  }
0xdd: {  	v3 =	vld.idx.msk [tilespmem:v3+s16+$0x0], $0xffff;
	_ =	sdelay $0x2  }
0xde: {  	v4 =	vadd.s32 $0x481, v0;
	v1 =	vshll.u32 v1, $0x5  }
0xdf: {  	v5 =	vor.u32 $0x480, v0;
	v2 =	vshll.u32 v2, $0xC;
	v1 =	vand.u32 $0xFFFFFFC0, v1  }
0xe0: {  	v1 =	vadd.s32 v2, v1;
	v2 =	vshrl.u32 v3, $0x1;
	v3 =	vadd.s32 $0x482, v0  }
0xe1: {  	v1 =	vadd.s32 v2, v1  }
0xe2: {  	[tilespmem:$0x170] =	vst v1  }
0xe3: {  	v1 =	vld.idx.msk [tilespmem:v4+s16+$0x0], $0xffff  }
0xe4: {  	v2 =	vld.idx.msk [tilespmem:v5+s16+$0x0], $0xffff  }
0xe5: {  	v3 =	vld.idx.msk [tilespmem:v3+s16+$0x0], $0xffff;
	_ =	sdelay $0x2  }
0xe6: {  	v4 =	vadd.s32 $0x4B1, v0;
	v1 =	vshll.u32 v1, $0x5  }
0xe7: {  	v5 =	vadd.s32 $0x4B0, v0;
	v2 =	vshll.u32 v2, $0xC;
	v1 =	vand.u32 $0xFFFFFFC0, v1  }
0xe8: {  	v1 =	vadd.s32 v2, v1;
	v2 =	vshrl.u32 v3, $0x1;
	v3 =	vadd.s32 $0x4B2, v0  }
0xe9: {  	v1 =	vadd.s32 v2, v1  }
0xea: {  	[tilespmem:$0x180] =	vst v1  }
0xeb: {  	v1 =	vld.idx.msk [tilespmem:v4+s16+$0x0], $0xffff  }
0xec: {  	v2 =	vld.idx.msk [tilespmem:v5+s16+$0x0], $0xffff  }
0xed: {  	v3 =	vld.idx.msk [tilespmem:v3+s16+$0x0], $0xffff;
	_ =	sdelay $0x2  }
0xee: {  	v4 =	vadd.s32 $0x4E1, v0;
	v1 =	vshll.u32 v1, $0x5  }
0xef: {  	v5 =	vadd.s32 $0x4E0, v0;
	v2 =	vshll.u32 v2, $0xC;
	v1 =	vand.u32 $0xFFFFFFC0, v1  }
0xf0: {  	v1 =	vadd.s32 v2, v1;
	v2 =	vshrl.u32 v3, $0x1;
	v3 =	vadd.s32 $0x4E2, v0  }
0xf1: {  	v1 =	vadd.s32 v2, v1  }
0xf2: {  	[tilespmem:$0x190] =	vst v1  }
0xf3: {  	v1 =	vld.idx.msk [tilespmem:v4+s16+$0x0], $0xffff  }
0xf4: {  	v2 =	vld.idx.msk [tilespmem:v5+s16+$0x0], $0xffff  }
0xf5: {  	v3 =	vld.idx.msk [tilespmem:v3+s16+$0x0], $0xffff;
	_ =	sdelay $0x2  }
0xf6: {  	v4 =	vadd.s32 $0x511, v0;
	v1 =	vshll.u32 v1, $0x5  }
0xf7: {  	v5 =	vadd.s32 $0x510, v0;
	v2 =	vshll.u32 v2, $0xC;
	v1 =	vand.u32 $0xFFFFFFC0, v1  }
0xf8: {  	v1 =	vadd.s32 v2, v1;
	v2 =	vshrl.u32 v3, $0x1;
	v3 =	vadd.s32 $0x512, v0  }
0xf9: {  	v1 =	vadd.s32 v2, v1  }
0xfa: {  	[tilespmem:$0x1A0] =	vst v1  }
0xfb: {  	v1 =	vld.idx.msk [tilespmem:v4+s16+$0x0], $0xffff  }
0xfc: {  	v2 =	vld.idx.msk [tilespmem:v5+s16+$0x0], $0xffff  }
0xfd: {  	v3 =	vld.idx.msk [tilespmem:v3+s16+$0x0], $0xffff;
	_ =	sdelay $0x2  }
0xfe: {  	v4 =	vadd.s32 $0x541, v0;
	v1 =	vshll.u32 v1, $0x5  }
0xff: {  	v5 =	vor.u32 $0x540, v0;
	v2 =	vshll.u32 v2, $0xC;
	v1 =	vand.u32 $0xFFFFFFC0, v1  }
0x100: {  	v1 =	vadd.s32 v2, v1;
	v2 =	vshrl.u32 v3, $0x1;
	v3 =	vadd.s32 $0x542, v0  }
0x101: {  	v1 =	vadd.s32 v2, v1  }
0x102: {  	[tilespmem:$0x1B0] =	vst v1  }
0x103: {  	v1 =	vld.idx.msk [tilespmem:v4+s16+$0x0], $0xffff  }
0x104: {  	v2 =	vld.idx.msk [tilespmem:v5+s16+$0x0], $0xffff  }
0x105: {  	v3 =	vld.idx.msk [tilespmem:v3+s16+$0x0], $0xffff;
	_ =	sdelay $0x2  }
0x106: {  	v4 =	vadd.s32 $0x571, v0;
	v1 =	vshll.u32 v1, $0x5  }
0x107: {  	v5 =	vadd.s32 $0x570, v0;
	v2 =	vshll.u32 v2, $0xC;
	v1 =	vand.u32 $0xFFFFFFC0, v1  }
0x108: {  	v1 =	vadd.s32 v2, v1;
	v2 =	vshrl.u32 v3, $0x1;
	v3 =	vadd.s32 $0x572, v0  }
0x109: {  	v1 =	vadd.s32 v2, v1  }
0x10a: {  	[tilespmem:$0x1C0] =	vst v1  }
0x10b: {  	v1 =	vld.idx.msk [tilespmem:v4+s16+$0x0], $0xffff  }
0x10c: {  	v2 =	vld.idx.msk [tilespmem:v5+s16+$0x0], $0xffff  }
0x10d: {  	v3 =	vld.idx.msk [tilespmem:v3+s16+$0x0], $0xffff;
	_ =	sdelay $0x2  }
0x10e: {  	v4 =	vadd.s32 $0x5A1, v0;
	v1 =	vshll.u32 v1, $0x5  }
0x10f: {  	v5 =	vadd.s32 $0x5A0, v0;
	v2 =	vshll.u32 v2, $0xC;
	v1 =	vand.u32 $0xFFFFFFC0, v1  }
0x110: {  	v1 =	vadd.s32 v2, v1;
	v2 =	vshrl.u32 v3, $0x1;
	v3 =	vadd.s32 $0x5A2, v0  }
0x111: {  	v1 =	vadd.s32 v2, v1  }
0x112: {  	[tilespmem:$0x1D0] =	vst v1  }
0x113: {  	v1 =	vld.idx.msk [tilespmem:v4+s16+$0x0], $0xffff  }
0x114: {  	v2 =	vld.idx.msk [tilespmem:v5+s16+$0x0], $0xffff  }
0x115: {  	v3 =	vld.idx.msk [tilespmem:v3+s16+$0x0], $0xffff;
	_ =	sdelay $0x2  }
0x116: {  	v4 =	vadd.s32 $0x5D1, v0;
	v1 =	vshll.u32 v1, $0x5  }
0x117: {  	v5 =	vadd.s32 $0x5D0, v0;
	v2 =	vshll.u32 v2, $0xC;
	v1 =	vand.u32 $0xFFFFFFC0, v1  }
0x118: {  	v1 =	vadd.s32 v2, v1;
	v2 =	vshrl.u32 v3, $0x1;
	v3 =	vadd.s32 $0x5D2, v0  }
0x119: {  	v1 =	vadd.s32 v2, v1  }
0x11a: {  	[tilespmem:$0x1E0] =	vst v1  }
0x11b: {  	v1 =	vld.idx.msk [tilespmem:v4+s16+$0x0], $0xffff  }
0x11c: {  	v2 =	vld.idx.msk [tilespmem:v5+s16+$0x0], $0xffff  }
0x11d: {  	v3 =	vld.idx.msk [tilespmem:v3+s16+$0x0], $0xffff;
	_ =	sdelay $0x2  }
0x11e: {  	v4 =	vadd.s32 $0x601, v0;
	v1 =	vshll.u32 v1, $0x5  }
0x11f: {  	v5 =	vor.u32 $0x600, v0;
	v2 =	vshll.u32 v2, $0xC;
	v1 =	vand.u32 $0xFFFFFFC0, v1  }
0x120: {  	v1 =	vadd.s32 v2, v1;
	v2 =	vshrl.u32 v3, $0x1;
	v3 =	vadd.s32 $0x602, v0  }
0x121: {  	v1 =	vadd.s32 v2, v1  }
0x122: {  	[tilespmem:$0x1F0] =	vst v1  }
0x123: {  	v1 =	vld.idx.msk [tilespmem:v4+s16+$0x0], $0xffff  }
0x124: {  	v2 =	vld.idx.msk [tilespmem:v5+s16+$0x0], $0xffff  }
0x125: {  	v3 =	vld.idx.msk [tilespmem:v3+s16+$0x0], $0xffff;
	_ =	sdelay $0x2  }
0x126: {  	v4 =	vadd.s32 $0x631, v0;
	v1 =	vshll.u32 v1, $0x5  }
0x127: {  	v5 =	vadd.s32 $0x630, v0;
	v2 =	vshll.u32 v2, $0xC;
	v1 =	vand.u32 $0xFFFFFFC0, v1  }
0x128: {  	v1 =	vadd.s32 v2, v1;
	v2 =	vshrl.u32 v3, $0x1;
	v3 =	vadd.s32 $0x632, v0  }
0x129: {  	v1 =	vadd.s32 v2, v1  }
0x12a: {  	[tilespmem:$0x200] =	vst v1  }
0x12b: {  	v1 =	vld.idx.msk [tilespmem:v4+s16+$0x0], $0xffff  }
0x12c: {  	v2 =	vld.idx.msk [tilespmem:v5+s16+$0x0], $0xffff  }
0x12d: {  	v3 =	vld.idx.msk [tilespmem:v3+s16+$0x0], $0xffff;
	_ =	sdelay $0x2  }
0x12e: {  	v4 =	vadd.s32 $0x661, v0;
	v1 =	vshll.u32 v1, $0x5  }
0x12f: {  	v5 =	vadd.s32 $0x660, v0;
	v2 =	vshll.u32 v2, $0xC;
	v1 =	vand.u32 $0xFFFFFFC0, v1  }
0x130: {  	v1 =	vadd.s32 v2, v1;
	v2 =	vshrl.u32 v3, $0x1;
	v3 =	vadd.s32 $0x662, v0  }
0x131: {  	v1 =	vadd.s32 v2, v1  }
0x132: {  	[tilespmem:$0x210] =	vst v1  }
0x133: {  	v1 =	vld.idx.msk [tilespmem:v4+s16+$0x0], $0xffff  }
0x134: {  	v2 =	vld.idx.msk [tilespmem:v5+s16+$0x0], $0xffff  }
0x135: {  	v3 =	vld.idx.msk [tilespmem:v3+s16+$0x0], $0xffff;
	_ =	sdelay $0x2  }
0x136: {  	v4 =	vadd.s32 $0x691, v0;
	v1 =	vshll.u32 v1, $0x5  }
0x137: {  	v5 =	vadd.s32 $0x690, v0;
	v2 =	vshll.u32 v2, $0xC;
	v1 =	vand.u32 $0xFFFFFFC0, v1  }
0x138: {  	v1 =	vadd.s32 v2, v1;
	v2 =	vshrl.u32 v3, $0x1;
	v3 =	vadd.s32 $0x692, v0  }
0x139: {  	v1 =	vadd.s32 v2, v1  }
0x13a: {  	[tilespmem:$0x220] =	vst v1  }
0x13b: {  	v1 =	vld.idx.msk [tilespmem:v4+s16+$0x0], $0xffff  }
0x13c: {  	v2 =	vld.idx.msk [tilespmem:v5+s16+$0x0], $0xffff  }
0x13d: {  	v3 =	vld.idx.msk [tilespmem:v3+s16+$0x0], $0xffff;
	_ =	sdelay $0x2  }
0x13e: {  	v4 =	vadd.s32 $0x6C1, v0;
	v1 =	vshll.u32 v1, $0x5  }
0x13f: {  	v5 =	vor.u32 $0x6C0, v0;
	v2 =	vshll.u32 v2, $0xC;
	v1 =	vand.u32 $0xFFFFFFC0, v1  }
0x140: {  	v1 =	vadd.s32 v2, v1;
	v2 =	vshrl.u32 v3, $0x1;
	v3 =	vadd.s32 $0x6C2, v0  }
0x141: {  	v1 =	vadd.s32 v2, v1  }
0x142: {  	[tilespmem:$0x230] =	vst v1  }
0x143: {  	v1 =	vld.idx.msk [tilespmem:v4+s16+$0x0], $0xffff  }
0x144: {  	v2 =	vld.idx.msk [tilespmem:v5+s16+$0x0], $0xffff  }
0x145: {  	v3 =	vld.idx.msk [tilespmem:v3+s16+$0x0], $0xffff;
	_ =	sdelay $0x2  }
0x146: {  	v4 =	vadd.s32 $0x6F1, v0;
	v1 =	vshll.u32 v1, $0x5  }
0x147: {  	v5 =	vadd.s32 $0x6F0, v0;
	v2 =	vshll.u32 v2, $0xC;
	v1 =	vand.u32 $0xFFFFFFC0, v1  }
0x148: {  	v1 =	vadd.s32 v2, v1;
	v2 =	vshrl.u32 v3, $0x1;
	v3 =	vadd.s32 $0x6F2, v0  }
0x149: {  	v1 =	vadd.s32 v2, v1  }
0x14a: {  	[tilespmem:$0x240] =	vst v1  }
0x14b: {  	v1 =	vld.idx.msk [tilespmem:v4+s16+$0x0], $0xffff  }
0x14c: {  	v2 =	vld.idx.msk [tilespmem:v5+s16+$0x0], $0xffff  }
0x14d: {  	v3 =	vld.idx.msk [tilespmem:v3+s16+$0x0], $0xffff;
	_ =	sdelay $0x2  }
0x14e: {  	v4 =	vadd.s32 $0x721, v0;
	v1 =	vshll.u32 v1, $0x5  }
0x14f: {  	v5 =	vadd.s32 $0x720, v0;
	v2 =	vshll.u32 v2, $0xC;
	v1 =	vand.u32 $0xFFFFFFC0, v1  }
0x150: {  	v1 =	vadd.s32 v2, v1;
	v2 =	vshrl.u32 v3, $0x1;
	v3 =	vadd.s32 $0x722, v0  }
0x151: {  	v1 =	vadd.s32 v2, v1  }
0x152: {  	[tilespmem:$0x250] =	vst v1  }
0x153: {  	v1 =	vld.idx.msk [tilespmem:v4+s16+$0x0], $0xffff  }
0x154: {  	v2 =	vld.idx.msk [tilespmem:v5+s16+$0x0], $0xffff  }
0x155: {  	v3 =	vld.idx.msk [tilespmem:v3+s16+$0x0], $0xffff;
	_ =	sdelay $0x2  }
0x156: {  	v4 =	vadd.s32 $0x751, v0;
	v1 =	vshll.u32 v1, $0x5  }
0x157: {  	v5 =	vadd.s32 $0x750, v0;
	v2 =	vshll.u32 v2, $0xC;
	v1 =	vand.u32 $0xFFFFFFC0, v1  }
0x158: {  	v1 =	vadd.s32 v2, v1;
	v2 =	vshrl.u32 v3, $0x1;
	v3 =	vadd.s32 $0x752, v0  }
0x159: {  	v1 =	vadd.s32 v2, v1  }
0x15a: {  	[tilespmem:$0x260] =	vst v1  }
0x15b: {  	v1 =	vld.idx.msk [tilespmem:v4+s16+$0x0], $0xffff  }
0x15c: {  	v2 =	vld.idx.msk [tilespmem:v5+s16+$0x0], $0xffff  }
0x15d: {  	v3 =	vld.idx.msk [tilespmem:v3+s16+$0x0], $0xffff;
	_ =	sdelay $0x2  }
0x15e: {  	v1 =	vshll.u32 v1, $0x5  }
0x15f: {  	v2 =	vshll.u32 v2, $0xC;
	v1 =	vand.u32 $0xFFFFFFC0, v1  }
0x160: {  	v1 =	vadd.s32 v2, v1;
	v2 =	vshrl.u32 v3, $0x1  }
0x161: {  	v1 =	vadd.s32 v2, v1  }
0x162: {  	[tilespmem:$0x270] =	vst v1  }
0x163: {  	_ =	swait.ge [sflag:s19], $0x2080  }
0x164: {  	[sflag:s19] =	ssyncset.done $0x0  }
0x165: {  	[sflag:s19] =	ssyncadd.s32 $0xFFFFDF80  }
0x166: {  	[bflag:$0x0] =	sbarrier.arrive $0xFFFF  }
0x167: {  	[tilespmem:s20], [sflag:$0x4] =	stream.linear.gather [hbm4b:s9+s4], $0x4000, $0x38;
	[tilespmem:$0x18E00] =	vst v63  }
0x168: {  	_ =	swait.ge [sflag:s21], $0x4000  }
0x169: {  	[sflag:s21] =	ssyncset.done $0x0  }
0x16a: {  	[sflag:s21] =	ssyncadd.s32 $0xFFFFC000  }
0x16b: {  	[spmem:s3] =	stream.indirect.scatter.add.f32 [tilespmem:s17], [sflag:$0x5], $0x80, s4, s22, $0xb8;
	[tilespmem:$0x18E00] =	vst v63  }
0x16c: {  	_ =	swait.ge [sflag:s23], $0x4000  }
0x16d: {  	[sflag:s23] =	ssyncset.done $0x0  }
0x16e: {  	[sflag:s23] =	ssyncadd.s32 $0xFFFFC000  }
0x16f: {  	[tilespmem:s17], [sflag:$0x3] =	stream.linear.gather [hbm4b:s10+s4], $0x4000, $0x38;
	[tilespmem:$0x18E00] =	vst v63  }
0x170: {  	_ =	swait.ge [sflag:s24], $0x4000  }
0x171: {  	[sflag:s24] =	ssyncset.done $0x0  }
0x172: {  	[sflag:s24] =	ssyncadd.s32 $0xFFFFC000  }
0x173: {  	[spmem:s3] =	stream.indirect.scatter.add.f32 [tilespmem:s20], [sflag:$0x5], $0x80, s22, s22, $0xb8;
	[tilespmem:$0x18E00] =	vst v63  }
0x174: {  	_ =	swait.ge [sflag:s23], $0x4000  }
0x175: {  	[sflag:s23] =	ssyncset.done $0x0  }
0x176: {  	[sflag:s23] =	ssyncadd.s32 $0xFFFFC000  }
0x177: {  	[tilespmem:s20], [sflag:$0x4] =	stream.linear.gather [hbm4b:s11+s4], $0x4000, $0x38;
	[tilespmem:$0x18E00] =	vst v63  }
0x178: {  	_ =	swait.ge [sflag:s21], $0x4000  }
0x179: {  	[sflag:s21] =	ssyncset.done $0x0  }
0x17a: {  	[sflag:s21] =	ssyncadd.s32 $0xFFFFC000  }
0x17b: {  	[spmem:s3] =	stream.indirect.scatter.add.f32 [tilespmem:s17], [sflag:$0x5], $0x80, s26, s22, $0xb8;
	[tilespmem:$0x18E00] =	vst v63  }
0x17c: {  	_ =	swait.ge [sflag:s23], $0x4000  }
0x17d: {  	[sflag:s23] =	ssyncset.done $0x0  }
0x17e: {  	[sflag:s23] =	ssyncadd.s32 $0xFFFFC000  }
0x17f: {  	[tilespmem:s17], [sflag:$0x3] =	stream.linear.gather [hbm4b:s12+s4], $0x4000, $0x38;
	[tilespmem:$0x18E00] =	vst v63  }
0x180: {  	_ =	swait.ge [sflag:s24], $0x4000  }
0x181: {  	[sflag:s24] =	ssyncset.done $0x0  }
0x182: {  	[sflag:s24] =	ssyncadd.s32 $0xFFFFC000  }
0x183: {  	[spmem:s3] =	stream.indirect.scatter.add.f32 [tilespmem:s20], [sflag:$0x5], $0x80, s28, s22, $0xb8;
	[tilespmem:$0x18E00] =	vst v63  }
0x184: {  	_ =	swait.ge [sflag:s23], $0x4000  }
0x185: {  	[sflag:s23] =	ssyncset.done $0x0  }
0x186: {  	[sflag:s23] =	ssyncadd.s32 $0xFFFFC000  }
0x187: {  	_ =	swait.ge [sflag:s21], $0x4000  }
0x188: {  	[sflag:s21] =	ssyncset.done $0x0  }
0x189: {  	[sflag:s21] =	ssyncadd.s32 $0xFFFFC000  }
0x18a: {  	[spmem:s3] =	stream.indirect.scatter.add.f32 [tilespmem:s17], [sflag:$0x5], $0x80, s29, s22, $0xb8;
	[tilespmem:$0x18E00] =	vst v63  }
0x18b: {  	_ =	swait.ge [sflag:s23], $0x4000  }
0x18c: {  	[sflag:s23] =	ssyncset.done $0x0  }
0x18d: {  	p0 =	sne.s32 s14, $0x1;
	[sflag:s23] =	ssyncadd.s32 $0xFFFFC000  }
.Ltmp0:
0x18e: {  	s30 =	sor.u32 $0x1C05, s5;
	[bflag:$0x0] =	sbarrier.arrive $0xFFFF;
	(pc) =	sbr.rel @p0 .LBB2_1-.Ltmp0, $4  }
0x18f: {  	[hbm:s13], [sflag:s30] =	dma.local [spmem:s25], $0x2000  }
0x190: {  	_ =	swait.ge [sflag:s23], $0x2000  }
0x191: {  	[sflag:s23] =	ssyncset.done $0x0  }
0x192: {  	s14 =	sadd.s32 $0xFFFFFFFF, s14;
	[sflag:s23] =	ssyncadd.s32 $0xFFFFE000  }
0x193: {  	_ =	sfence.sel $0x180000  }
0x194: {  	[bflag:$0x0] =	sbarrier.arrive $0xFFFF  }
0x195: {  	p0 =	sne.s32 s0, $0x0;
	_ =	strace $0x90000047  }
0x196: {  	s0 =	sadd.s32 @!p0 $0x100000, s2;
	[bflag:$0x2] =	sbarrier.arrive $0xFFFF  }
0x197: {  	[sflag:s0] =	ssyncadd.tile.s32 @!p0 $0x1;
	_ =	shalt  }
.Lfunc_end2:
_tile_overlayer_lowered:
.L_overlay_start_2:
0x198: {  	(tag) =	ssettag $0x2  }
0x199: {  	s0 =	rddreg [dreg:$0x0];
	s2 =	stileid.u32  }
0x19a: {  	s1 =	rddreg [dreg:$0x1];
	p0 =	sne.s32 s2, $0x0  }
0x19b: {  	s3 =	rddreg [dreg:$0x2];
	[bflag:$0x3] =	sbarrier.arrive $0xFFFF;
	s2 =	simm.s32 @!p0 $0x1C05  }
0x19c: {  	[timem:s3], [sflag:s2] =	dma.local @!p0 [hbm:s0], s1  }
0x19d: {  	s0 =	simm.s32 @!p0 $0x5  }
0x19e: {  	_ =	swait.ge @!p0 [sflag:s0], s1  }
0x19f: {  	s1 =	ssub.s32 @!p0 $0x0, s1;
	[sflag:s0] =	ssyncset.done @!p0 $0x0  }
0x1a0: {  	[sflag:s0] =	ssyncadd.s32 @!p0 s1  }
0x1a1: {  	[bflag:$0x3] =	sbarrier.arrive $0xFFFF  }
0x1a2: {  	_ =	shalt  }

</sc_bundles>
